<compile_context>
chip_gen: v7x
topology: tpu7x:2x2x1
jax: 0.10.2.dev20260603
libtpu: 0.0.44.dev20260713+nightly
codegen_flags: <defaults>
</compile_context>

<pallas_src>
import functools

import jax
import jax.numpy as jnp
from jax import lax
from jax.experimental import pallas as pl
from jax.experimental.pallas import tpu as pltpu
from jax.experimental.pallas import tpu_sc as plsc

N = 10000
E = 320000
D_IN = 128
HID = 64
D_OUT = 64

NC = 2
NS = 16
NW = NC * NS
CH = 128
NCHUNK = E // CH
C = 80
NROWS = 10112
NDUMP = NROWS - N
STRIPE = NROWS // NS
NBUF = 8
PREF = 4
B_TC = 1000

_mesh = plsc.VectorSubcoreMesh(core_axis_name="c", subcore_axis_name="s")


def _stage_edges(ei_hbm, idx_v, wid):
    base = 78 * wid + jnp.minimum(wid, 4)
    pltpu.sync_copy(ei_hbm.at[pl.ds(base, 78)], idx_v.at[pl.ds(0, 78)])

    @pl.when(wid < 4)
    def _real_79th():
        pltpu.sync_copy(ei_hbm.at[pl.ds(base + 78, 1)], idx_v.at[pl.ds(78, 1)])

    lanes = lax.iota(jnp.int32, 16)
    for k in range(CH // 16):
        src_fill = (lanes + 16 * k) % N
        dst_fill = N + ((lanes + 16 * k) % NDUMP)
        idx_v[79, 0, pl.ds(16 * k, 16)] = src_fill
        idx_v[79, 1, pl.ds(16 * k, 16)] = dst_fill

        @pl.when(wid >= 4)
        def _fill_78():
            idx_v[78, 0, pl.ds(16 * k, 16)] = src_fill
            idx_v[78, 1, pl.ds(16 * k, 16)] = dst_fill


@functools.partial(
    pl.kernel,
    out_type=jax.ShapeDtypeStruct((NW, NROWS), jnp.float32),
    mesh=_mesh,
    scratch_types=[
        pltpu.VMEM((C * 2 * CH,), jnp.int32),
        pltpu.VMEM((NROWS,), jnp.float32),
    ],
    compiler_params=pltpu.CompilerParams(
        use_tc_tiling_on_sc=False, needs_layout_passes=False),
)
def _degree_kernel(ei_hbm, out_hbm, ei_v, hist_v):
    cid = lax.axis_index("c")
    sid = lax.axis_index("s")
    wid = cid * NS + sid
    base = 78 * wid + jnp.minimum(wid, 4)
    pltpu.sync_copy(ei_hbm.at[pl.ds(base * 2 * CH, 78 * 2 * CH)],
                    ei_v.at[pl.ds(0, 78 * 2 * CH)])

    @pl.when(wid < 4)
    def _real_79th():
        pltpu.sync_copy(ei_hbm.at[pl.ds((base + 78) * 2 * CH, 2 * CH)],
                        ei_v.at[pl.ds(78 * 2 * CH, 2 * CH)])

    lanes = lax.iota(jnp.int32, 16)
    for k in range(CH // 16):
        dst_fill = N + ((lanes + 16 * k) % NDUMP)
        ei_v[pl.ds(79 * 2 * CH + CH + 16 * k, 16)] = dst_fill

        @pl.when(wid >= 4)
        def _fill_78():
            ei_v[pl.ds(78 * 2 * CH + CH + 16 * k, 16)] = dst_fill

    zeros = jnp.zeros((16,), jnp.float32)

    @pl.loop(0, NROWS // 16)
    def _zero(j):
        hist_v[pl.ds(16 * j, 16)] = zeros

    ones = jnp.ones((16,), jnp.float32)

    @pl.loop(0, C)
    def _edge_chunk(j):
        for k in range(CH // 16):
            idx = ei_v[pl.ds(j * 2 * CH + CH + 16 * k, 16)]
            plsc.addupdate_scatter(hist_v, [idx], ones)

    pltpu.sync_copy(hist_v, out_hbm.at[wid])


@functools.partial(
    pl.kernel,
    out_type=jax.ShapeDtypeStruct((NC, NROWS, HID), jnp.float32),
    mesh=_mesh,
    scratch_types=[
        pltpu.VMEM((C, 2, CH), jnp.int32),
        pltpu.VMEM((NBUF, CH, HID), jnp.float32),
        pltpu.VMEM_SHARED((NROWS, HID), jnp.float32),
        pltpu.SemaphoreType.DMA((NBUF,)),
        pltpu.SemaphoreType.DMA((NBUF,)),
    ],
    compiler_params=pltpu.CompilerParams(use_tc_tiling_on_sc=False),
)
def _scatter_kernel(g_hbm, ei_hbm, zblk_hbm, out_hbm,
                    ei_v, rows_v, agg_sh, sem_g, sem_s):
    cid = lax.axis_index("c")
    sid = lax.axis_index("s")
    wid = cid * NS + sid
    pltpu.sync_copy(zblk_hbm, agg_sh.at[pl.ds(sid * STRIPE, STRIPE)])
    _stage_edges(ei_hbm, ei_v, wid)
    plsc.subcore_barrier()

    def _gather(k, b):
        pltpu.async_copy(g_hbm.at[ei_v.at[k, 0]], rows_v.at[b], sem_g.at[b])

    def _gather_wait(k, b):
        pltpu.make_async_copy(
            g_hbm.at[ei_v.at[k, 0]], rows_v.at[b], sem_g.at[b]
        ).wait()

    def _scatter(k, b):
        pltpu.async_copy(rows_v.at[b], agg_sh.at[ei_v.at[k, 1]], sem_s.at[b],
                         add=True)

    def _scatter_wait(k, b):
        pltpu.make_async_copy(
            rows_v.at[b], agg_sh.at[ei_v.at[k, 1]], sem_s.at[b]
        ).wait()

    for b in range(PREF):
        _gather(b, b)

    @pl.loop(0, C, step=NBUF)
    def _chunk(j):
        for bb in range(NBUF):
            k = j + bb
            _gather_wait(k, bb)
            _scatter(k, bb)
            b2 = (bb + PREF) % NBUF
            k2 = k + PREF

            @pl.when(k2 < C)
            def _prefetch():
                @pl.when(k2 >= NBUF)
                def _free_buf():
                    _scatter_wait(k2 - NBUF, b2)
                _gather(k2, b2)

    for bb in range(NBUF):
        _scatter_wait(C - NBUF + bb, bb)

    plsc.subcore_barrier()
    pltpu.sync_copy(
        agg_sh.at[pl.ds(sid * STRIPE, STRIPE)],
        out_hbm.at[cid].at[pl.ds(sid * STRIPE, STRIPE)],
    )


def _matmul(x, W1):
    def body(x_ref, w_ref, h_ref):
        h_ref[...] = lax.dot_general(
            x_ref[...], w_ref[...], (((1,), (0,)), ((), ())),
            preferred_element_type=jnp.float32,
        )

    return pl.pallas_call(
        body,
        grid=(N // B_TC,),
        in_specs=[
            pl.BlockSpec((B_TC, D_IN), lambda i: (i, 0)),
            pl.BlockSpec((D_IN, HID), lambda i: (0, 0)),
        ],
        out_specs=pl.BlockSpec((B_TC, HID), lambda i: (i, 0)),
        out_shape=jax.ShapeDtypeStruct((N, HID), jnp.float32),
    )(x, W1)


def _dis_column(ht_ref):
    ht = lax.transpose(ht_ref[...], (1, 0))
    deg = jnp.sum(ht, axis=1, keepdims=True)[:N] + 1.0
    return lax.rsqrt(deg)


def _scale(h, hist):
    def body(h_ref, ht_ref, g_ref):
        g_ref[...] = h_ref[...] * _dis_column(ht_ref)

    return pl.pallas_call(
        body,
        out_shape=jax.ShapeDtypeStruct((N, HID), jnp.float32),
    )(h, hist)


def _finish(agg, g, hist, b1, W2, b2):
    def body(a_ref, g_ref, ht_ref, b1_ref, w2_ref, b2_ref, out_ref, emb_ref):
        dis = _dis_column(ht_ref)
        s = (a_ref[0, :N] + a_ref[1, :N] + g_ref[...]) * dis + b1_ref[...]
        emb_t = lax.transpose(jnp.maximum(s, 0.0), (1, 0))
        emb_ref[...] = emb_t
        out_ref[...] = lax.dot_general(
            w2_ref[...], emb_t, (((0,), (0,)), ((), ())),
            preferred_element_type=jnp.float32,
        ) + b2_ref[...]

    return pl.pallas_call(
        body,
        out_shape=[
            jax.ShapeDtypeStruct((D_OUT, N), jnp.float32),
            jax.ShapeDtypeStruct((HID, N), jnp.float32),
        ],
    )(agg, g, hist, b1, W2, b2)


def kernel(x, edge_index, W1, b1, W2, b2):
    ei3 = edge_index.reshape(2, NCHUNK, CH).transpose(1, 0, 2)
    zblk = jnp.zeros((STRIPE, HID), jnp.float32)

    hist = _degree_kernel(ei3.reshape(-1))
    h = _matmul(x, W1)
    g = _scale(h, hist)
    agg = _scatter_kernel(g, ei3, zblk)
    out_t, emb_t = _finish(agg, g, hist,
                           b1.reshape(1, HID), W2, b2.reshape(D_OUT, 1))
    return out_t.T, emb_t.T

# --- scband reference (transcript-rebuilt; emitter-appended) ---
"""Pipeline reference for scband-gcn-23227183137275 (READ-ONLY COPY).

The authoritative reference and input builder live on the scoring server;
editing this copy changes nothing except your own understanding.
"""

import jax, jax.numpy as jnp
import numpy as np

N = 10000
E = 320000
D_IN = 128
HID = 64
D_OUT = 64


def setup_inputs(seed: int = 0) -> dict:
    key = jax.random.key(seed)
    ks = jax.random.split(key, 6)
    x = jax.random.normal(ks[0], (N, D_IN), dtype=jnp.float32)
    edge_index = jax.random.randint(ks[1], (2, E), 0, N, dtype=jnp.int32)
    # GCNConv(128 -> 64) parameters (glorot-like scale)
    W1 = jax.random.normal(ks[2], (D_IN, HID), dtype=jnp.float32) * (1.0 / np.sqrt(D_IN))
    b1 = jnp.zeros((HID,), dtype=jnp.float32)
    # fc2: Linear(64 -> 64)
    W2 = jax.random.normal(ks[3], (HID, D_OUT), dtype=jnp.float32) * (1.0 / np.sqrt(HID))
    b2 = jnp.zeros((D_OUT,), dtype=jnp.float32)
    return {"x": x, "edge_index": edge_index, "W1": W1, "b1": b1, "W2": W2, "b2": b2}


def gcn_conv(x, edge_index, W, b):
    # Faithful PyG GCNConv: linear transform, add self-loops,
    # symmetric D^{-1/2} (A+I) D^{-1/2} normalization, scatter-add aggregation.
    src = edge_index[0]
    dst = edge_index[1]
    loop = jnp.arange(N, dtype=src.dtype)
    src = jnp.concatenate([src, loop])
    dst = jnp.concatenate([dst, loop])
    h = x @ W
    deg = jnp.zeros((N,), dtype=jnp.float32).at[dst].add(1.0)
    deg_inv_sqrt = jnp.where(deg > 0, jax.lax.rsqrt(jnp.maximum(deg, 1e-12)), 0.0)
    norm = deg_inv_sqrt[src] * deg_inv_sqrt[dst]
    msg = h[src] * norm[:, None]
    out = jnp.zeros((N, h.shape[1]), dtype=jnp.float32).at[dst].add(msg)
    return out + b


def reference(x, edge_index, W1, b1, W2, b2):
    # hops == 1 branch for dataset 'Reddit2': conv1 = GCNConv(features_in, 64)
    h = jax.nn.relu(gcn_conv(x, edge_index, W1, b1))
    emb = jax.lax.stop_gradient(h)  # x.clone().detach()
    out = h @ W2 + b2               # fc2
    return (out, emb)

if __name__ == "__main__":
    import jax
    _d = setup_inputs()
    print(jax.jit(kernel)(*tuple(_d.values())))

</pallas_src>

<mosaic_0001>
#map = affine_map<(d0, d1) -> (0, 0)>
#map1 = affine_map<(d0, d1) -> (0, 0, 0)>
module attributes {stable_mosaic.version = 14 : i64} {
  func.func @_scatter_kernel(%arg0: i32, %arg1: i32, %arg2: memref<10000x64xf32, #tpu.memory_space<hbm>>, %arg3: memref<2500x2x128xi32, #tpu.memory_space<hbm>>, %arg4: memref<632x64xf32, #tpu.memory_space<hbm>>, %arg5: memref<2x10112x64xf32, #tpu.memory_space<hbm>>, %arg6: memref<80x2x128xi32, #tpu.memory_space<vmem>>, %arg7: memref<8x128x64xf32, #tpu.memory_space<vmem>>, %arg8: memref<10112x64xf32, #tpu.memory_space<vmem_shared>>, %arg9: memref<8x!tpu.dma_semaphore, #tpu.memory_space<semaphore_mem>>, %arg10: memref<8x!tpu.dma_semaphore, #tpu.memory_space<semaphore_mem>>) attributes {dimension_semantics = [#tpu.dimension_semantics<core_parallel>, #tpu.dimension_semantics<subcore_parallel>], iteration_bounds = array<i64: 2, 16>, scalar_prefetch = 0 : i64, scratch_operands = 5 : i64, tpu.core_type = #tpu.core_type<sc_vector_subcore>, window_params = [{transform_indices = #map}, {transform_indices = #map1}, {transform_indices = #map}, {transform_indices = #map1}]} {
    %mul3A = arith.constant 16 : i32
    %mul3A_0 = arith.muli %arg0, %mul3A : i32
    %add3A = arith.addi %mul3A_0, %arg1 : i32
    %mul3A_1 = arith.constant 632 : i32
    %mul3A_2 = arith.muli %arg1, %mul3A_1 : i32
    "tpu.region"() ({
      %run_scoped3A = tpu.sem_alloc : memref<!tpu.dma_semaphore, #tpu.memory_space<semaphore_mem>>
      %dma_start3A_792 = arith.constant 0 : i32
      %dma_start3A_793 = tpu.memref_slice %arg8[%mul3A_2, %dma_start3A_792] : memref<10112x64xf32, #tpu.memory_space<vmem_shared>> -> memref<632x64xf32, #tpu.memory_space<vmem_shared>>
      tpu.enqueue_dma source(%arg4 : memref<632x64xf32, #tpu.memory_space<hbm>>) target(%dma_start3A_793 : memref<632x64xf32, #tpu.memory_space<vmem_shared>>) target_semaphore(%run_scoped3A : memref<!tpu.dma_semaphore, #tpu.memory_space<semaphore_mem>>)
      %dma_wait3A_794 = arith.constant 0 : i32
      %dma_wait3A_795 = tpu.memref_slice %arg8[%mul3A_2, %dma_wait3A_794] : memref<10112x64xf32, #tpu.memory_space<vmem_shared>> -> memref<632x64xf32, #tpu.memory_space<vmem_shared>>
      tpu.wait_dma2 semaphore(%run_scoped3A : memref<!tpu.dma_semaphore, #tpu.memory_space<semaphore_mem>>) src(%arg4 : memref<632x64xf32, #tpu.memory_space<hbm>>) dst(%dma_wait3A_795 : memref<632x64xf32, #tpu.memory_space<vmem_shared>>)
      tpu.yield
    }) : () -> ()
    %mul3A_3 = arith.constant 78 : i32
    %mul3A_4 = arith.muli %mul3A_3, %add3A : i32
    %min3A = arith.constant 4 : i32
    %min3A_5 = arith.minsi %add3A, %min3A : i32
    %add3A_6 = arith.addi %mul3A_4, %min3A_5 : i32
    "tpu.region"() ({
      %run_scoped3A = tpu.sem_alloc : memref<!tpu.dma_semaphore, #tpu.memory_space<semaphore_mem>>
      %dma_start3A_792 = arith.constant 0 : i32
      %dma_start3A_793 = arith.constant 0 : i32
      %dma_start3A_794 = arith.constant 0 : i32
      %dma_start3A_795 = tpu.memref_slice %arg6[%dma_start3A_792, %dma_start3A_793, %dma_start3A_794] : memref<80x2x128xi32, #tpu.memory_space<vmem>> -> memref<78x2x128xi32, #tpu.memory_space<vmem>>
      %dma_start3A_796 = arith.constant 0 : i32
      %dma_start3A_797 = arith.constant 0 : i32
      %dma_start3A_798 = tpu.memref_slice %arg3[%add3A_6, %dma_start3A_796, %dma_start3A_797] : memref<2500x2x128xi32, #tpu.memory_space<hbm>> -> memref<78x2x128xi32, #tpu.memory_space<hbm>>
      %dma_start3A_799 = arith.constant 0 : i32
      %dma_start3A_800 = arith.constant 0 : i32
      %dma_start3A_801 = arith.constant 0 : i32
      %dma_start3A_802 = tpu.memref_slice %arg6[%dma_start3A_799, %dma_start3A_800, %dma_start3A_801] : memref<80x2x128xi32, #tpu.memory_space<vmem>> -> memref<78x2x128xi32, #tpu.memory_space<vmem>>
      %dma_start3A_803 = arith.constant 0 : i32
      %dma_start3A_804 = arith.constant 0 : i32
      %dma_start3A_805 = tpu.memref_slice %arg3[%add3A_6, %dma_start3A_803, %dma_start3A_804] : memref<2500x2x128xi32, #tpu.memory_space<hbm>> -> memref<78x2x128xi32, #tpu.memory_space<hbm>>
      tpu.enqueue_dma source(%dma_start3A_805 : memref<78x2x128xi32, #tpu.memory_space<hbm>>) target(%dma_start3A_802 : memref<78x2x128xi32, #tpu.memory_space<vmem>>) target_semaphore(%run_scoped3A : memref<!tpu.dma_semaphore, #tpu.memory_space<semaphore_mem>>)
      %dma_wait3A_806 = arith.constant 0 : i32
      %dma_wait3A_807 = arith.constant 0 : i32
      %dma_wait3A_808 = arith.constant 0 : i32
      %dma_wait3A_809 = tpu.memref_slice %arg6[%dma_wait3A_806, %dma_wait3A_807, %dma_wait3A_808] : memref<80x2x128xi32, #tpu.memory_space<vmem>> -> memref<78x2x128xi32, #tpu.memory_space<vmem>>
      %dma_wait3A_810 = arith.constant 0 : i32
      %dma_wait3A_811 = arith.constant 0 : i32
      %dma_wait3A_812 = tpu.memref_slice %arg3[%add3A_6, %dma_wait3A_810, %dma_wait3A_811] : memref<2500x2x128xi32, #tpu.memory_space<hbm>> -> memref<78x2x128xi32, #tpu.memory_space<hbm>>
      %dma_wait3A_813 = arith.constant 0 : i32
      %dma_wait3A_814 = arith.constant 0 : i32
      %dma_wait3A_815 = arith.constant 0 : i32
      %dma_wait3A_816 = tpu.memref_slice %arg6[%dma_wait3A_813, %dma_wait3A_814, %dma_wait3A_815] : memref<80x2x128xi32, #tpu.memory_space<vmem>> -> memref<78x2x128xi32, #tpu.memory_space<vmem>>
      %dma_wait3A_817 = arith.constant 0 : i32
      %dma_wait3A_818 = arith.constant 0 : i32
      %dma_wait3A_819 = tpu.memref_slice %arg3[%add3A_6, %dma_wait3A_817, %dma_wait3A_818] : memref<2500x2x128xi32, #tpu.memory_space<hbm>> -> memref<78x2x128xi32, #tpu.memory_space<hbm>>
      tpu.wait_dma2 semaphore(%run_scoped3A : memref<!tpu.dma_semaphore, #tpu.memory_space<semaphore_mem>>) src(%dma_wait3A_819 : memref<78x2x128xi32, #tpu.memory_space<hbm>>) dst(%dma_wait3A_816 : memref<78x2x128xi32, #tpu.memory_space<vmem>>)
      tpu.yield
    }) : () -> ()
    %lt3A = arith.constant 4 : i32
    %lt3A_7 = arith.cmpi slt, %add3A, %lt3A : i32
    %convert_element_type3A = arith.extui %lt3A_7 : i1 to i32
    %cond3A = arith.constant 0 : i32
    %cond3A_8 = arith.cmpi ne, %convert_element_type3A, %cond3A : i32
    scf.if %cond3A_8 {
      %add3A_792 = arith.constant 78 : i32
      %add3A_793 = arith.addi %add3A_6, %add3A_792 : i32
      "tpu.region"() ({
        %run_scoped3A = tpu.sem_alloc : memref<!tpu.dma_semaphore, #tpu.memory_space<semaphore_mem>>
        %dma_start3A_794 = arith.constant 78 : i32
        %dma_start3A_795 = arith.constant 0 : i32
        %dma_start3A_796 = arith.constant 0 : i32
        %dma_start3A_797 = tpu.memref_slice %arg6[%dma_start3A_794, %dma_start3A_795, %dma_start3A_796] : memref<80x2x128xi32, #tpu.memory_space<vmem>> -> memref<1x2x128xi32, #tpu.memory_space<vmem>>
        %dma_start3A_798 = arith.constant 0 : i32
        %dma_start3A_799 = arith.constant 0 : i32
        %dma_start3A_800 = tpu.memref_slice %arg3[%add3A_793, %dma_start3A_798, %dma_start3A_799] : memref<2500x2x128xi32, #tpu.memory_space<hbm>> -> memref<1x2x128xi32, #tpu.memory_space<hbm>>
        %dma_start3A_801 = arith.constant 78 : i32
        %dma_start3A_802 = arith.constant 0 : i32
        %dma_start3A_803 = arith.constant 0 : i32
        %dma_start3A_804 = tpu.memref_slice %arg6[%dma_start3A_801, %dma_start3A_802, %dma_start3A_803] : memref<80x2x128xi32, #tpu.memory_space<vmem>> -> memref<1x2x128xi32, #tpu.memory_space<vmem>>
        %dma_start3A_805 = arith.constant 0 : i32
        %dma_start3A_806 = arith.constant 0 : i32
        %dma_start3A_807 = tpu.memref_slice %arg3[%add3A_793, %dma_start3A_805, %dma_start3A_806] : memref<2500x2x128xi32, #tpu.memory_space<hbm>> -> memref<1x2x128xi32, #tpu.memory_space<hbm>>
        tpu.enqueue_dma source(%dma_start3A_807 : memref<1x2x128xi32, #tpu.memory_space<hbm>>) target(%dma_start3A_804 : memref<1x2x128xi32, #tpu.memory_space<vmem>>) target_semaphore(%run_scoped3A : memref<!tpu.dma_semaphore, #tpu.memory_space<semaphore_mem>>)
        %dma_wait3A_808 = arith.constant 78 : i32
        %dma_wait3A_809 = arith.constant 0 : i32
        %dma_wait3A_810 = arith.constant 0 : i32
        %dma_wait3A_811 = tpu.memref_slice %arg6[%dma_wait3A_808, %dma_wait3A_809, %dma_wait3A_810] : memref<80x2x128xi32, #tpu.memory_space<vmem>> -> memref<1x2x128xi32, #tpu.memory_space<vmem>>
        %dma_wait3A_812 = arith.constant 0 : i32
        %dma_wait3A_813 = arith.constant 0 : i32
        %dma_wait3A_814 = tpu.memref_slice %arg3[%add3A_793, %dma_wait3A_812, %dma_wait3A_813] : memref<2500x2x128xi32, #tpu.memory_space<hbm>> -> memref<1x2x128xi32, #tpu.memory_space<hbm>>
        %dma_wait3A_815 = arith.constant 78 : i32
        %dma_wait3A_816 = arith.constant 0 : i32
        %dma_wait3A_817 = arith.constant 0 : i32
        %dma_wait3A_818 = tpu.memref_slice %arg6[%dma_wait3A_815, %dma_wait3A_816, %dma_wait3A_817] : memref<80x2x128xi32, #tpu.memory_space<vmem>> -> memref<1x2x128xi32, #tpu.memory_space<vmem>>
        %dma_wait3A_819 = arith.constant 0 : i32
        %dma_wait3A_820 = arith.constant 0 : i32
        %dma_wait3A_821 = tpu.memref_slice %arg3[%add3A_793, %dma_wait3A_819, %dma_wait3A_820] : memref<2500x2x128xi32, #tpu.memory_space<hbm>> -> memref<1x2x128xi32, #tpu.memory_space<hbm>>
        tpu.wait_dma2 semaphore(%run_scoped3A : memref<!tpu.dma_semaphore, #tpu.memory_space<semaphore_mem>>) src(%dma_wait3A_821 : memref<1x2x128xi32, #tpu.memory_space<hbm>>) dst(%dma_wait3A_818 : memref<1x2x128xi32, #tpu.memory_space<vmem>>)
        tpu.yield
      }) : () -> ()
    } else {
    }
    %iota3A = tpu.iota {dimensions = array<i32: 0>} : vector<16xi32>
    %add3A_9 = arith.constant 0 : i32
    %add3A_10 = vector.broadcast %add3A_9 : i32 to vector<16xi32>
    %add3A_11 = arith.addi %iota3A, %add3A_10 : vector<16xi32>
    %jit3A = arith.constant 10000 : i32
    %eq3A = arith.constant 0 : i32
    %eq3A_12 = arith.cmpi eq, %jit3A, %eq3A : i32
    %jit3A_13 = arith.constant 1 : i32
    %select_n3A = arith.select %eq3A_12, %jit3A_13, %jit3A : i32
    %rem3A = vector.broadcast %select_n3A : i32 to vector<16xi32>
    %rem3A_14 = arith.remsi %add3A_11, %rem3A : vector<16xi32>
    %ne3A = arith.constant 0 : i32
    %ne3A_15 = vector.broadcast %ne3A : i32 to vector<16xi32>
    %ne3A_16 = arith.cmpi ne, %rem3A_14, %ne3A_15 : vector<16xi32>
    %lt3A_17 = arith.constant 0 : i32
    %lt3A_18 = vector.broadcast %lt3A_17 : i32 to vector<16xi32>
    %lt3A_19 = arith.cmpi slt, %rem3A_14, %lt3A_18 : vector<16xi32>
    %lt3A_20 = arith.constant 0 : i32
    %lt3A_21 = arith.cmpi slt, %select_n3A, %lt3A_20 : i32
    %ne3A_22 = vector.broadcast %lt3A_21 : i1 to vector<16xi1>
    %ne3A_23 = vector.broadcast %ne3A_22 : vector<16xi1> to vector<16xi1>
    %ne3A_24 = arith.xori %lt3A_19, %ne3A_23 : vector<16xi1>
    %and3A = arith.andi %ne3A_24, %ne3A_16 : vector<16xi1>
    %add3A_25 = vector.broadcast %select_n3A : i32 to vector<16xi32>
    %add3A_26 = arith.addi %rem3A_14, %add3A_25 : vector<16xi32>
    %select_n3A_27 = arith.select %and3A, %add3A_26, %rem3A_14 : vector<16xi1>, vector<16xi32>
    %add3A_28 = arith.constant 0 : i32
    %add3A_29 = vector.broadcast %add3A_28 : i32 to vector<16xi32>
    %add3A_30 = arith.addi %iota3A, %add3A_29 : vector<16xi32>
    %jit3A_31 = arith.constant 112 : i32
    %eq3A_32 = arith.constant 0 : i32
    %eq3A_33 = arith.cmpi eq, %jit3A_31, %eq3A_32 : i32
    %jit3A_34 = arith.constant 1 : i32
    %select_n3A_35 = arith.select %eq3A_33, %jit3A_34, %jit3A_31 : i32
    %rem3A_36 = vector.broadcast %select_n3A_35 : i32 to vector<16xi32>
    %rem3A_37 = arith.remsi %add3A_30, %rem3A_36 : vector<16xi32>
    %ne3A_38 = arith.constant 0 : i32
    %ne3A_39 = vector.broadcast %ne3A_38 : i32 to vector<16xi32>
    %ne3A_40 = arith.cmpi ne, %rem3A_37, %ne3A_39 : vector<16xi32>
    %lt3A_41 = arith.constant 0 : i32
    %lt3A_42 = vector.broadcast %lt3A_41 : i32 to vector<16xi32>
    %lt3A_43 = arith.cmpi slt, %rem3A_37, %lt3A_42 : vector<16xi32>
    %lt3A_44 = arith.constant 0 : i32
    %lt3A_45 = arith.cmpi slt, %select_n3A_35, %lt3A_44 : i32
    %ne3A_46 = vector.broadcast %lt3A_45 : i1 to vector<16xi1>
    %ne3A_47 = vector.broadcast %ne3A_46 : vector<16xi1> to vector<16xi1>
    %ne3A_48 = arith.xori %lt3A_43, %ne3A_47 : vector<16xi1>
    %and3A_49 = arith.andi %ne3A_48, %ne3A_40 : vector<16xi1>
    %add3A_50 = vector.broadcast %select_n3A_35 : i32 to vector<16xi32>
    %add3A_51 = arith.addi %rem3A_37, %add3A_50 : vector<16xi32>
    %select_n3A_52 = arith.select %and3A_49, %add3A_51, %rem3A_37 : vector<16xi1>, vector<16xi32>
    %add3A_53 = arith.constant 10000 : i32
    %add3A_54 = vector.broadcast %add3A_53 : i32 to vector<16xi32>
    %add3A_55 = arith.addi %add3A_54, %select_n3A_52 : vector<16xi32>
    %swap3A = arith.constant 79 : i32
    %swap3A_56 = arith.constant 0 : i32
    %swap3A_57 = arith.index_cast %swap3A : i32 to index
    %swap3A_58 = arith.index_cast %swap3A_56 : i32 to index
    %swap3A_59 = arith.constant 0 : index
    %swap3A_60 = tpu.vector_load %arg6[%swap3A_57, %swap3A_58, %swap3A_59] {strides = array<i32>} : memref<80x2x128xi32, #tpu.memory_space<vmem>>, vector<1x1x16xi32>,
    %swap3A_61 = vector.shape_cast %swap3A_60 : vector<1x1x16xi32> to vector<16xi32>
    %swap3A_62 = vector.shape_cast %select_n3A_27 : vector<16xi32> to vector<1x1x16xi32>
    tpu.vector_store %arg6[%swap3A_57, %swap3A_58, %swap3A_59], %swap3A_62 {strides = array<i32>} : memref<80x2x128xi32, #tpu.memory_space<vmem>>, vector<1x1x16xi32>,
    %swap3A_63 = arith.constant 79 : i32
    %swap3A_64 = arith.constant 1 : i32
    %swap3A_65 = arith.index_cast %swap3A_63 : i32 to index
    %swap3A_66 = arith.index_cast %swap3A_64 : i32 to index
    %swap3A_67 = arith.constant 0 : index
    %swap3A_68 = tpu.vector_load %arg6[%swap3A_65, %swap3A_66, %swap3A_67] {strides = array<i32>} : memref<80x2x128xi32, #tpu.memory_space<vmem>>, vector<1x1x16xi32>,
    %swap3A_69 = vector.shape_cast %swap3A_68 : vector<1x1x16xi32> to vector<16xi32>
    %swap3A_70 = vector.shape_cast %add3A_55 : vector<16xi32> to vector<1x1x16xi32>
    tpu.vector_store %arg6[%swap3A_65, %swap3A_66, %swap3A_67], %swap3A_70 {strides = array<i32>} : memref<80x2x128xi32, #tpu.memory_space<vmem>>, vector<1x1x16xi32>,
    %ge3A = arith.constant 4 : i32
    %ge3A_71 = arith.cmpi sge, %add3A, %ge3A : i32
    %convert_element_type3A_72 = arith.extui %ge3A_71 : i1 to i32
    %cond3A_73 = arith.constant 0 : i32
    %cond3A_74 = arith.cmpi ne, %convert_element_type3A_72, %cond3A_73 : i32
    scf.if %cond3A_74 {
      %swap3A_792 = arith.constant 78 : i32
      %swap3A_793 = arith.constant 0 : i32
      %swap3A_794 = arith.index_cast %swap3A_792 : i32 to index
      %swap3A_795 = arith.index_cast %swap3A_793 : i32 to index
      %swap3A_796 = arith.constant 0 : index
      %swap3A_797 = tpu.vector_load %arg6[%swap3A_794, %swap3A_795, %swap3A_796] {strides = array<i32>} : memref<80x2x128xi32, #tpu.memory_space<vmem>>, vector<1x1x16xi32>,
      %swap3A_798 = vector.shape_cast %swap3A_797 : vector<1x1x16xi32> to vector<16xi32>
      %swap3A_799 = vector.shape_cast %select_n3A_27 : vector<16xi32> to vector<1x1x16xi32>
      tpu.vector_store %arg6[%swap3A_794, %swap3A_795, %swap3A_796], %swap3A_799 {strides = array<i32>} : memref<80x2x128xi32, #tpu.memory_space<vmem>>, vector<1x1x16xi32>,
      %swap3A_800 = arith.constant 78 : i32
      %swap3A_801 = arith.constant 1 : i32
      %swap3A_802 = arith.index_cast %swap3A_800 : i32 to index
      %swap3A_803 = arith.index_cast %swap3A_801 : i32 to index
      %swap3A_804 = arith.constant 0 : index
      %swap3A_805 = tpu.vector_load %arg6[%swap3A_802, %swap3A_803, %swap3A_804] {strides = array<i32>} : memref<80x2x128xi32, #tpu.memory_space<vmem>>, vector<1x1x16xi32>,
      %swap3A_806 = vector.shape_cast %swap3A_805 : vector<1x1x16xi32> to vector<16xi32>
      %swap3A_807 = vector.shape_cast %add3A_55 : vector<16xi32> to vector<1x1x16xi32>
      tpu.vector_store %arg6[%swap3A_802, %swap3A_803, %swap3A_804], %swap3A_807 {strides = array<i32>} : memref<80x2x128xi32, #tpu.memory_space<vmem>>, vector<1x1x16xi32>,
    } else {
    }
    %add3A_75 = arith.constant 16 : i32
    %add3A_76 = vector.broadcast %add3A_75 : i32 to vector<16xi32>
    %add3A_77 = arith.addi %iota3A, %add3A_76 : vector<16xi32>
    %jit3A_78 = arith.constant 10000 : i32
    %eq3A_79 = arith.constant 0 : i32
    %eq3A_80 = arith.cmpi eq, %jit3A_78, %eq3A_79 : i32
    %jit3A_81 = arith.constant 1 : i32
    %select_n3A_82 = arith.select %eq3A_80, %jit3A_81, %jit3A_78 : i32
    %rem3A_83 = vector.broadcast %select_n3A_82 : i32 to vector<16xi32>
    %rem3A_84 = arith.remsi %add3A_77, %rem3A_83 : vector<16xi32>
    %ne3A_85 = arith.constant 0 : i32
    %ne3A_86 = vector.broadcast %ne3A_85 : i32 to vector<16xi32>
    %ne3A_87 = arith.cmpi ne, %rem3A_84, %ne3A_86 : vector<16xi32>
    %lt3A_88 = arith.constant 0 : i32
    %lt3A_89 = vector.broadcast %lt3A_88 : i32 to vector<16xi32>
    %lt3A_90 = arith.cmpi slt, %rem3A_84, %lt3A_89 : vector<16xi32>
    %lt3A_91 = arith.constant 0 : i32
    %lt3A_92 = arith.cmpi slt, %select_n3A_82, %lt3A_91 : i32
    %ne3A_93 = vector.broadcast %lt3A_92 : i1 to vector<16xi1>
    %ne3A_94 = vector.broadcast %ne3A_93 : vector<16xi1> to vector<16xi1>
    %ne3A_95 = arith.xori %lt3A_90, %ne3A_94 : vector<16xi1>
    %and3A_96 = arith.andi %ne3A_95, %ne3A_87 : vector<16xi1>
    %add3A_97 = vector.broadcast %select_n3A_82 : i32 to vector<16xi32>
    %add3A_98 = arith.addi %rem3A_84, %add3A_97 : vector<16xi32>
    %select_n3A_99 = arith.select %and3A_96, %add3A_98, %rem3A_84 : vector<16xi1>, vector<16xi32>
    %add3A_100 = arith.constant 16 : i32
    %add3A_101 = vector.broadcast %add3A_100 : i32 to vector<16xi32>
    %add3A_102 = arith.addi %iota3A, %add3A_101 : vector<16xi32>
    %jit3A_103 = arith.constant 112 : i32
    %eq3A_104 = arith.constant 0 : i32
    %eq3A_105 = arith.cmpi eq, %jit3A_103, %eq3A_104 : i32
    %jit3A_106 = arith.constant 1 : i32
    %select_n3A_107 = arith.select %eq3A_105, %jit3A_106, %jit3A_103 : i32
    %rem3A_108 = vector.broadcast %select_n3A_107 : i32 to vector<16xi32>
    %rem3A_109 = arith.remsi %add3A_102, %rem3A_108 : vector<16xi32>
    %ne3A_110 = arith.constant 0 : i32
    %ne3A_111 = vector.broadcast %ne3A_110 : i32 to vector<16xi32>
    %ne3A_112 = arith.cmpi ne, %rem3A_109, %ne3A_111 : vector<16xi32>
    %lt3A_113 = arith.constant 0 : i32
    %lt3A_114 = vector.broadcast %lt3A_113 : i32 to vector<16xi32>
    %lt3A_115 = arith.cmpi slt, %rem3A_109, %lt3A_114 : vector<16xi32>
    %lt3A_116 = arith.constant 0 : i32
    %lt3A_117 = arith.cmpi slt, %select_n3A_107, %lt3A_116 : i32
    %ne3A_118 = vector.broadcast %lt3A_117 : i1 to vector<16xi1>
    %ne3A_119 = vector.broadcast %ne3A_118 : vector<16xi1> to vector<16xi1>
    %ne3A_120 = arith.xori %lt3A_115, %ne3A_119 : vector<16xi1>
    %and3A_121 = arith.andi %ne3A_120, %ne3A_112 : vector<16xi1>
    %add3A_122 = vector.broadcast %select_n3A_107 : i32 to vector<16xi32>
    %add3A_123 = arith.addi %rem3A_109, %add3A_122 : vector<16xi32>
    %select_n3A_124 = arith.select %and3A_121, %add3A_123, %rem3A_109 : vector<16xi1>, vector<16xi32>
    %add3A_125 = arith.constant 10000 : i32
    %add3A_126 = vector.broadcast %add3A_125 : i32 to vector<16xi32>
    %add3A_127 = arith.addi %add3A_126, %select_n3A_124 : vector<16xi32>
    %swap3A_128 = arith.constant 79 : i32
    %swap3A_129 = arith.constant 0 : i32
    %swap3A_130 = arith.index_cast %swap3A_128 : i32 to index
    %swap3A_131 = arith.index_cast %swap3A_129 : i32 to index
    %swap3A_132 = arith.constant 16 : index
    %swap3A_133 = tpu.vector_load %arg6[%swap3A_130, %swap3A_131, %swap3A_132] {strides = array<i32>} : memref<80x2x128xi32, #tpu.memory_space<vmem>>, vector<1x1x16xi32>,
    %swap3A_134 = vector.shape_cast %swap3A_133 : vector<1x1x16xi32> to vector<16xi32>
    %swap3A_135 = vector.shape_cast %select_n3A_99 : vector<16xi32> to vector<1x1x16xi32>
    tpu.vector_store %arg6[%swap3A_130, %swap3A_131, %swap3A_132], %swap3A_135 {strides = array<i32>} : memref<80x2x128xi32, #tpu.memory_space<vmem>>, vector<1x1x16xi32>,
    %swap3A_136 = arith.constant 79 : i32
    %swap3A_137 = arith.constant 1 : i32
    %swap3A_138 = arith.index_cast %swap3A_136 : i32 to index
    %swap3A_139 = arith.index_cast %swap3A_137 : i32 to index
    %swap3A_140 = arith.constant 16 : index
    %swap3A_141 = tpu.vector_load %arg6[%swap3A_138, %swap3A_139, %swap3A_140] {strides = array<i32>} : memref<80x2x128xi32, #tpu.memory_space<vmem>>, vector<1x1x16xi32>,
    %swap3A_142 = vector.shape_cast %swap3A_141 : vector<1x1x16xi32> to vector<16xi32>
    %swap3A_143 = vector.shape_cast %add3A_127 : vector<16xi32> to vector<1x1x16xi32>
    tpu.vector_store %arg6[%swap3A_138, %swap3A_139, %swap3A_140], %swap3A_143 {strides = array<i32>} : memref<80x2x128xi32, #tpu.memory_space<vmem>>, vector<1x1x16xi32>,
    %ge3A_144 = arith.constant 4 : i32
    %ge3A_145 = arith.cmpi sge, %add3A, %ge3A_144 : i32
    %convert_element_type3A_146 = arith.extui %ge3A_145 : i1 to i32
    %cond3A_147 = arith.constant 0 : i32
    %cond3A_148 = arith.cmpi ne, %convert_element_type3A_146, %cond3A_147 : i32
    scf.if %cond3A_148 {
      %swap3A_792 = arith.constant 78 : i32
      %swap3A_793 = arith.constant 0 : i32
      %swap3A_794 = arith.index_cast %swap3A_792 : i32 to index
      %swap3A_795 = arith.index_cast %swap3A_793 : i32 to index
      %swap3A_796 = arith.constant 16 : index
      %swap3A_797 = tpu.vector_load %arg6[%swap3A_794, %swap3A_795, %swap3A_796] {strides = array<i32>} : memref<80x2x128xi32, #tpu.memory_space<vmem>>, vector<1x1x16xi32>,
      %swap3A_798 = vector.shape_cast %swap3A_797 : vector<1x1x16xi32> to vector<16xi32>
      %swap3A_799 = vector.shape_cast %select_n3A_99 : vector<16xi32> to vector<1x1x16xi32>
      tpu.vector_store %arg6[%swap3A_794, %swap3A_795, %swap3A_796], %swap3A_799 {strides = array<i32>} : memref<80x2x128xi32, #tpu.memory_space<vmem>>, vector<1x1x16xi32>,
      %swap3A_800 = arith.constant 78 : i32
      %swap3A_801 = arith.constant 1 : i32
      %swap3A_802 = arith.index_cast %swap3A_800 : i32 to index
      %swap3A_803 = arith.index_cast %swap3A_801 : i32 to index
      %swap3A_804 = arith.constant 16 : index
      %swap3A_805 = tpu.vector_load %arg6[%swap3A_802, %swap3A_803, %swap3A_804] {strides = array<i32>} : memref<80x2x128xi32, #tpu.memory_space<vmem>>, vector<1x1x16xi32>,
      %swap3A_806 = vector.shape_cast %swap3A_805 : vector<1x1x16xi32> to vector<16xi32>
      %swap3A_807 = vector.shape_cast %add3A_127 : vector<16xi32> to vector<1x1x16xi32>
      tpu.vector_store %arg6[%swap3A_802, %swap3A_803, %swap3A_804], %swap3A_807 {strides = array<i32>} : memref<80x2x128xi32, #tpu.memory_space<vmem>>, vector<1x1x16xi32>,
    } else {
    }
    %add3A_149 = arith.constant 32 : i32
    %add3A_150 = vector.broadcast %add3A_149 : i32 to vector<16xi32>
    %add3A_151 = arith.addi %iota3A, %add3A_150 : vector<16xi32>
    %jit3A_152 = arith.constant 10000 : i32
    %eq3A_153 = arith.constant 0 : i32
    %eq3A_154 = arith.cmpi eq, %jit3A_152, %eq3A_153 : i32
    %jit3A_155 = arith.constant 1 : i32
    %select_n3A_156 = arith.select %eq3A_154, %jit3A_155, %jit3A_152 : i32
    %rem3A_157 = vector.broadcast %select_n3A_156 : i32 to vector<16xi32>
    %rem3A_158 = arith.remsi %add3A_151, %rem3A_157 : vector<16xi32>
    %ne3A_159 = arith.constant 0 : i32
    %ne3A_160 = vector.broadcast %ne3A_159 : i32 to vector<16xi32>
    %ne3A_161 = arith.cmpi ne, %rem3A_158, %ne3A_160 : vector<16xi32>
    %lt3A_162 = arith.constant 0 : i32
    %lt3A_163 = vector.broadcast %lt3A_162 : i32 to vector<16xi32>
    %lt3A_164 = arith.cmpi slt, %rem3A_158, %lt3A_163 : vector<16xi32>
    %lt3A_165 = arith.constant 0 : i32
    %lt3A_166 = arith.cmpi slt, %select_n3A_156, %lt3A_165 : i32
    %ne3A_167 = vector.broadcast %lt3A_166 : i1 to vector<16xi1>
    %ne3A_168 = vector.broadcast %ne3A_167 : vector<16xi1> to vector<16xi1>
    %ne3A_169 = arith.xori %lt3A_164, %ne3A_168 : vector<16xi1>
    %and3A_170 = arith.andi %ne3A_169, %ne3A_161 : vector<16xi1>
    %add3A_171 = vector.broadcast %select_n3A_156 : i32 to vector<16xi32>
    %add3A_172 = arith.addi %rem3A_158, %add3A_171 : vector<16xi32>
    %select_n3A_173 = arith.select %and3A_170, %add3A_172, %rem3A_158 : vector<16xi1>, vector<16xi32>
    %add3A_174 = arith.constant 32 : i32
    %add3A_175 = vector.broadcast %add3A_174 : i32 to vector<16xi32>
    %add3A_176 = arith.addi %iota3A, %add3A_175 : vector<16xi32>
    %jit3A_177 = arith.constant 112 : i32
    %eq3A_178 = arith.constant 0 : i32
    %eq3A_179 = arith.cmpi eq, %jit3A_177, %eq3A_178 : i32
    %jit3A_180 = arith.constant 1 : i32
    %select_n3A_181 = arith.select %eq3A_179, %jit3A_180, %jit3A_177 : i32
    %rem3A_182 = vector.broadcast %select_n3A_181 : i32 to vector<16xi32>
    %rem3A_183 = arith.remsi %add3A_176, %rem3A_182 : vector<16xi32>
    %ne3A_184 = arith.constant 0 : i32
    %ne3A_185 = vector.broadcast %ne3A_184 : i32 to vector<16xi32>
    %ne3A_186 = arith.cmpi ne, %rem3A_183, %ne3A_185 : vector<16xi32>
    %lt3A_187 = arith.constant 0 : i32
    %lt3A_188 = vector.broadcast %lt3A_187 : i32 to vector<16xi32>
    %lt3A_189 = arith.cmpi slt, %rem3A_183, %lt3A_188 : vector<16xi32>
    %lt3A_190 = arith.constant 0 : i32
    %lt3A_191 = arith.cmpi slt, %select_n3A_181, %lt3A_190 : i32
    %ne3A_192 = vector.broadcast %lt3A_191 : i1 to vector<16xi1>
    %ne3A_193 = vector.broadcast %ne3A_192 : vector<16xi1> to vector<16xi1>
    %ne3A_194 = arith.xori %lt3A_189, %ne3A_193 : vector<16xi1>
    %and3A_195 = arith.andi %ne3A_194, %ne3A_186 : vector<16xi1>
    %add3A_196 = vector.broadcast %select_n3A_181 : i32 to vector<16xi32>
    %add3A_197 = arith.addi %rem3A_183, %add3A_196 : vector<16xi32>
    %select_n3A_198 = arith.select %and3A_195, %add3A_197, %rem3A_183 : vector<16xi1>, vector<16xi32>
    %add3A_199 = arith.constant 10000 : i32
    %add3A_200 = vector.broadcast %add3A_199 : i32 to vector<16xi32>
    %add3A_201 = arith.addi %add3A_200, %select_n3A_198 : vector<16xi32>
    %swap3A_202 = arith.constant 79 : i32
    %swap3A_203 = arith.constant 0 : i32
    %swap3A_204 = arith.index_cast %swap3A_202 : i32 to index
    %swap3A_205 = arith.index_cast %swap3A_203 : i32 to index
    %swap3A_206 = arith.constant 32 : index
    %swap3A_207 = tpu.vector_load %arg6[%swap3A_204, %swap3A_205, %swap3A_206] {strides = array<i32>} : memref<80x2x128xi32, #tpu.memory_space<vmem>>, vector<1x1x16xi32>,
    %swap3A_208 = vector.shape_cast %swap3A_207 : vector<1x1x16xi32> to vector<16xi32>
    %swap3A_209 = vector.shape_cast %select_n3A_173 : vector<16xi32> to vector<1x1x16xi32>
    tpu.vector_store %arg6[%swap3A_204, %swap3A_205, %swap3A_206], %swap3A_209 {strides = array<i32>} : memref<80x2x128xi32, #tpu.memory_space<vmem>>, vector<1x1x16xi32>,
    %swap3A_210 = arith.constant 79 : i32
    %swap3A_211 = arith.constant 1 : i32
    %swap3A_212 = arith.index_cast %swap3A_210 : i32 to index
    %swap3A_213 = arith.index_cast %swap3A_211 : i32 to index
    %swap3A_214 = arith.constant 32 : index
    %swap3A_215 = tpu.vector_load %arg6[%swap3A_212, %swap3A_213, %swap3A_214] {strides = array<i32>} : memref<80x2x128xi32, #tpu.memory_space<vmem>>, vector<1x1x16xi32>,
    %swap3A_216 = vector.shape_cast %swap3A_215 : vector<1x1x16xi32> to vector<16xi32>
    %swap3A_217 = vector.shape_cast %add3A_201 : vector<16xi32> to vector<1x1x16xi32>
    tpu.vector_store %arg6[%swap3A_212, %swap3A_213, %swap3A_214], %swap3A_217 {strides = array<i32>} : memref<80x2x128xi32, #tpu.memory_space<vmem>>, vector<1x1x16xi32>,
    %ge3A_218 = arith.constant 4 : i32
    %ge3A_219 = arith.cmpi sge, %add3A, %ge3A_218 : i32
    %convert_element_type3A_220 = arith.extui %ge3A_219 : i1 to i32
    %cond3A_221 = arith.constant 0 : i32
    %cond3A_222 = arith.cmpi ne, %convert_element_type3A_220, %cond3A_221 : i32
    scf.if %cond3A_222 {
      %swap3A_792 = arith.constant 78 : i32
      %swap3A_793 = arith.constant 0 : i32
      %swap3A_794 = arith.index_cast %swap3A_792 : i32 to index
      %swap3A_795 = arith.index_cast %swap3A_793 : i32 to index
      %swap3A_796 = arith.constant 32 : index
      %swap3A_797 = tpu.vector_load %arg6[%swap3A_794, %swap3A_795, %swap3A_796] {strides = array<i32>} : memref<80x2x128xi32, #tpu.memory_space<vmem>>, vector<1x1x16xi32>,
      %swap3A_798 = vector.shape_cast %swap3A_797 : vector<1x1x16xi32> to vector<16xi32>
      %swap3A_799 = vector.shape_cast %select_n3A_173 : vector<16xi32> to vector<1x1x16xi32>
      tpu.vector_store %arg6[%swap3A_794, %swap3A_795, %swap3A_796], %swap3A_799 {strides = array<i32>} : memref<80x2x128xi32, #tpu.memory_space<vmem>>, vector<1x1x16xi32>,
      %swap3A_800 = arith.constant 78 : i32
      %swap3A_801 = arith.constant 1 : i32
      %swap3A_802 = arith.index_cast %swap3A_800 : i32 to index
      %swap3A_803 = arith.index_cast %swap3A_801 : i32 to index
      %swap3A_804 = arith.constant 32 : index
      %swap3A_805 = tpu.vector_load %arg6[%swap3A_802, %swap3A_803, %swap3A_804] {strides = array<i32>} : memref<80x2x128xi32, #tpu.memory_space<vmem>>, vector<1x1x16xi32>,
      %swap3A_806 = vector.shape_cast %swap3A_805 : vector<1x1x16xi32> to vector<16xi32>
      %swap3A_807 = vector.shape_cast %add3A_201 : vector<16xi32> to vector<1x1x16xi32>
      tpu.vector_store %arg6[%swap3A_802, %swap3A_803, %swap3A_804], %swap3A_807 {strides = array<i32>} : memref<80x2x128xi32, #tpu.memory_space<vmem>>, vector<1x1x16xi32>,
    } else {
    }
    %add3A_223 = arith.constant 48 : i32
    %add3A_224 = vector.broadcast %add3A_223 : i32 to vector<16xi32>
    %add3A_225 = arith.addi %iota3A, %add3A_224 : vector<16xi32>
    %jit3A_226 = arith.constant 10000 : i32
    %eq3A_227 = arith.constant 0 : i32
    %eq3A_228 = arith.cmpi eq, %jit3A_226, %eq3A_227 : i32
    %jit3A_229 = arith.constant 1 : i32
    %select_n3A_230 = arith.select %eq3A_228, %jit3A_229, %jit3A_226 : i32
    %rem3A_231 = vector.broadcast %select_n3A_230 : i32 to vector<16xi32>
    %rem3A_232 = arith.remsi %add3A_225, %rem3A_231 : vector<16xi32>
    %ne3A_233 = arith.constant 0 : i32
    %ne3A_234 = vector.broadcast %ne3A_233 : i32 to vector<16xi32>
    %ne3A_235 = arith.cmpi ne, %rem3A_232, %ne3A_234 : vector<16xi32>
    %lt3A_236 = arith.constant 0 : i32
    %lt3A_237 = vector.broadcast %lt3A_236 : i32 to vector<16xi32>
    %lt3A_238 = arith.cmpi slt, %rem3A_232, %lt3A_237 : vector<16xi32>
    %lt3A_239 = arith.constant 0 : i32
    %lt3A_240 = arith.cmpi slt, %select_n3A_230, %lt3A_239 : i32
    %ne3A_241 = vector.broadcast %lt3A_240 : i1 to vector<16xi1>
    %ne3A_242 = vector.broadcast %ne3A_241 : vector<16xi1> to vector<16xi1>
    %ne3A_243 = arith.xori %lt3A_238, %ne3A_242 : vector<16xi1>
    %and3A_244 = arith.andi %ne3A_243, %ne3A_235 : vector<16xi1>
    %add3A_245 = vector.broadcast %select_n3A_230 : i32 to vector<16xi32>
    %add3A_246 = arith.addi %rem3A_232, %add3A_245 : vector<16xi32>
    %select_n3A_247 = arith.select %and3A_244, %add3A_246, %rem3A_232 : vector<16xi1>, vector<16xi32>
    %add3A_248 = arith.constant 48 : i32
    %add3A_249 = vector.broadcast %add3A_248 : i32 to vector<16xi32>
    %add3A_250 = arith.addi %iota3A, %add3A_249 : vector<16xi32>
    %jit3A_251 = arith.constant 112 : i32
    %eq3A_252 = arith.constant 0 : i32
    %eq3A_253 = arith.cmpi eq, %jit3A_251, %eq3A_252 : i32
    %jit3A_254 = arith.constant 1 : i32
    %select_n3A_255 = arith.select %eq3A_253, %jit3A_254, %jit3A_251 : i32
    %rem3A_256 = vector.broadcast %select_n3A_255 : i32 to vector<16xi32>
    %rem3A_257 = arith.remsi %add3A_250, %rem3A_256 : vector<16xi32>
    %ne3A_258 = arith.constant 0 : i32
    %ne3A_259 = vector.broadcast %ne3A_258 : i32 to vector<16xi32>
    %ne3A_260 = arith.cmpi ne, %rem3A_257, %ne3A_259 : vector<16xi32>
    %lt3A_261 = arith.constant 0 : i32
    %lt3A_262 = vector.broadcast %lt3A_261 : i32 to vector<16xi32>
    %lt3A_263 = arith.cmpi slt, %rem3A_257, %lt3A_262 : vector<16xi32>
    %lt3A_264 = arith.constant 0 : i32
    %lt3A_265 = arith.cmpi slt, %select_n3A_255, %lt3A_264 : i32
    %ne3A_266 = vector.broadcast %lt3A_265 : i1 to vector<16xi1>
    %ne3A_267 = vector.broadcast %ne3A_266 : vector<16xi1> to vector<16xi1>
    %ne3A_268 = arith.xori %lt3A_263, %ne3A_267 : vector<16xi1>
    %and3A_269 = arith.andi %ne3A_268, %ne3A_260 : vector<16xi1>
    %add3A_270 = vector.broadcast %select_n3A_255 : i32 to vector<16xi32>
    %add3A_271 = arith.addi %rem3A_257, %add3A_270 : vector<16xi32>
    %select_n3A_272 = arith.select %and3A_269, %add3A_271, %rem3A_257 : vector<16xi1>, vector<16xi32>
    %add3A_273 = arith.constant 10000 : i32
    %add3A_274 = vector.broadcast %add3A_273 : i32 to vector<16xi32>
    %add3A_275 = arith.addi %add3A_274, %select_n3A_272 : vector<16xi32>
    %swap3A_276 = arith.constant 79 : i32
    %swap3A_277 = arith.constant 0 : i32
    %swap3A_278 = arith.index_cast %swap3A_276 : i32 to index
    %swap3A_279 = arith.index_cast %swap3A_277 : i32 to index
    %swap3A_280 = arith.constant 48 : index
    %swap3A_281 = tpu.vector_load %arg6[%swap3A_278, %swap3A_279, %swap3A_280] {strides = array<i32>} : memref<80x2x128xi32, #tpu.memory_space<vmem>>, vector<1x1x16xi32>,
    %swap3A_282 = vector.shape_cast %swap3A_281 : vector<1x1x16xi32> to vector<16xi32>
    %swap3A_283 = vector.shape_cast %select_n3A_247 : vector<16xi32> to vector<1x1x16xi32>
    tpu.vector_store %arg6[%swap3A_278, %swap3A_279, %swap3A_280], %swap3A_283 {strides = array<i32>} : memref<80x2x128xi32, #tpu.memory_space<vmem>>, vector<1x1x16xi32>,
    %swap3A_284 = arith.constant 79 : i32
    %swap3A_285 = arith.constant 1 : i32
    %swap3A_286 = arith.index_cast %swap3A_284 : i32 to index
    %swap3A_287 = arith.index_cast %swap3A_285 : i32 to index
    %swap3A_288 = arith.constant 48 : index
    %swap3A_289 = tpu.vector_load %arg6[%swap3A_286, %swap3A_287, %swap3A_288] {strides = array<i32>} : memref<80x2x128xi32, #tpu.memory_space<vmem>>, vector<1x1x16xi32>,
    %swap3A_290 = vector.shape_cast %swap3A_289 : vector<1x1x16xi32> to vector<16xi32>
    %swap3A_291 = vector.shape_cast %add3A_275 : vector<16xi32> to vector<1x1x16xi32>
    tpu.vector_store %arg6[%swap3A_286, %swap3A_287, %swap3A_288], %swap3A_291 {strides = array<i32>} : memref<80x2x128xi32, #tpu.memory_space<vmem>>, vector<1x1x16xi32>,
    %ge3A_292 = arith.constant 4 : i32
    %ge3A_293 = arith.cmpi sge, %add3A, %ge3A_292 : i32
    %convert_element_type3A_294 = arith.extui %ge3A_293 : i1 to i32
    %cond3A_295 = arith.constant 0 : i32
    %cond3A_296 = arith.cmpi ne, %convert_element_type3A_294, %cond3A_295 : i32
    scf.if %cond3A_296 {
      %swap3A_792 = arith.constant 78 : i32
      %swap3A_793 = arith.constant 0 : i32
      %swap3A_794 = arith.index_cast %swap3A_792 : i32 to index
      %swap3A_795 = arith.index_cast %swap3A_793 : i32 to index
      %swap3A_796 = arith.constant 48 : index
      %swap3A_797 = tpu.vector_load %arg6[%swap3A_794, %swap3A_795, %swap3A_796] {strides = array<i32>} : memref<80x2x128xi32, #tpu.memory_space<vmem>>, vector<1x1x16xi32>,
      %swap3A_798 = vector.shape_cast %swap3A_797 : vector<1x1x16xi32> to vector<16xi32>
      %swap3A_799 = vector.shape_cast %select_n3A_247 : vector<16xi32> to vector<1x1x16xi32>
      tpu.vector_store %arg6[%swap3A_794, %swap3A_795, %swap3A_796], %swap3A_799 {strides = array<i32>} : memref<80x2x128xi32, #tpu.memory_space<vmem>>, vector<1x1x16xi32>,
      %swap3A_800 = arith.constant 78 : i32
      %swap3A_801 = arith.constant 1 : i32
      %swap3A_802 = arith.index_cast %swap3A_800 : i32 to index
      %swap3A_803 = arith.index_cast %swap3A_801 : i32 to index
      %swap3A_804 = arith.constant 48 : index
      %swap3A_805 = tpu.vector_load %arg6[%swap3A_802, %swap3A_803, %swap3A_804] {strides = array<i32>} : memref<80x2x128xi32, #tpu.memory_space<vmem>>, vector<1x1x16xi32>,
      %swap3A_806 = vector.shape_cast %swap3A_805 : vector<1x1x16xi32> to vector<16xi32>
      %swap3A_807 = vector.shape_cast %add3A_275 : vector<16xi32> to vector<1x1x16xi32>
      tpu.vector_store %arg6[%swap3A_802, %swap3A_803, %swap3A_804], %swap3A_807 {strides = array<i32>} : memref<80x2x128xi32, #tpu.memory_space<vmem>>, vector<1x1x16xi32>,
    } else {
    }
    %add3A_297 = arith.constant 64 : i32
    %add3A_298 = vector.broadcast %add3A_297 : i32 to vector<16xi32>
    %add3A_299 = arith.addi %iota3A, %add3A_298 : vector<16xi32>
    %jit3A_300 = arith.constant 10000 : i32
    %eq3A_301 = arith.constant 0 : i32
    %eq3A_302 = arith.cmpi eq, %jit3A_300, %eq3A_301 : i32
    %jit3A_303 = arith.constant 1 : i32
    %select_n3A_304 = arith.select %eq3A_302, %jit3A_303, %jit3A_300 : i32
    %rem3A_305 = vector.broadcast %select_n3A_304 : i32 to vector<16xi32>
    %rem3A_306 = arith.remsi %add3A_299, %rem3A_305 : vector<16xi32>
    %ne3A_307 = arith.constant 0 : i32
    %ne3A_308 = vector.broadcast %ne3A_307 : i32 to vector<16xi32>
    %ne3A_309 = arith.cmpi ne, %rem3A_306, %ne3A_308 : vector<16xi32>
    %lt3A_310 = arith.constant 0 : i32
    %lt3A_311 = vector.broadcast %lt3A_310 : i32 to vector<16xi32>
    %lt3A_312 = arith.cmpi slt, %rem3A_306, %lt3A_311 : vector<16xi32>
    %lt3A_313 = arith.constant 0 : i32
    %lt3A_314 = arith.cmpi slt, %select_n3A_304, %lt3A_313 : i32
    %ne3A_315 = vector.broadcast %lt3A_314 : i1 to vector<16xi1>
    %ne3A_316 = vector.broadcast %ne3A_315 : vector<16xi1> to vector<16xi1>
    %ne3A_317 = arith.xori %lt3A_312, %ne3A_316 : vector<16xi1>
    %and3A_318 = arith.andi %ne3A_317, %ne3A_309 : vector<16xi1>
    %add3A_319 = vector.broadcast %select_n3A_304 : i32 to vector<16xi32>
    %add3A_320 = arith.addi %rem3A_306, %add3A_319 : vector<16xi32>
    %select_n3A_321 = arith.select %and3A_318, %add3A_320, %rem3A_306 : vector<16xi1>, vector<16xi32>
    %add3A_322 = arith.constant 64 : i32
    %add3A_323 = vector.broadcast %add3A_322 : i32 to vector<16xi32>
    %add3A_324 = arith.addi %iota3A, %add3A_323 : vector<16xi32>
    %jit3A_325 = arith.constant 112 : i32
    %eq3A_326 = arith.constant 0 : i32
    %eq3A_327 = arith.cmpi eq, %jit3A_325, %eq3A_326 : i32
    %jit3A_328 = arith.constant 1 : i32
    %select_n3A_329 = arith.select %eq3A_327, %jit3A_328, %jit3A_325 : i32
    %rem3A_330 = vector.broadcast %select_n3A_329 : i32 to vector<16xi32>
    %rem3A_331 = arith.remsi %add3A_324, %rem3A_330 : vector<16xi32>
    %ne3A_332 = arith.constant 0 : i32
    %ne3A_333 = vector.broadcast %ne3A_332 : i32 to vector<16xi32>
    %ne3A_334 = arith.cmpi ne, %rem3A_331, %ne3A_333 : vector<16xi32>
    %lt3A_335 = arith.constant 0 : i32
    %lt3A_336 = vector.broadcast %lt3A_335 : i32 to vector<16xi32>
    %lt3A_337 = arith.cmpi slt, %rem3A_331, %lt3A_336 : vector<16xi32>
    %lt3A_338 = arith.constant 0 : i32
    %lt3A_339 = arith.cmpi slt, %select_n3A_329, %lt3A_338 : i32
    %ne3A_340 = vector.broadcast %lt3A_339 : i1 to vector<16xi1>
    %ne3A_341 = vector.broadcast %ne3A_340 : vector<16xi1> to vector<16xi1>
    %ne3A_342 = arith.xori %lt3A_337, %ne3A_341 : vector<16xi1>
    %and3A_343 = arith.andi %ne3A_342, %ne3A_334 : vector<16xi1>
    %add3A_344 = vector.broadcast %select_n3A_329 : i32 to vector<16xi32>
    %add3A_345 = arith.addi %rem3A_331, %add3A_344 : vector<16xi32>
    %select_n3A_346 = arith.select %and3A_343, %add3A_345, %rem3A_331 : vector<16xi1>, vector<16xi32>
    %add3A_347 = arith.constant 10000 : i32
    %add3A_348 = vector.broadcast %add3A_347 : i32 to vector<16xi32>
    %add3A_349 = arith.addi %add3A_348, %select_n3A_346 : vector<16xi32>
    %swap3A_350 = arith.constant 79 : i32
    %swap3A_351 = arith.constant 0 : i32
    %swap3A_352 = arith.index_cast %swap3A_350 : i32 to index
    %swap3A_353 = arith.index_cast %swap3A_351 : i32 to index
    %swap3A_354 = arith.constant 64 : index
    %swap3A_355 = tpu.vector_load %arg6[%swap3A_352, %swap3A_353, %swap3A_354] {strides = array<i32>} : memref<80x2x128xi32, #tpu.memory_space<vmem>>, vector<1x1x16xi32>,
    %swap3A_356 = vector.shape_cast %swap3A_355 : vector<1x1x16xi32> to vector<16xi32>
    %swap3A_357 = vector.shape_cast %select_n3A_321 : vector<16xi32> to vector<1x1x16xi32>
    tpu.vector_store %arg6[%swap3A_352, %swap3A_353, %swap3A_354], %swap3A_357 {strides = array<i32>} : memref<80x2x128xi32, #tpu.memory_space<vmem>>, vector<1x1x16xi32>,
    %swap3A_358 = arith.constant 79 : i32
    %swap3A_359 = arith.constant 1 : i32
    %swap3A_360 = arith.index_cast %swap3A_358 : i32 to index
    %swap3A_361 = arith.index_cast %swap3A_359 : i32 to index
    %swap3A_362 = arith.constant 64 : index
    %swap3A_363 = tpu.vector_load %arg6[%swap3A_360, %swap3A_361, %swap3A_362] {strides = array<i32>} : memref<80x2x128xi32, #tpu.memory_space<vmem>>, vector<1x1x16xi32>,
    %swap3A_364 = vector.shape_cast %swap3A_363 : vector<1x1x16xi32> to vector<16xi32>
    %swap3A_365 = vector.shape_cast %add3A_349 : vector<16xi32> to vector<1x1x16xi32>
    tpu.vector_store %arg6[%swap3A_360, %swap3A_361, %swap3A_362], %swap3A_365 {strides = array<i32>} : memref<80x2x128xi32, #tpu.memory_space<vmem>>, vector<1x1x16xi32>,
    %ge3A_366 = arith.constant 4 : i32
    %ge3A_367 = arith.cmpi sge, %add3A, %ge3A_366 : i32
    %convert_element_type3A_368 = arith.extui %ge3A_367 : i1 to i32
    %cond3A_369 = arith.constant 0 : i32
    %cond3A_370 = arith.cmpi ne, %convert_element_type3A_368, %cond3A_369 : i32
    scf.if %cond3A_370 {
      %swap3A_792 = arith.constant 78 : i32
      %swap3A_793 = arith.constant 0 : i32
      %swap3A_794 = arith.index_cast %swap3A_792 : i32 to index
      %swap3A_795 = arith.index_cast %swap3A_793 : i32 to index
      %swap3A_796 = arith.constant 64 : index
      %swap3A_797 = tpu.vector_load %arg6[%swap3A_794, %swap3A_795, %swap3A_796] {strides = array<i32>} : memref<80x2x128xi32, #tpu.memory_space<vmem>>, vector<1x1x16xi32>,
      %swap3A_798 = vector.shape_cast %swap3A_797 : vector<1x1x16xi32> to vector<16xi32>
      %swap3A_799 = vector.shape_cast %select_n3A_321 : vector<16xi32> to vector<1x1x16xi32>
      tpu.vector_store %arg6[%swap3A_794, %swap3A_795, %swap3A_796], %swap3A_799 {strides = array<i32>} : memref<80x2x128xi32, #tpu.memory_space<vmem>>, vector<1x1x16xi32>,
      %swap3A_800 = arith.constant 78 : i32
      %swap3A_801 = arith.constant 1 : i32
      %swap3A_802 = arith.index_cast %swap3A_800 : i32 to index
      %swap3A_803 = arith.index_cast %swap3A_801 : i32 to index
      %swap3A_804 = arith.constant 64 : index
      %swap3A_805 = tpu.vector_load %arg6[%swap3A_802, %swap3A_803, %swap3A_804] {strides = array<i32>} : memref<80x2x128xi32, #tpu.memory_space<vmem>>, vector<1x1x16xi32>,
      %swap3A_806 = vector.shape_cast %swap3A_805 : vector<1x1x16xi32> to vector<16xi32>
      %swap3A_807 = vector.shape_cast %add3A_349 : vector<16xi32> to vector<1x1x16xi32>
      tpu.vector_store %arg6[%swap3A_802, %swap3A_803, %swap3A_804], %swap3A_807 {strides = array<i32>} : memref<80x2x128xi32, #tpu.memory_space<vmem>>, vector<1x1x16xi32>,
    } else {
    }
    %add3A_371 = arith.constant 80 : i32
    %add3A_372 = vector.broadcast %add3A_371 : i32 to vector<16xi32>
    %add3A_373 = arith.addi %iota3A, %add3A_372 : vector<16xi32>
    %jit3A_374 = arith.constant 10000 : i32
    %eq3A_375 = arith.constant 0 : i32
    %eq3A_376 = arith.cmpi eq, %jit3A_374, %eq3A_375 : i32
    %jit3A_377 = arith.constant 1 : i32
    %select_n3A_378 = arith.select %eq3A_376, %jit3A_377, %jit3A_374 : i32
    %rem3A_379 = vector.broadcast %select_n3A_378 : i32 to vector<16xi32>
    %rem3A_380 = arith.remsi %add3A_373, %rem3A_379 : vector<16xi32>
    %ne3A_381 = arith.constant 0 : i32
    %ne3A_382 = vector.broadcast %ne3A_381 : i32 to vector<16xi32>
    %ne3A_383 = arith.cmpi ne, %rem3A_380, %ne3A_382 : vector<16xi32>
    %lt3A_384 = arith.constant 0 : i32
    %lt3A_385 = vector.broadcast %lt3A_384 : i32 to vector<16xi32>
    %lt3A_386 = arith.cmpi slt, %rem3A_380, %lt3A_385 : vector<16xi32>
    %lt3A_387 = arith.constant 0 : i32
    %lt3A_388 = arith.cmpi slt, %select_n3A_378, %lt3A_387 : i32
    %ne3A_389 = vector.broadcast %lt3A_388 : i1 to vector<16xi1>
    %ne3A_390 = vector.broadcast %ne3A_389 : vector<16xi1> to vector<16xi1>
    %ne3A_391 = arith.xori %lt3A_386, %ne3A_390 : vector<16xi1>
    %and3A_392 = arith.andi %ne3A_391, %ne3A_383 : vector<16xi1>
    %add3A_393 = vector.broadcast %select_n3A_378 : i32 to vector<16xi32>
    %add3A_394 = arith.addi %rem3A_380, %add3A_393 : vector<16xi32>
    %select_n3A_395 = arith.select %and3A_392, %add3A_394, %rem3A_380 : vector<16xi1>, vector<16xi32>
    %add3A_396 = arith.constant 80 : i32
    %add3A_397 = vector.broadcast %add3A_396 : i32 to vector<16xi32>
    %add3A_398 = arith.addi %iota3A, %add3A_397 : vector<16xi32>
    %jit3A_399 = arith.constant 112 : i32
    %eq3A_400 = arith.constant 0 : i32
    %eq3A_401 = arith.cmpi eq, %jit3A_399, %eq3A_400 : i32
    %jit3A_402 = arith.constant 1 : i32
    %select_n3A_403 = arith.select %eq3A_401, %jit3A_402, %jit3A_399 : i32
    %rem3A_404 = vector.broadcast %select_n3A_403 : i32 to vector<16xi32>
    %rem3A_405 = arith.remsi %add3A_398, %rem3A_404 : vector<16xi32>
    %ne3A_406 = arith.constant 0 : i32
    %ne3A_407 = vector.broadcast %ne3A_406 : i32 to vector<16xi32>
    %ne3A_408 = arith.cmpi ne, %rem3A_405, %ne3A_407 : vector<16xi32>
    %lt3A_409 = arith.constant 0 : i32
    %lt3A_410 = vector.broadcast %lt3A_409 : i32 to vector<16xi32>
    %lt3A_411 = arith.cmpi slt, %rem3A_405, %lt3A_410 : vector<16xi32>
    %lt3A_412 = arith.constant 0 : i32
    %lt3A_413 = arith.cmpi slt, %select_n3A_403, %lt3A_412 : i32
    %ne3A_414 = vector.broadcast %lt3A_413 : i1 to vector<16xi1>
    %ne3A_415 = vector.broadcast %ne3A_414 : vector<16xi1> to vector<16xi1>
    %ne3A_416 = arith.xori %lt3A_411, %ne3A_415 : vector<16xi1>
    %and3A_417 = arith.andi %ne3A_416, %ne3A_408 : vector<16xi1>
    %add3A_418 = vector.broadcast %select_n3A_403 : i32 to vector<16xi32>
    %add3A_419 = arith.addi %rem3A_405, %add3A_418 : vector<16xi32>
    %select_n3A_420 = arith.select %and3A_417, %add3A_419, %rem3A_405 : vector<16xi1>, vector<16xi32>
    %add3A_421 = arith.constant 10000 : i32
    %add3A_422 = vector.broadcast %add3A_421 : i32 to vector<16xi32>
    %add3A_423 = arith.addi %add3A_422, %select_n3A_420 : vector<16xi32>
    %swap3A_424 = arith.constant 79 : i32
    %swap3A_425 = arith.constant 0 : i32
    %swap3A_426 = arith.index_cast %swap3A_424 : i32 to index
    %swap3A_427 = arith.index_cast %swap3A_425 : i32 to index
    %swap3A_428 = arith.constant 80 : index
    %swap3A_429 = tpu.vector_load %arg6[%swap3A_426, %swap3A_427, %swap3A_428] {strides = array<i32>} : memref<80x2x128xi32, #tpu.memory_space<vmem>>, vector<1x1x16xi32>,
    %swap3A_430 = vector.shape_cast %swap3A_429 : vector<1x1x16xi32> to vector<16xi32>
    %swap3A_431 = vector.shape_cast %select_n3A_395 : vector<16xi32> to vector<1x1x16xi32>
    tpu.vector_store %arg6[%swap3A_426, %swap3A_427, %swap3A_428], %swap3A_431 {strides = array<i32>} : memref<80x2x128xi32, #tpu.memory_space<vmem>>, vector<1x1x16xi32>,
    %swap3A_432 = arith.constant 79 : i32
    %swap3A_433 = arith.constant 1 : i32
    %swap3A_434 = arith.index_cast %swap3A_432 : i32 to index
    %swap3A_435 = arith.index_cast %swap3A_433 : i32 to index
    %swap3A_436 = arith.constant 80 : index
    %swap3A_437 = tpu.vector_load %arg6[%swap3A_434, %swap3A_435, %swap3A_436] {strides = array<i32>} : memref<80x2x128xi32, #tpu.memory_space<vmem>>, vector<1x1x16xi32>,
    %swap3A_438 = vector.shape_cast %swap3A_437 : vector<1x1x16xi32> to vector<16xi32>
    %swap3A_439 = vector.shape_cast %add3A_423 : vector<16xi32> to vector<1x1x16xi32>
    tpu.vector_store %arg6[%swap3A_434, %swap3A_435, %swap3A_436], %swap3A_439 {strides = array<i32>} : memref<80x2x128xi32, #tpu.memory_space<vmem>>, vector<1x1x16xi32>,
    %ge3A_440 = arith.constant 4 : i32
    %ge3A_441 = arith.cmpi sge, %add3A, %ge3A_440 : i32
    %convert_element_type3A_442 = arith.extui %ge3A_441 : i1 to i32
    %cond3A_443 = arith.constant 0 : i32
    %cond3A_444 = arith.cmpi ne, %convert_element_type3A_442, %cond3A_443 : i32
    scf.if %cond3A_444 {
      %swap3A_792 = arith.constant 78 : i32
      %swap3A_793 = arith.constant 0 : i32
      %swap3A_794 = arith.index_cast %swap3A_792 : i32 to index
      %swap3A_795 = arith.index_cast %swap3A_793 : i32 to index
      %swap3A_796 = arith.constant 80 : index
      %swap3A_797 = tpu.vector_load %arg6[%swap3A_794, %swap3A_795, %swap3A_796] {strides = array<i32>} : memref<80x2x128xi32, #tpu.memory_space<vmem>>, vector<1x1x16xi32>,
      %swap3A_798 = vector.shape_cast %swap3A_797 : vector<1x1x16xi32> to vector<16xi32>
      %swap3A_799 = vector.shape_cast %select_n3A_395 : vector<16xi32> to vector<1x1x16xi32>
      tpu.vector_store %arg6[%swap3A_794, %swap3A_795, %swap3A_796], %swap3A_799 {strides = array<i32>} : memref<80x2x128xi32, #tpu.memory_space<vmem>>, vector<1x1x16xi32>,
      %swap3A_800 = arith.constant 78 : i32
      %swap3A_801 = arith.constant 1 : i32
      %swap3A_802 = arith.index_cast %swap3A_800 : i32 to index
      %swap3A_803 = arith.index_cast %swap3A_801 : i32 to index
      %swap3A_804 = arith.constant 80 : index
      %swap3A_805 = tpu.vector_load %arg6[%swap3A_802, %swap3A_803, %swap3A_804] {strides = array<i32>} : memref<80x2x128xi32, #tpu.memory_space<vmem>>, vector<1x1x16xi32>,
      %swap3A_806 = vector.shape_cast %swap3A_805 : vector<1x1x16xi32> to vector<16xi32>
      %swap3A_807 = vector.shape_cast %add3A_423 : vector<16xi32> to vector<1x1x16xi32>
      tpu.vector_store %arg6[%swap3A_802, %swap3A_803, %swap3A_804], %swap3A_807 {strides = array<i32>} : memref<80x2x128xi32, #tpu.memory_space<vmem>>, vector<1x1x16xi32>,
    } else {
    }
    %add3A_445 = arith.constant 96 : i32
    %add3A_446 = vector.broadcast %add3A_445 : i32 to vector<16xi32>
    %add3A_447 = arith.addi %iota3A, %add3A_446 : vector<16xi32>
    %jit3A_448 = arith.constant 10000 : i32
    %eq3A_449 = arith.constant 0 : i32
    %eq3A_450 = arith.cmpi eq, %jit3A_448, %eq3A_449 : i32
    %jit3A_451 = arith.constant 1 : i32
    %select_n3A_452 = arith.select %eq3A_450, %jit3A_451, %jit3A_448 : i32
    %rem3A_453 = vector.broadcast %select_n3A_452 : i32 to vector<16xi32>
    %rem3A_454 = arith.remsi %add3A_447, %rem3A_453 : vector<16xi32>
    %ne3A_455 = arith.constant 0 : i32
    %ne3A_456 = vector.broadcast %ne3A_455 : i32 to vector<16xi32>
    %ne3A_457 = arith.cmpi ne, %rem3A_454, %ne3A_456 : vector<16xi32>
    %lt3A_458 = arith.constant 0 : i32
    %lt3A_459 = vector.broadcast %lt3A_458 : i32 to vector<16xi32>
    %lt3A_460 = arith.cmpi slt, %rem3A_454, %lt3A_459 : vector<16xi32>
    %lt3A_461 = arith.constant 0 : i32
    %lt3A_462 = arith.cmpi slt, %select_n3A_452, %lt3A_461 : i32
    %ne3A_463 = vector.broadcast %lt3A_462 : i1 to vector<16xi1>
    %ne3A_464 = vector.broadcast %ne3A_463 : vector<16xi1> to vector<16xi1>
    %ne3A_465 = arith.xori %lt3A_460, %ne3A_464 : vector<16xi1>
    %and3A_466 = arith.andi %ne3A_465, %ne3A_457 : vector<16xi1>
    %add3A_467 = vector.broadcast %select_n3A_452 : i32 to vector<16xi32>
    %add3A_468 = arith.addi %rem3A_454, %add3A_467 : vector<16xi32>
    %select_n3A_469 = arith.select %and3A_466, %add3A_468, %rem3A_454 : vector<16xi1>, vector<16xi32>
    %add3A_470 = arith.constant 96 : i32
    %add3A_471 = vector.broadcast %add3A_470 : i32 to vector<16xi32>
    %add3A_472 = arith.addi %iota3A, %add3A_471 : vector<16xi32>
    %jit3A_473 = arith.constant 112 : i32
    %eq3A_474 = arith.constant 0 : i32
    %eq3A_475 = arith.cmpi eq, %jit3A_473, %eq3A_474 : i32
    %jit3A_476 = arith.constant 1 : i32
    %select_n3A_477 = arith.select %eq3A_475, %jit3A_476, %jit3A_473 : i32
    %rem3A_478 = vector.broadcast %select_n3A_477 : i32 to vector<16xi32>
    %rem3A_479 = arith.remsi %add3A_472, %rem3A_478 : vector<16xi32>
    %ne3A_480 = arith.constant 0 : i32
    %ne3A_481 = vector.broadcast %ne3A_480 : i32 to vector<16xi32>
    %ne3A_482 = arith.cmpi ne, %rem3A_479, %ne3A_481 : vector<16xi32>
    %lt3A_483 = arith.constant 0 : i32
    %lt3A_484 = vector.broadcast %lt3A_483 : i32 to vector<16xi32>
    %lt3A_485 = arith.cmpi slt, %rem3A_479, %lt3A_484 : vector<16xi32>
    %lt3A_486 = arith.constant 0 : i32
    %lt3A_487 = arith.cmpi slt, %select_n3A_477, %lt3A_486 : i32
    %ne3A_488 = vector.broadcast %lt3A_487 : i1 to vector<16xi1>
    %ne3A_489 = vector.broadcast %ne3A_488 : vector<16xi1> to vector<16xi1>
    %ne3A_490 = arith.xori %lt3A_485, %ne3A_489 : vector<16xi1>
    %and3A_491 = arith.andi %ne3A_490, %ne3A_482 : vector<16xi1>
    %add3A_492 = vector.broadcast %select_n3A_477 : i32 to vector<16xi32>
    %add3A_493 = arith.addi %rem3A_479, %add3A_492 : vector<16xi32>
    %select_n3A_494 = arith.select %and3A_491, %add3A_493, %rem3A_479 : vector<16xi1>, vector<16xi32>
    %add3A_495 = arith.constant 10000 : i32
    %add3A_496 = vector.broadcast %add3A_495 : i32 to vector<16xi32>
    %add3A_497 = arith.addi %add3A_496, %select_n3A_494 : vector<16xi32>
    %swap3A_498 = arith.constant 79 : i32
    %swap3A_499 = arith.constant 0 : i32
    %swap3A_500 = arith.index_cast %swap3A_498 : i32 to index
    %swap3A_501 = arith.index_cast %swap3A_499 : i32 to index
    %swap3A_502 = arith.constant 96 : index
    %swap3A_503 = tpu.vector_load %arg6[%swap3A_500, %swap3A_501, %swap3A_502] {strides = array<i32>} : memref<80x2x128xi32, #tpu.memory_space<vmem>>, vector<1x1x16xi32>,
    %swap3A_504 = vector.shape_cast %swap3A_503 : vector<1x1x16xi32> to vector<16xi32>
    %swap3A_505 = vector.shape_cast %select_n3A_469 : vector<16xi32> to vector<1x1x16xi32>
    tpu.vector_store %arg6[%swap3A_500, %swap3A_501, %swap3A_502], %swap3A_505 {strides = array<i32>} : memref<80x2x128xi32, #tpu.memory_space<vmem>>, vector<1x1x16xi32>,
    %swap3A_506 = arith.constant 79 : i32
    %swap3A_507 = arith.constant 1 : i32
    %swap3A_508 = arith.index_cast %swap3A_506 : i32 to index
    %swap3A_509 = arith.index_cast %swap3A_507 : i32 to index
    %swap3A_510 = arith.constant 96 : index
    %swap3A_511 = tpu.vector_load %arg6[%swap3A_508, %swap3A_509, %swap3A_510] {strides = array<i32>} : memref<80x2x128xi32, #tpu.memory_space<vmem>>, vector<1x1x16xi32>,
    %swap3A_512 = vector.shape_cast %swap3A_511 : vector<1x1x16xi32> to vector<16xi32>
    %swap3A_513 = vector.shape_cast %add3A_497 : vector<16xi32> to vector<1x1x16xi32>
    tpu.vector_store %arg6[%swap3A_508, %swap3A_509, %swap3A_510], %swap3A_513 {strides = array<i32>} : memref<80x2x128xi32, #tpu.memory_space<vmem>>, vector<1x1x16xi32>,
    %ge3A_514 = arith.constant 4 : i32
    %ge3A_515 = arith.cmpi sge, %add3A, %ge3A_514 : i32
    %convert_element_type3A_516 = arith.extui %ge3A_515 : i1 to i32
    %cond3A_517 = arith.constant 0 : i32
    %cond3A_518 = arith.cmpi ne, %convert_element_type3A_516, %cond3A_517 : i32
    scf.if %cond3A_518 {
      %swap3A_792 = arith.constant 78 : i32
      %swap3A_793 = arith.constant 0 : i32
      %swap3A_794 = arith.index_cast %swap3A_792 : i32 to index
      %swap3A_795 = arith.index_cast %swap3A_793 : i32 to index
      %swap3A_796 = arith.constant 96 : index
      %swap3A_797 = tpu.vector_load %arg6[%swap3A_794, %swap3A_795, %swap3A_796] {strides = array<i32>} : memref<80x2x128xi32, #tpu.memory_space<vmem>>, vector<1x1x16xi32>,
      %swap3A_798 = vector.shape_cast %swap3A_797 : vector<1x1x16xi32> to vector<16xi32>
      %swap3A_799 = vector.shape_cast %select_n3A_469 : vector<16xi32> to vector<1x1x16xi32>
      tpu.vector_store %arg6[%swap3A_794, %swap3A_795, %swap3A_796], %swap3A_799 {strides = array<i32>} : memref<80x2x128xi32, #tpu.memory_space<vmem>>, vector<1x1x16xi32>,
      %swap3A_800 = arith.constant 78 : i32
      %swap3A_801 = arith.constant 1 : i32
      %swap3A_802 = arith.index_cast %swap3A_800 : i32 to index
      %swap3A_803 = arith.index_cast %swap3A_801 : i32 to index
      %swap3A_804 = arith.constant 96 : index
      %swap3A_805 = tpu.vector_load %arg6[%swap3A_802, %swap3A_803, %swap3A_804] {strides = array<i32>} : memref<80x2x128xi32, #tpu.memory_space<vmem>>, vector<1x1x16xi32>,
      %swap3A_806 = vector.shape_cast %swap3A_805 : vector<1x1x16xi32> to vector<16xi32>
      %swap3A_807 = vector.shape_cast %add3A_497 : vector<16xi32> to vector<1x1x16xi32>
      tpu.vector_store %arg6[%swap3A_802, %swap3A_803, %swap3A_804], %swap3A_807 {strides = array<i32>} : memref<80x2x128xi32, #tpu.memory_space<vmem>>, vector<1x1x16xi32>,
    } else {
    }
    %add3A_519 = arith.constant 112 : i32
    %add3A_520 = vector.broadcast %add3A_519 : i32 to vector<16xi32>
    %add3A_521 = arith.addi %iota3A, %add3A_520 : vector<16xi32>
    %jit3A_522 = arith.constant 10000 : i32
    %eq3A_523 = arith.constant 0 : i32
    %eq3A_524 = arith.cmpi eq, %jit3A_522, %eq3A_523 : i32
    %jit3A_525 = arith.constant 1 : i32
    %select_n3A_526 = arith.select %eq3A_524, %jit3A_525, %jit3A_522 : i32
    %rem3A_527 = vector.broadcast %select_n3A_526 : i32 to vector<16xi32>
    %rem3A_528 = arith.remsi %add3A_521, %rem3A_527 : vector<16xi32>
    %ne3A_529 = arith.constant 0 : i32
    %ne3A_530 = vector.broadcast %ne3A_529 : i32 to vector<16xi32>
    %ne3A_531 = arith.cmpi ne, %rem3A_528, %ne3A_530 : vector<16xi32>
    %lt3A_532 = arith.constant 0 : i32
    %lt3A_533 = vector.broadcast %lt3A_532 : i32 to vector<16xi32>
    %lt3A_534 = arith.cmpi slt, %rem3A_528, %lt3A_533 : vector<16xi32>
    %lt3A_535 = arith.constant 0 : i32
    %lt3A_536 = arith.cmpi slt, %select_n3A_526, %lt3A_535 : i32
    %ne3A_537 = vector.broadcast %lt3A_536 : i1 to vector<16xi1>
    %ne3A_538 = vector.broadcast %ne3A_537 : vector<16xi1> to vector<16xi1>
    %ne3A_539 = arith.xori %lt3A_534, %ne3A_538 : vector<16xi1>
    %and3A_540 = arith.andi %ne3A_539, %ne3A_531 : vector<16xi1>
    %add3A_541 = vector.broadcast %select_n3A_526 : i32 to vector<16xi32>
    %add3A_542 = arith.addi %rem3A_528, %add3A_541 : vector<16xi32>
    %select_n3A_543 = arith.select %and3A_540, %add3A_542, %rem3A_528 : vector<16xi1>, vector<16xi32>
    %add3A_544 = arith.constant 112 : i32
    %add3A_545 = vector.broadcast %add3A_544 : i32 to vector<16xi32>
    %add3A_546 = arith.addi %iota3A, %add3A_545 : vector<16xi32>
    %jit3A_547 = arith.constant 112 : i32
    %eq3A_548 = arith.constant 0 : i32
    %eq3A_549 = arith.cmpi eq, %jit3A_547, %eq3A_548 : i32
    %jit3A_550 = arith.constant 1 : i32
    %select_n3A_551 = arith.select %eq3A_549, %jit3A_550, %jit3A_547 : i32
    %rem3A_552 = vector.broadcast %select_n3A_551 : i32 to vector<16xi32>
    %rem3A_553 = arith.remsi %add3A_546, %rem3A_552 : vector<16xi32>
    %ne3A_554 = arith.constant 0 : i32
    %ne3A_555 = vector.broadcast %ne3A_554 : i32 to vector<16xi32>
    %ne3A_556 = arith.cmpi ne, %rem3A_553, %ne3A_555 : vector<16xi32>
    %lt3A_557 = arith.constant 0 : i32
    %lt3A_558 = vector.broadcast %lt3A_557 : i32 to vector<16xi32>
    %lt3A_559 = arith.cmpi slt, %rem3A_553, %lt3A_558 : vector<16xi32>
    %lt3A_560 = arith.constant 0 : i32
    %lt3A_561 = arith.cmpi slt, %select_n3A_551, %lt3A_560 : i32
    %ne3A_562 = vector.broadcast %lt3A_561 : i1 to vector<16xi1>
    %ne3A_563 = vector.broadcast %ne3A_562 : vector<16xi1> to vector<16xi1>
    %ne3A_564 = arith.xori %lt3A_559, %ne3A_563 : vector<16xi1>
    %and3A_565 = arith.andi %ne3A_564, %ne3A_556 : vector<16xi1>
    %add3A_566 = vector.broadcast %select_n3A_551 : i32 to vector<16xi32>
    %add3A_567 = arith.addi %rem3A_553, %add3A_566 : vector<16xi32>
    %select_n3A_568 = arith.select %and3A_565, %add3A_567, %rem3A_553 : vector<16xi1>, vector<16xi32>
    %add3A_569 = arith.constant 10000 : i32
    %add3A_570 = vector.broadcast %add3A_569 : i32 to vector<16xi32>
    %add3A_571 = arith.addi %add3A_570, %select_n3A_568 : vector<16xi32>
    %swap3A_572 = arith.constant 79 : i32
    %swap3A_573 = arith.constant 0 : i32
    %swap3A_574 = arith.index_cast %swap3A_572 : i32 to index
    %swap3A_575 = arith.index_cast %swap3A_573 : i32 to index
    %swap3A_576 = arith.constant 112 : index
    %swap3A_577 = tpu.vector_load %arg6[%swap3A_574, %swap3A_575, %swap3A_576] {strides = array<i32>} : memref<80x2x128xi32, #tpu.memory_space<vmem>>, vector<1x1x16xi32>,
    %swap3A_578 = vector.shape_cast %swap3A_577 : vector<1x1x16xi32> to vector<16xi32>
    %swap3A_579 = vector.shape_cast %select_n3A_543 : vector<16xi32> to vector<1x1x16xi32>
    tpu.vector_store %arg6[%swap3A_574, %swap3A_575, %swap3A_576], %swap3A_579 {strides = array<i32>} : memref<80x2x128xi32, #tpu.memory_space<vmem>>, vector<1x1x16xi32>,
    %swap3A_580 = arith.constant 79 : i32
    %swap3A_581 = arith.constant 1 : i32
    %swap3A_582 = arith.index_cast %swap3A_580 : i32 to index
    %swap3A_583 = arith.index_cast %swap3A_581 : i32 to index
    %swap3A_584 = arith.constant 112 : index
    %swap3A_585 = tpu.vector_load %arg6[%swap3A_582, %swap3A_583, %swap3A_584] {strides = array<i32>} : memref<80x2x128xi32, #tpu.memory_space<vmem>>, vector<1x1x16xi32>,
    %swap3A_586 = vector.shape_cast %swap3A_585 : vector<1x1x16xi32> to vector<16xi32>
    %swap3A_587 = vector.shape_cast %add3A_571 : vector<16xi32> to vector<1x1x16xi32>
    tpu.vector_store %arg6[%swap3A_582, %swap3A_583, %swap3A_584], %swap3A_587 {strides = array<i32>} : memref<80x2x128xi32, #tpu.memory_space<vmem>>, vector<1x1x16xi32>,
    %ge3A_588 = arith.constant 4 : i32
    %ge3A_589 = arith.cmpi sge, %add3A, %ge3A_588 : i32
    %convert_element_type3A_590 = arith.extui %ge3A_589 : i1 to i32
    %cond3A_591 = arith.constant 0 : i32
    %cond3A_592 = arith.cmpi ne, %convert_element_type3A_590, %cond3A_591 : i32
    scf.if %cond3A_592 {
      %swap3A_792 = arith.constant 78 : i32
      %swap3A_793 = arith.constant 0 : i32
      %swap3A_794 = arith.index_cast %swap3A_792 : i32 to index
      %swap3A_795 = arith.index_cast %swap3A_793 : i32 to index
      %swap3A_796 = arith.constant 112 : index
      %swap3A_797 = tpu.vector_load %arg6[%swap3A_794, %swap3A_795, %swap3A_796] {strides = array<i32>} : memref<80x2x128xi32, #tpu.memory_space<vmem>>, vector<1x1x16xi32>,
      %swap3A_798 = vector.shape_cast %swap3A_797 : vector<1x1x16xi32> to vector<16xi32>
      %swap3A_799 = vector.shape_cast %select_n3A_543 : vector<16xi32> to vector<1x1x16xi32>
      tpu.vector_store %arg6[%swap3A_794, %swap3A_795, %swap3A_796], %swap3A_799 {strides = array<i32>} : memref<80x2x128xi32, #tpu.memory_space<vmem>>, vector<1x1x16xi32>,
      %swap3A_800 = arith.constant 78 : i32
      %swap3A_801 = arith.constant 1 : i32
      %swap3A_802 = arith.index_cast %swap3A_800 : i32 to index
      %swap3A_803 = arith.index_cast %swap3A_801 : i32 to index
      %swap3A_804 = arith.constant 112 : index
      %swap3A_805 = tpu.vector_load %arg6[%swap3A_802, %swap3A_803, %swap3A_804] {strides = array<i32>} : memref<80x2x128xi32, #tpu.memory_space<vmem>>, vector<1x1x16xi32>,
      %swap3A_806 = vector.shape_cast %swap3A_805 : vector<1x1x16xi32> to vector<16xi32>
      %swap3A_807 = vector.shape_cast %add3A_571 : vector<16xi32> to vector<1x1x16xi32>
      tpu.vector_store %arg6[%swap3A_802, %swap3A_803, %swap3A_804], %swap3A_807 {strides = array<i32>} : memref<80x2x128xi32, #tpu.memory_space<vmem>>, vector<1x1x16xi32>,
    } else {
    }
    %barrier3A = arith.constant 0 : index
    tpu.barrier barrier_id(%barrier3A)
    %dma_start3A = arith.constant 0 : i32
    %dma_start3A_593 = arith.constant 0 : i32
    %dma_start3A_594 = arith.constant 0 : i32
    %dma_start3A_595 = arith.constant 0 : i32
    %dma_start3A_596 = arith.constant 0 : i32
    %dma_start3A_597 = arith.constant 0 : i32
    %dma_start3A_598 = tpu.memref_slice %arg7[%dma_start3A_594, %dma_start3A_596, %dma_start3A_597] : memref<8x128x64xf32, #tpu.memory_space<vmem>> -> memref<1x128x64xf32, #tpu.memory_space<vmem>>
    %dma_start3A_599 = tpu.memref_squeeze %dma_start3A_598 : memref<1x128x64xf32, #tpu.memory_space<vmem>> -> memref<128x64xf32, #tpu.memory_space<vmem>>
    %dma_start3A_600 = arith.constant 0 : i32
    %dma_start3A_601 = tpu.memref_slice %arg6[%dma_start3A, %dma_start3A_593, %dma_start3A_600] : memref<80x2x128xi32, #tpu.memory_space<vmem>> -> memref<1x1x128xi32, #tpu.memory_space<vmem>>
    %dma_start3A_602 = tpu.memref_squeeze %dma_start3A_601 : memref<1x1x128xi32, #tpu.memory_space<vmem>> -> memref<128xi32, #tpu.memory_space<vmem>>
    %dma_start3A_603 = arith.constant 0 : i32
    %dma_start3A_604 = arith.constant 0 : i32
    %dma_start3A_605 = tpu.memref_slice %arg2[%dma_start3A_603, %dma_start3A_604] : memref<10000x64xf32, #tpu.memory_space<hbm>> -> memref<10000x64xf32, #tpu.memory_space<hbm>>
    %dma_start3A_606 = tpu.memref_slice %arg9[%dma_start3A_595] : memref<8x!tpu.dma_semaphore, #tpu.memory_space<semaphore_mem>> -> memref<1x!tpu.dma_semaphore, #tpu.memory_space<semaphore_mem>>
    %dma_start3A_607 = tpu.memref_squeeze %dma_start3A_606 : memref<1x!tpu.dma_semaphore, #tpu.memory_space<semaphore_mem>> -> memref<!tpu.dma_semaphore, #tpu.memory_space<semaphore_mem>>
    tpu.enqueue_indirect_dma source(%dma_start3A_605 : memref<10000x64xf32, #tpu.memory_space<hbm>>) target(%dma_start3A_599 : memref<128x64xf32, #tpu.memory_space<vmem>>) offsets(%dma_start3A_602 : memref<128xi32, #tpu.memory_space<vmem>>) semaphore(%dma_start3A_607 : memref<!tpu.dma_semaphore, #tpu.memory_space<semaphore_mem>>)
    %dma_start3A_608 = arith.constant 1 : i32
    %dma_start3A_609 = arith.constant 0 : i32
    %dma_start3A_610 = arith.constant 1 : i32
    %dma_start3A_611 = arith.constant 1 : i32
    %dma_start3A_612 = arith.constant 0 : i32
    %dma_start3A_613 = arith.constant 0 : i32
    %dma_start3A_614 = tpu.memref_slice %arg7[%dma_start3A_610, %dma_start3A_612, %dma_start3A_613] : memref<8x128x64xf32, #tpu.memory_space<vmem>> -> memref<1x128x64xf32, #tpu.memory_space<vmem>>
    %dma_start3A_615 = tpu.memref_squeeze %dma_start3A_614 : memref<1x128x64xf32, #tpu.memory_space<vmem>> -> memref<128x64xf32, #tpu.memory_space<vmem>>
    %dma_start3A_616 = arith.constant 0 : i32
    %dma_start3A_617 = tpu.memref_slice %arg6[%dma_start3A_608, %dma_start3A_609, %dma_start3A_616] : memref<80x2x128xi32, #tpu.memory_space<vmem>> -> memref<1x1x128xi32, #tpu.memory_space<vmem>>
    %dma_start3A_618 = tpu.memref_squeeze %dma_start3A_617 : memref<1x1x128xi32, #tpu.memory_space<vmem>> -> memref<128xi32, #tpu.memory_space<vmem>>
    %dma_start3A_619 = arith.constant 0 : i32
    %dma_start3A_620 = arith.constant 0 : i32
    %dma_start3A_621 = tpu.memref_slice %arg2[%dma_start3A_619, %dma_start3A_620] : memref<10000x64xf32, #tpu.memory_space<hbm>> -> memref<10000x64xf32, #tpu.memory_space<hbm>>
    %dma_start3A_622 = tpu.memref_slice %arg9[%dma_start3A_611] : memref<8x!tpu.dma_semaphore, #tpu.memory_space<semaphore_mem>> -> memref<1x!tpu.dma_semaphore, #tpu.memory_space<semaphore_mem>>
    %dma_start3A_623 = tpu.memref_squeeze %dma_start3A_622 : memref<1x!tpu.dma_semaphore, #tpu.memory_space<semaphore_mem>> -> memref<!tpu.dma_semaphore, #tpu.memory_space<semaphore_mem>>
    tpu.enqueue_indirect_dma source(%dma_start3A_621 : memref<10000x64xf32, #tpu.memory_space<hbm>>) target(%dma_start3A_615 : memref<128x64xf32, #tpu.memory_space<vmem>>) offsets(%dma_start3A_618 : memref<128xi32, #tpu.memory_space<vmem>>) semaphore(%dma_start3A_623 : memref<!tpu.dma_semaphore, #tpu.memory_space<semaphore_mem>>)
    %dma_start3A_624 = arith.constant 2 : i32
    %dma_start3A_625 = arith.constant 0 : i32
    %dma_start3A_626 = arith.constant 2 : i32
    %dma_start3A_627 = arith.constant 2 : i32
    %dma_start3A_628 = arith.constant 0 : i32
    %dma_start3A_629 = arith.constant 0 : i32
    %dma_start3A_630 = tpu.memref_slice %arg7[%dma_start3A_626, %dma_start3A_628, %dma_start3A_629] : memref<8x128x64xf32, #tpu.memory_space<vmem>> -> memref<1x128x64xf32, #tpu.memory_space<vmem>>
    %dma_start3A_631 = tpu.memref_squeeze %dma_start3A_630 : memref<1x128x64xf32, #tpu.memory_space<vmem>> -> memref<128x64xf32, #tpu.memory_space<vmem>>
    %dma_start3A_632 = arith.constant 0 : i32
    %dma_start3A_633 = tpu.memref_slice %arg6[%dma_start3A_624, %dma_start3A_625, %dma_start3A_632] : memref<80x2x128xi32, #tpu.memory_space<vmem>> -> memref<1x1x128xi32, #tpu.memory_space<vmem>>
    %dma_start3A_634 = tpu.memref_squeeze %dma_start3A_633 : memref<1x1x128xi32, #tpu.memory_space<vmem>> -> memref<128xi32, #tpu.memory_space<vmem>>
    %dma_start3A_635 = arith.constant 0 : i32
    %dma_start3A_636 = arith.constant 0 : i32
    %dma_start3A_637 = tpu.memref_slice %arg2[%dma_start3A_635, %dma_start3A_636] : memref<10000x64xf32, #tpu.memory_space<hbm>> -> memref<10000x64xf32, #tpu.memory_space<hbm>>
    %dma_start3A_638 = tpu.memref_slice %arg9[%dma_start3A_627] : memref<8x!tpu.dma_semaphore, #tpu.memory_space<semaphore_mem>> -> memref<1x!tpu.dma_semaphore, #tpu.memory_space<semaphore_mem>>
    %dma_start3A_639 = tpu.memref_squeeze %dma_start3A_638 : memref<1x!tpu.dma_semaphore, #tpu.memory_space<semaphore_mem>> -> memref<!tpu.dma_semaphore, #tpu.memory_space<semaphore_mem>>
    tpu.enqueue_indirect_dma source(%dma_start3A_637 : memref<10000x64xf32, #tpu.memory_space<hbm>>) target(%dma_start3A_631 : memref<128x64xf32, #tpu.memory_space<vmem>>) offsets(%dma_start3A_634 : memref<128xi32, #tpu.memory_space<vmem>>) semaphore(%dma_start3A_639 : memref<!tpu.dma_semaphore, #tpu.memory_space<semaphore_mem>>)
    %dma_start3A_640 = arith.constant 3 : i32
    %dma_start3A_641 = arith.constant 0 : i32
    %dma_start3A_642 = arith.constant 3 : i32
    %dma_start3A_643 = arith.constant 3 : i32
    %dma_start3A_644 = arith.constant 0 : i32
    %dma_start3A_645 = arith.constant 0 : i32
    %dma_start3A_646 = tpu.memref_slice %arg7[%dma_start3A_642, %dma_start3A_644, %dma_start3A_645] : memref<8x128x64xf32, #tpu.memory_space<vmem>> -> memref<1x128x64xf32, #tpu.memory_space<vmem>>
    %dma_start3A_647 = tpu.memref_squeeze %dma_start3A_646 : memref<1x128x64xf32, #tpu.memory_space<vmem>> -> memref<128x64xf32, #tpu.memory_space<vmem>>
    %dma_start3A_648 = arith.constant 0 : i32
    %dma_start3A_649 = tpu.memref_slice %arg6[%dma_start3A_640, %dma_start3A_641, %dma_start3A_648] : memref<80x2x128xi32, #tpu.memory_space<vmem>> -> memref<1x1x128xi32, #tpu.memory_space<vmem>>
    %dma_start3A_650 = tpu.memref_squeeze %dma_start3A_649 : memref<1x1x128xi32, #tpu.memory_space<vmem>> -> memref<128xi32, #tpu.memory_space<vmem>>
    %dma_start3A_651 = arith.constant 0 : i32
    %dma_start3A_652 = arith.constant 0 : i32
    %dma_start3A_653 = tpu.memref_slice %arg2[%dma_start3A_651, %dma_start3A_652] : memref<10000x64xf32, #tpu.memory_space<hbm>> -> memref<10000x64xf32, #tpu.memory_space<hbm>>
    %dma_start3A_654 = tpu.memref_slice %arg9[%dma_start3A_643] : memref<8x!tpu.dma_semaphore, #tpu.memory_space<semaphore_mem>> -> memref<1x!tpu.dma_semaphore, #tpu.memory_space<semaphore_mem>>
    %dma_start3A_655 = tpu.memref_squeeze %dma_start3A_654 : memref<1x!tpu.dma_semaphore, #tpu.memory_space<semaphore_mem>> -> memref<!tpu.dma_semaphore, #tpu.memory_space<semaphore_mem>>
    tpu.enqueue_indirect_dma source(%dma_start3A_653 : memref<10000x64xf32, #tpu.memory_space<hbm>>) target(%dma_start3A_647 : memref<128x64xf32, #tpu.memory_space<vmem>>) offsets(%dma_start3A_650 : memref<128xi32, #tpu.memory_space<vmem>>) semaphore(%dma_start3A_655 : memref<!tpu.dma_semaphore, #tpu.memory_space<semaphore_mem>>)
    %scan3A = arith.constant 0 : i32
    %scan3A_656 = arith.constant 10 : i32
    %scan3A_657 = arith.addi %scan3A, %scan3A_656 : i32
    %scan3A_658 = arith.constant 1 : i32
    scf.for %scan3A_792 = %scan3A to %scan3A_657 step %scan3A_658  : i32 {
      %mul3A_793 = arith.constant 8 : i32
      %mul3A_794 = arith.muli %scan3A_792, %mul3A_793 : i32
      %add3A_795 = arith.constant 0 : i32
      %add3A_796 = arith.addi %add3A_795, %mul3A_794 : i32
      %add3A_797 = arith.constant 0 : i32
      %add3A_798 = arith.addi %add3A_796, %add3A_797 : i32
      %dma_wait3A_799 = arith.constant 0 : i32
      %dma_wait3A_800 = arith.constant 0 : i32
      %dma_wait3A_801 = arith.constant 0 : i32
      %dma_wait3A_802 = arith.constant 0 : i32
      %dma_wait3A_803 = arith.constant 0 : i32
      %dma_wait3A_804 = tpu.memref_slice %arg7[%dma_wait3A_800, %dma_wait3A_802, %dma_wait3A_803] : memref<8x128x64xf32, #tpu.memory_space<vmem>> -> memref<1x128x64xf32, #tpu.memory_space<vmem>>
      %dma_wait3A_805 = tpu.memref_squeeze %dma_wait3A_804 : memref<1x128x64xf32, #tpu.memory_space<vmem>> -> memref<128x64xf32, #tpu.memory_space<vmem>>
      %dma_wait3A_806 = arith.constant 0 : i32
      %dma_wait3A_807 = tpu.memref_slice %arg6[%add3A_798, %dma_wait3A_799, %dma_wait3A_806] : memref<80x2x128xi32, #tpu.memory_space<vmem>> -> memref<1x1x128xi32, #tpu.memory_space<vmem>>
      %dma_wait3A_808 = tpu.memref_squeeze %dma_wait3A_807 : memref<1x1x128xi32, #tpu.memory_space<vmem>> -> memref<128xi32, #tpu.memory_space<vmem>>
      %dma_wait3A_809 = arith.constant 0 : i32
      %dma_wait3A_810 = arith.constant 0 : i32
      %dma_wait3A_811 = tpu.memref_slice %arg2[%dma_wait3A_809, %dma_wait3A_810] : memref<10000x64xf32, #tpu.memory_space<hbm>> -> memref<10000x64xf32, #tpu.memory_space<hbm>>
      %dma_wait3A_812 = tpu.memref_slice %arg9[%dma_wait3A_801] : memref<8x!tpu.dma_semaphore, #tpu.memory_space<semaphore_mem>> -> memref<1x!tpu.dma_semaphore, #tpu.memory_space<semaphore_mem>>
      %dma_wait3A_813 = tpu.memref_squeeze %dma_wait3A_812 : memref<1x!tpu.dma_semaphore, #tpu.memory_space<semaphore_mem>> -> memref<!tpu.dma_semaphore, #tpu.memory_space<semaphore_mem>>
      tpu.wait_indirect_dma semaphore(%dma_wait3A_813 : memref<!tpu.dma_semaphore, #tpu.memory_space<semaphore_mem>>) src(%dma_wait3A_811 : memref<10000x64xf32, #tpu.memory_space<hbm>>) dst(%dma_wait3A_805 : memref<128x64xf32, #tpu.memory_space<vmem>>)
      %dma_start3A_814 = arith.constant 0 : i32
      %dma_start3A_815 = arith.constant 1 : i32
      %dma_start3A_816 = arith.constant 0 : i32
      %dma_start3A_817 = arith.constant 0 : i32
      %dma_start3A_818 = arith.constant 0 : i32
      %dma_start3A_819 = tpu.memref_slice %arg7[%dma_start3A_814, %dma_start3A_817, %dma_start3A_818] : memref<8x128x64xf32, #tpu.memory_space<vmem>> -> memref<1x128x64xf32, #tpu.memory_space<vmem>>
      %dma_start3A_820 = tpu.memref_squeeze %dma_start3A_819 : memref<1x128x64xf32, #tpu.memory_space<vmem>> -> memref<128x64xf32, #tpu.memory_space<vmem>>
      %dma_start3A_821 = arith.constant 0 : i32
      %dma_start3A_822 = tpu.memref_slice %arg6[%add3A_798, %dma_start3A_815, %dma_start3A_821] : memref<80x2x128xi32, #tpu.memory_space<vmem>> -> memref<1x1x128xi32, #tpu.memory_space<vmem>>
      %dma_start3A_823 = tpu.memref_squeeze %dma_start3A_822 : memref<1x1x128xi32, #tpu.memory_space<vmem>> -> memref<128xi32, #tpu.memory_space<vmem>>
      %dma_start3A_824 = arith.constant 0 : i32
      %dma_start3A_825 = arith.constant 0 : i32
      %dma_start3A_826 = tpu.memref_slice %arg8[%dma_start3A_824, %dma_start3A_825] : memref<10112x64xf32, #tpu.memory_space<vmem_shared>> -> memref<10112x64xf32, #tpu.memory_space<vmem_shared>>
      %dma_start3A_827 = tpu.memref_slice %arg10[%dma_start3A_816] : memref<8x!tpu.dma_semaphore, #tpu.memory_space<semaphore_mem>> -> memref<1x!tpu.dma_semaphore, #tpu.memory_space<semaphore_mem>>
      %dma_start3A_828 = tpu.memref_squeeze %dma_start3A_827 : memref<1x!tpu.dma_semaphore, #tpu.memory_space<semaphore_mem>> -> memref<!tpu.dma_semaphore, #tpu.memory_space<semaphore_mem>>
      tpu.enqueue_indirect_dma source(%dma_start3A_820 : memref<128x64xf32, #tpu.memory_space<vmem>>) target(%dma_start3A_826 : memref<10112x64xf32, #tpu.memory_space<vmem_shared>>) offsets(%dma_start3A_823 : memref<128xi32, #tpu.memory_space<vmem>>) semaphore(%dma_start3A_828 : memref<!tpu.dma_semaphore, #tpu.memory_space<semaphore_mem>>) {add = true}
      %add3A_829 = arith.constant 4 : i32
      %add3A_830 = arith.addi %add3A_798, %add3A_829 : i32
      %lt3A_831 = arith.constant 80 : i32
      %lt3A_832 = arith.cmpi slt, %add3A_830, %lt3A_831 : i32
      %convert_element_type3A_833 = arith.extui %lt3A_832 : i1 to i32
      %cond3A_834 = arith.constant 0 : i32
      %cond3A_835 = arith.cmpi ne, %convert_element_type3A_833, %cond3A_834 : i32
      scf.if %cond3A_835 {
        %ge3A_1109 = arith.constant 8 : i32
        %ge3A_1110 = arith.cmpi sge, %add3A_830, %ge3A_1109 : i32
        %convert_element_type3A_1111 = arith.extui %ge3A_1110 : i1 to i32
        %cond3A_1112 = arith.constant 0 : i32
        %cond3A_1113 = arith.cmpi ne, %convert_element_type3A_1111, %cond3A_1112 : i32
        scf.if %cond3A_1113 {
          %sub3A = arith.constant 8 : i32
          %sub3A_1129 = arith.subi %add3A_830, %sub3A : i32
          %dma_wait3A_1130 = arith.constant 4 : i32
          %dma_wait3A_1131 = arith.constant 1 : i32
          %dma_wait3A_1132 = arith.constant 4 : i32
          %dma_wait3A_1133 = arith.constant 0 : i32
          %dma_wait3A_1134 = arith.constant 0 : i32
          %dma_wait3A_1135 = tpu.memref_slice %arg7[%dma_wait3A_1130, %dma_wait3A_1133, %dma_wait3A_1134] : memref<8x128x64xf32, #tpu.memory_space<vmem>> -> memref<1x128x64xf32, #tpu.memory_space<vmem>>
          %dma_wait3A_1136 = tpu.memref_squeeze %dma_wait3A_1135 : memref<1x128x64xf32, #tpu.memory_space<vmem>> -> memref<128x64xf32, #tpu.memory_space<vmem>>
          %dma_wait3A_1137 = arith.constant 0 : i32
          %dma_wait3A_1138 = tpu.memref_slice %arg6[%sub3A_1129, %dma_wait3A_1131, %dma_wait3A_1137] : memref<80x2x128xi32, #tpu.memory_space<vmem>> -> memref<1x1x128xi32, #tpu.memory_space<vmem>>
          %dma_wait3A_1139 = tpu.memref_squeeze %dma_wait3A_1138 : memref<1x1x128xi32, #tpu.memory_space<vmem>> -> memref<128xi32, #tpu.memory_space<vmem>>
          %dma_wait3A_1140 = arith.constant 0 : i32
          %dma_wait3A_1141 = arith.constant 0 : i32
          %dma_wait3A_1142 = tpu.memref_slice %arg8[%dma_wait3A_1140, %dma_wait3A_1141] : memref<10112x64xf32, #tpu.memory_space<vmem_shared>> -> memref<10112x64xf32, #tpu.memory_space<vmem_shared>>
          %dma_wait3A_1143 = tpu.memref_slice %arg10[%dma_wait3A_1132] : memref<8x!tpu.dma_semaphore, #tpu.memory_space<semaphore_mem>> -> memref<1x!tpu.dma_semaphore, #tpu.memory_space<semaphore_mem>>
          %dma_wait3A_1144 = tpu.memref_squeeze %dma_wait3A_1143 : memref<1x!tpu.dma_semaphore, #tpu.memory_space<semaphore_mem>> -> memref<!tpu.dma_semaphore, #tpu.memory_space<semaphore_mem>>
          tpu.wait_indirect_dma semaphore(%dma_wait3A_1144 : memref<!tpu.dma_semaphore, #tpu.memory_space<semaphore_mem>>) src(%dma_wait3A_1136 : memref<128x64xf32, #tpu.memory_space<vmem>>) dst(%dma_wait3A_1142 : memref<10112x64xf32, #tpu.memory_space<vmem_shared>>)
        } else {
        }
        %dma_start3A_1114 = arith.constant 0 : i32
        %dma_start3A_1115 = arith.constant 4 : i32
        %dma_start3A_1116 = arith.constant 4 : i32
        %dma_start3A_1117 = arith.constant 0 : i32
        %dma_start3A_1118 = arith.constant 0 : i32
        %dma_start3A_1119 = tpu.memref_slice %arg7[%dma_start3A_1115, %dma_start3A_1117, %dma_start3A_1118] : memref<8x128x64xf32, #tpu.memory_space<vmem>> -> memref<1x128x64xf32, #tpu.memory_space<vmem>>
        %dma_start3A_1120 = tpu.memref_squeeze %dma_start3A_1119 : memref<1x128x64xf32, #tpu.memory_space<vmem>> -> memref<128x64xf32, #tpu.memory_space<vmem>>
        %dma_start3A_1121 = arith.constant 0 : i32
        %dma_start3A_1122 = tpu.memref_slice %arg6[%add3A_830, %dma_start3A_1114, %dma_start3A_1121] : memref<80x2x128xi32, #tpu.memory_space<vmem>> -> memref<1x1x128xi32, #tpu.memory_space<vmem>>
        %dma_start3A_1123 = tpu.memref_squeeze %dma_start3A_1122 : memref<1x1x128xi32, #tpu.memory_space<vmem>> -> memref<128xi32, #tpu.memory_space<vmem>>
        %dma_start3A_1124 = arith.constant 0 : i32
        %dma_start3A_1125 = arith.constant 0 : i32
        %dma_start3A_1126 = tpu.memref_slice %arg2[%dma_start3A_1124, %dma_start3A_1125] : memref<10000x64xf32, #tpu.memory_space<hbm>> -> memref<10000x64xf32, #tpu.memory_space<hbm>>
        %dma_start3A_1127 = tpu.memref_slice %arg9[%dma_start3A_1116] : memref<8x!tpu.dma_semaphore, #tpu.memory_space<semaphore_mem>> -> memref<1x!tpu.dma_semaphore, #tpu.memory_space<semaphore_mem>>
        %dma_start3A_1128 = tpu.memref_squeeze %dma_start3A_1127 : memref<1x!tpu.dma_semaphore, #tpu.memory_space<semaphore_mem>> -> memref<!tpu.dma_semaphore, #tpu.memory_space<semaphore_mem>>
        tpu.enqueue_indirect_dma source(%dma_start3A_1126 : memref<10000x64xf32, #tpu.memory_space<hbm>>) target(%dma_start3A_1120 : memref<128x64xf32, #tpu.memory_space<vmem>>) offsets(%dma_start3A_1123 : memref<128xi32, #tpu.memory_space<vmem>>) semaphore(%dma_start3A_1128 : memref<!tpu.dma_semaphore, #tpu.memory_space<semaphore_mem>>)
      } else {
      }
      %add3A_836 = arith.constant 1 : i32
      %add3A_837 = arith.addi %add3A_796, %add3A_836 : i32
      %dma_wait3A_838 = arith.constant 0 : i32
      %dma_wait3A_839 = arith.constant 1 : i32
      %dma_wait3A_840 = arith.constant 1 : i32
      %dma_wait3A_841 = arith.constant 0 : i32
      %dma_wait3A_842 = arith.constant 0 : i32
      %dma_wait3A_843 = tpu.memref_slice %arg7[%dma_wait3A_839, %dma_wait3A_841, %dma_wait3A_842] : memref<8x128x64xf32, #tpu.memory_space<vmem>> -> memref<1x128x64xf32, #tpu.memory_space<vmem>>
      %dma_wait3A_844 = tpu.memref_squeeze %dma_wait3A_843 : memref<1x128x64xf32, #tpu.memory_space<vmem>> -> memref<128x64xf32, #tpu.memory_space<vmem>>
      %dma_wait3A_845 = arith.constant 0 : i32
      %dma_wait3A_846 = tpu.memref_slice %arg6[%add3A_837, %dma_wait3A_838, %dma_wait3A_845] : memref<80x2x128xi32, #tpu.memory_space<vmem>> -> memref<1x1x128xi32, #tpu.memory_space<vmem>>
      %dma_wait3A_847 = tpu.memref_squeeze %dma_wait3A_846 : memref<1x1x128xi32, #tpu.memory_space<vmem>> -> memref<128xi32, #tpu.memory_space<vmem>>
      %dma_wait3A_848 = arith.constant 0 : i32
      %dma_wait3A_849 = arith.constant 0 : i32
      %dma_wait3A_850 = tpu.memref_slice %arg2[%dma_wait3A_848, %dma_wait3A_849] : memref<10000x64xf32, #tpu.memory_space<hbm>> -> memref<10000x64xf32, #tpu.memory_space<hbm>>
      %dma_wait3A_851 = tpu.memref_slice %arg9[%dma_wait3A_840] : memref<8x!tpu.dma_semaphore, #tpu.memory_space<semaphore_mem>> -> memref<1x!tpu.dma_semaphore, #tpu.memory_space<semaphore_mem>>
      %dma_wait3A_852 = tpu.memref_squeeze %dma_wait3A_851 : memref<1x!tpu.dma_semaphore, #tpu.memory_space<semaphore_mem>> -> memref<!tpu.dma_semaphore, #tpu.memory_space<semaphore_mem>>
      tpu.wait_indirect_dma semaphore(%dma_wait3A_852 : memref<!tpu.dma_semaphore, #tpu.memory_space<semaphore_mem>>) src(%dma_wait3A_850 : memref<10000x64xf32, #tpu.memory_space<hbm>>) dst(%dma_wait3A_844 : memref<128x64xf32, #tpu.memory_space<vmem>>)
      %dma_start3A_853 = arith.constant 1 : i32
      %dma_start3A_854 = arith.constant 1 : i32
      %dma_start3A_855 = arith.constant 1 : i32
      %dma_start3A_856 = arith.constant 0 : i32
      %dma_start3A_857 = arith.constant 0 : i32
      %dma_start3A_858 = tpu.memref_slice %arg7[%dma_start3A_853, %dma_start3A_856, %dma_start3A_857] : memref<8x128x64xf32, #tpu.memory_space<vmem>> -> memref<1x128x64xf32, #tpu.memory_space<vmem>>
      %dma_start3A_859 = tpu.memref_squeeze %dma_start3A_858 : memref<1x128x64xf32, #tpu.memory_space<vmem>> -> memref<128x64xf32, #tpu.memory_space<vmem>>
      %dma_start3A_860 = arith.constant 0 : i32
      %dma_start3A_861 = tpu.memref_slice %arg6[%add3A_837, %dma_start3A_854, %dma_start3A_860] : memref<80x2x128xi32, #tpu.memory_space<vmem>> -> memref<1x1x128xi32, #tpu.memory_space<vmem>>
      %dma_start3A_862 = tpu.memref_squeeze %dma_start3A_861 : memref<1x1x128xi32, #tpu.memory_space<vmem>> -> memref<128xi32, #tpu.memory_space<vmem>>
      %dma_start3A_863 = arith.constant 0 : i32
      %dma_start3A_864 = arith.constant 0 : i32
      %dma_start3A_865 = tpu.memref_slice %arg8[%dma_start3A_863, %dma_start3A_864] : memref<10112x64xf32, #tpu.memory_space<vmem_shared>> -> memref<10112x64xf32, #tpu.memory_space<vmem_shared>>
      %dma_start3A_866 = tpu.memref_slice %arg10[%dma_start3A_855] : memref<8x!tpu.dma_semaphore, #tpu.memory_space<semaphore_mem>> -> memref<1x!tpu.dma_semaphore, #tpu.memory_space<semaphore_mem>>
      %dma_start3A_867 = tpu.memref_squeeze %dma_start3A_866 : memref<1x!tpu.dma_semaphore, #tpu.memory_space<semaphore_mem>> -> memref<!tpu.dma_semaphore, #tpu.memory_space<semaphore_mem>>
      tpu.enqueue_indirect_dma source(%dma_start3A_859 : memref<128x64xf32, #tpu.memory_space<vmem>>) target(%dma_start3A_865 : memref<10112x64xf32, #tpu.memory_space<vmem_shared>>) offsets(%dma_start3A_862 : memref<128xi32, #tpu.memory_space<vmem>>) semaphore(%dma_start3A_867 : memref<!tpu.dma_semaphore, #tpu.memory_space<semaphore_mem>>) {add = true}
      %add3A_868 = arith.constant 4 : i32
      %add3A_869 = arith.addi %add3A_837, %add3A_868 : i32
      %lt3A_870 = arith.constant 80 : i32
      %lt3A_871 = arith.cmpi slt, %add3A_869, %lt3A_870 : i32
      %convert_element_type3A_872 = arith.extui %lt3A_871 : i1 to i32
      %cond3A_873 = arith.constant 0 : i32
      %cond3A_874 = arith.cmpi ne, %convert_element_type3A_872, %cond3A_873 : i32
      scf.if %cond3A_874 {
        %ge3A_1109 = arith.constant 8 : i32
        %ge3A_1110 = arith.cmpi sge, %add3A_869, %ge3A_1109 : i32
        %convert_element_type3A_1111 = arith.extui %ge3A_1110 : i1 to i32
        %cond3A_1112 = arith.constant 0 : i32
        %cond3A_1113 = arith.cmpi ne, %convert_element_type3A_1111, %cond3A_1112 : i32
        scf.if %cond3A_1113 {
          %sub3A = arith.constant 8 : i32
          %sub3A_1129 = arith.subi %add3A_869, %sub3A : i32
          %dma_wait3A_1130 = arith.constant 5 : i32
          %dma_wait3A_1131 = arith.constant 1 : i32
          %dma_wait3A_1132 = arith.constant 5 : i32
          %dma_wait3A_1133 = arith.constant 0 : i32
          %dma_wait3A_1134 = arith.constant 0 : i32
          %dma_wait3A_1135 = tpu.memref_slice %arg7[%dma_wait3A_1130, %dma_wait3A_1133, %dma_wait3A_1134] : memref<8x128x64xf32, #tpu.memory_space<vmem>> -> memref<1x128x64xf32, #tpu.memory_space<vmem>>
          %dma_wait3A_1136 = tpu.memref_squeeze %dma_wait3A_1135 : memref<1x128x64xf32, #tpu.memory_space<vmem>> -> memref<128x64xf32, #tpu.memory_space<vmem>>
          %dma_wait3A_1137 = arith.constant 0 : i32
          %dma_wait3A_1138 = tpu.memref_slice %arg6[%sub3A_1129, %dma_wait3A_1131, %dma_wait3A_1137] : memref<80x2x128xi32, #tpu.memory_space<vmem>> -> memref<1x1x128xi32, #tpu.memory_space<vmem>>
          %dma_wait3A_1139 = tpu.memref_squeeze %dma_wait3A_1138 : memref<1x1x128xi32, #tpu.memory_space<vmem>> -> memref<128xi32, #tpu.memory_space<vmem>>
          %dma_wait3A_1140 = arith.constant 0 : i32
          %dma_wait3A_1141 = arith.constant 0 : i32
          %dma_wait3A_1142 = tpu.memref_slice %arg8[%dma_wait3A_1140, %dma_wait3A_1141] : memref<10112x64xf32, #tpu.memory_space<vmem_shared>> -> memref<10112x64xf32, #tpu.memory_space<vmem_shared>>
          %dma_wait3A_1143 = tpu.memref_slice %arg10[%dma_wait3A_1132] : memref<8x!tpu.dma_semaphore, #tpu.memory_space<semaphore_mem>> -> memref<1x!tpu.dma_semaphore, #tpu.memory_space<semaphore_mem>>
          %dma_wait3A_1144 = tpu.memref_squeeze %dma_wait3A_1143 : memref<1x!tpu.dma_semaphore, #tpu.memory_space<semaphore_mem>> -> memref<!tpu.dma_semaphore, #tpu.memory_space<semaphore_mem>>
          tpu.wait_indirect_dma semaphore(%dma_wait3A_1144 : memref<!tpu.dma_semaphore, #tpu.memory_space<semaphore_mem>>) src(%dma_wait3A_1136 : memref<128x64xf32, #tpu.memory_space<vmem>>) dst(%dma_wait3A_1142 : memref<10112x64xf32, #tpu.memory_space<vmem_shared>>)
        } else {
        }
        %dma_start3A_1114 = arith.constant 0 : i32
        %dma_start3A_1115 = arith.constant 5 : i32
        %dma_start3A_1116 = arith.constant 5 : i32
        %dma_start3A_1117 = arith.constant 0 : i32
        %dma_start3A_1118 = arith.constant 0 : i32
        %dma_start3A_1119 = tpu.memref_slice %arg7[%dma_start3A_1115, %dma_start3A_1117, %dma_start3A_1118] : memref<8x128x64xf32, #tpu.memory_space<vmem>> -> memref<1x128x64xf32, #tpu.memory_space<vmem>>
        %dma_start3A_1120 = tpu.memref_squeeze %dma_start3A_1119 : memref<1x128x64xf32, #tpu.memory_space<vmem>> -> memref<128x64xf32, #tpu.memory_space<vmem>>
        %dma_start3A_1121 = arith.constant 0 : i32
        %dma_start3A_1122 = tpu.memref_slice %arg6[%add3A_869, %dma_start3A_1114, %dma_start3A_1121] : memref<80x2x128xi32, #tpu.memory_space<vmem>> -> memref<1x1x128xi32, #tpu.memory_space<vmem>>
        %dma_start3A_1123 = tpu.memref_squeeze %dma_start3A_1122 : memref<1x1x128xi32, #tpu.memory_space<vmem>> -> memref<128xi32, #tpu.memory_space<vmem>>
        %dma_start3A_1124 = arith.constant 0 : i32
        %dma_start3A_1125 = arith.constant 0 : i32
        %dma_start3A_1126 = tpu.memref_slice %arg2[%dma_start3A_1124, %dma_start3A_1125] : memref<10000x64xf32, #tpu.memory_space<hbm>> -> memref<10000x64xf32, #tpu.memory_space<hbm>>
        %dma_start3A_1127 = tpu.memref_slice %arg9[%dma_start3A_1116] : memref<8x!tpu.dma_semaphore, #tpu.memory_space<semaphore_mem>> -> memref<1x!tpu.dma_semaphore, #tpu.memory_space<semaphore_mem>>
        %dma_start3A_1128 = tpu.memref_squeeze %dma_start3A_1127 : memref<1x!tpu.dma_semaphore, #tpu.memory_space<semaphore_mem>> -> memref<!tpu.dma_semaphore, #tpu.memory_space<semaphore_mem>>
        tpu.enqueue_indirect_dma source(%dma_start3A_1126 : memref<10000x64xf32, #tpu.memory_space<hbm>>) target(%dma_start3A_1120 : memref<128x64xf32, #tpu.memory_space<vmem>>) offsets(%dma_start3A_1123 : memref<128xi32, #tpu.memory_space<vmem>>) semaphore(%dma_start3A_1128 : memref<!tpu.dma_semaphore, #tpu.memory_space<semaphore_mem>>)
      } else {
      }
      %add3A_875 = arith.constant 2 : i32
      %add3A_876 = arith.addi %add3A_796, %add3A_875 : i32
      %dma_wait3A_877 = arith.constant 0 : i32
      %dma_wait3A_878 = arith.constant 2 : i32
      %dma_wait3A_879 = arith.constant 2 : i32
      %dma_wait3A_880 = arith.constant 0 : i32
      %dma_wait3A_881 = arith.constant 0 : i32
      %dma_wait3A_882 = tpu.memref_slice %arg7[%dma_wait3A_878, %dma_wait3A_880, %dma_wait3A_881] : memref<8x128x64xf32, #tpu.memory_space<vmem>> -> memref<1x128x64xf32, #tpu.memory_space<vmem>>
      %dma_wait3A_883 = tpu.memref_squeeze %dma_wait3A_882 : memref<1x128x64xf32, #tpu.memory_space<vmem>> -> memref<128x64xf32, #tpu.memory_space<vmem>>
      %dma_wait3A_884 = arith.constant 0 : i32
      %dma_wait3A_885 = tpu.memref_slice %arg6[%add3A_876, %dma_wait3A_877, %dma_wait3A_884] : memref<80x2x128xi32, #tpu.memory_space<vmem>> -> memref<1x1x128xi32, #tpu.memory_space<vmem>>
      %dma_wait3A_886 = tpu.memref_squeeze %dma_wait3A_885 : memref<1x1x128xi32, #tpu.memory_space<vmem>> -> memref<128xi32, #tpu.memory_space<vmem>>
      %dma_wait3A_887 = arith.constant 0 : i32
      %dma_wait3A_888 = arith.constant 0 : i32
      %dma_wait3A_889 = tpu.memref_slice %arg2[%dma_wait3A_887, %dma_wait3A_888] : memref<10000x64xf32, #tpu.memory_space<hbm>> -> memref<10000x64xf32, #tpu.memory_space<hbm>>
      %dma_wait3A_890 = tpu.memref_slice %arg9[%dma_wait3A_879] : memref<8x!tpu.dma_semaphore, #tpu.memory_space<semaphore_mem>> -> memref<1x!tpu.dma_semaphore, #tpu.memory_space<semaphore_mem>>
      %dma_wait3A_891 = tpu.memref_squeeze %dma_wait3A_890 : memref<1x!tpu.dma_semaphore, #tpu.memory_space<semaphore_mem>> -> memref<!tpu.dma_semaphore, #tpu.memory_space<semaphore_mem>>
      tpu.wait_indirect_dma semaphore(%dma_wait3A_891 : memref<!tpu.dma_semaphore, #tpu.memory_space<semaphore_mem>>) src(%dma_wait3A_889 : memref<10000x64xf32, #tpu.memory_space<hbm>>) dst(%dma_wait3A_883 : memref<128x64xf32, #tpu.memory_space<vmem>>)
      %dma_start3A_892 = arith.constant 2 : i32
      %dma_start3A_893 = arith.constant 1 : i32
      %dma_start3A_894 = arith.constant 2 : i32
      %dma_start3A_895 = arith.constant 0 : i32
      %dma_start3A_896 = arith.constant 0 : i32
      %dma_start3A_897 = tpu.memref_slice %arg7[%dma_start3A_892, %dma_start3A_895, %dma_start3A_896] : memref<8x128x64xf32, #tpu.memory_space<vmem>> -> memref<1x128x64xf32, #tpu.memory_space<vmem>>
      %dma_start3A_898 = tpu.memref_squeeze %dma_start3A_897 : memref<1x128x64xf32, #tpu.memory_space<vmem>> -> memref<128x64xf32, #tpu.memory_space<vmem>>
      %dma_start3A_899 = arith.constant 0 : i32
      %dma_start3A_900 = tpu.memref_slice %arg6[%add3A_876, %dma_start3A_893, %dma_start3A_899] : memref<80x2x128xi32, #tpu.memory_space<vmem>> -> memref<1x1x128xi32, #tpu.memory_space<vmem>>
      %dma_start3A_901 = tpu.memref_squeeze %dma_start3A_900 : memref<1x1x128xi32, #tpu.memory_space<vmem>> -> memref<128xi32, #tpu.memory_space<vmem>>
      %dma_start3A_902 = arith.constant 0 : i32
      %dma_start3A_903 = arith.constant 0 : i32
      %dma_start3A_904 = tpu.memref_slice %arg8[%dma_start3A_902, %dma_start3A_903] : memref<10112x64xf32, #tpu.memory_space<vmem_shared>> -> memref<10112x64xf32, #tpu.memory_space<vmem_shared>>
      %dma_start3A_905 = tpu.memref_slice %arg10[%dma_start3A_894] : memref<8x!tpu.dma_semaphore, #tpu.memory_space<semaphore_mem>> -> memref<1x!tpu.dma_semaphore, #tpu.memory_space<semaphore_mem>>
      %dma_start3A_906 = tpu.memref_squeeze %dma_start3A_905 : memref<1x!tpu.dma_semaphore, #tpu.memory_space<semaphore_mem>> -> memref<!tpu.dma_semaphore, #tpu.memory_space<semaphore_mem>>
      tpu.enqueue_indirect_dma source(%dma_start3A_898 : memref<128x64xf32, #tpu.memory_space<vmem>>) target(%dma_start3A_904 : memref<10112x64xf32, #tpu.memory_space<vmem_shared>>) offsets(%dma_start3A_901 : memref<128xi32, #tpu.memory_space<vmem>>) semaphore(%dma_start3A_906 : memref<!tpu.dma_semaphore, #tpu.memory_space<semaphore_mem>>) {add = true}
      %add3A_907 = arith.constant 4 : i32
      %add3A_908 = arith.addi %add3A_876, %add3A_907 : i32
      %lt3A_909 = arith.constant 80 : i32
      %lt3A_910 = arith.cmpi slt, %add3A_908, %lt3A_909 : i32
      %convert_element_type3A_911 = arith.extui %lt3A_910 : i1 to i32
      %cond3A_912 = arith.constant 0 : i32
      %cond3A_913 = arith.cmpi ne, %convert_element_type3A_911, %cond3A_912 : i32
      scf.if %cond3A_913 {
        %ge3A_1109 = arith.constant 8 : i32
        %ge3A_1110 = arith.cmpi sge, %add3A_908, %ge3A_1109 : i32
        %convert_element_type3A_1111 = arith.extui %ge3A_1110 : i1 to i32
        %cond3A_1112 = arith.constant 0 : i32
        %cond3A_1113 = arith.cmpi ne, %convert_element_type3A_1111, %cond3A_1112 : i32
        scf.if %cond3A_1113 {
          %sub3A = arith.constant 8 : i32
          %sub3A_1129 = arith.subi %add3A_908, %sub3A : i32
          %dma_wait3A_1130 = arith.constant 6 : i32
          %dma_wait3A_1131 = arith.constant 1 : i32
          %dma_wait3A_1132 = arith.constant 6 : i32
          %dma_wait3A_1133 = arith.constant 0 : i32
          %dma_wait3A_1134 = arith.constant 0 : i32
          %dma_wait3A_1135 = tpu.memref_slice %arg7[%dma_wait3A_1130, %dma_wait3A_1133, %dma_wait3A_1134] : memref<8x128x64xf32, #tpu.memory_space<vmem>> -> memref<1x128x64xf32, #tpu.memory_space<vmem>>
          %dma_wait3A_1136 = tpu.memref_squeeze %dma_wait3A_1135 : memref<1x128x64xf32, #tpu.memory_space<vmem>> -> memref<128x64xf32, #tpu.memory_space<vmem>>
          %dma_wait3A_1137 = arith.constant 0 : i32
          %dma_wait3A_1138 = tpu.memref_slice %arg6[%sub3A_1129, %dma_wait3A_1131, %dma_wait3A_1137] : memref<80x2x128xi32, #tpu.memory_space<vmem>> -> memref<1x1x128xi32, #tpu.memory_space<vmem>>
          %dma_wait3A_1139 = tpu.memref_squeeze %dma_wait3A_1138 : memref<1x1x128xi32, #tpu.memory_space<vmem>> -> memref<128xi32, #tpu.memory_space<vmem>>
          %dma_wait3A_1140 = arith.constant 0 : i32
          %dma_wait3A_1141 = arith.constant 0 : i32
          %dma_wait3A_1142 = tpu.memref_slice %arg8[%dma_wait3A_1140, %dma_wait3A_1141] : memref<10112x64xf32, #tpu.memory_space<vmem_shared>> -> memref<10112x64xf32, #tpu.memory_space<vmem_shared>>
          %dma_wait3A_1143 = tpu.memref_slice %arg10[%dma_wait3A_1132] : memref<8x!tpu.dma_semaphore, #tpu.memory_space<semaphore_mem>> -> memref<1x!tpu.dma_semaphore, #tpu.memory_space<semaphore_mem>>
          %dma_wait3A_1144 = tpu.memref_squeeze %dma_wait3A_1143 : memref<1x!tpu.dma_semaphore, #tpu.memory_space<semaphore_mem>> -> memref<!tpu.dma_semaphore, #tpu.memory_space<semaphore_mem>>
          tpu.wait_indirect_dma semaphore(%dma_wait3A_1144 : memref<!tpu.dma_semaphore, #tpu.memory_space<semaphore_mem>>) src(%dma_wait3A_1136 : memref<128x64xf32, #tpu.memory_space<vmem>>) dst(%dma_wait3A_1142 : memref<10112x64xf32, #tpu.memory_space<vmem_shared>>)
        } else {
        }
        %dma_start3A_1114 = arith.constant 0 : i32
        %dma_start3A_1115 = arith.constant 6 : i32
        %dma_start3A_1116 = arith.constant 6 : i32
        %dma_start3A_1117 = arith.constant 0 : i32
        %dma_start3A_1118 = arith.constant 0 : i32
        %dma_start3A_1119 = tpu.memref_slice %arg7[%dma_start3A_1115, %dma_start3A_1117, %dma_start3A_1118] : memref<8x128x64xf32, #tpu.memory_space<vmem>> -> memref<1x128x64xf32, #tpu.memory_space<vmem>>
        %dma_start3A_1120 = tpu.memref_squeeze %dma_start3A_1119 : memref<1x128x64xf32, #tpu.memory_space<vmem>> -> memref<128x64xf32, #tpu.memory_space<vmem>>
        %dma_start3A_1121 = arith.constant 0 : i32
        %dma_start3A_1122 = tpu.memref_slice %arg6[%add3A_908, %dma_start3A_1114, %dma_start3A_1121] : memref<80x2x128xi32, #tpu.memory_space<vmem>> -> memref<1x1x128xi32, #tpu.memory_space<vmem>>
        %dma_start3A_1123 = tpu.memref_squeeze %dma_start3A_1122 : memref<1x1x128xi32, #tpu.memory_space<vmem>> -> memref<128xi32, #tpu.memory_space<vmem>>
        %dma_start3A_1124 = arith.constant 0 : i32
        %dma_start3A_1125 = arith.constant 0 : i32
        %dma_start3A_1126 = tpu.memref_slice %arg2[%dma_start3A_1124, %dma_start3A_1125] : memref<10000x64xf32, #tpu.memory_space<hbm>> -> memref<10000x64xf32, #tpu.memory_space<hbm>>
        %dma_start3A_1127 = tpu.memref_slice %arg9[%dma_start3A_1116] : memref<8x!tpu.dma_semaphore, #tpu.memory_space<semaphore_mem>> -> memref<1x!tpu.dma_semaphore, #tpu.memory_space<semaphore_mem>>
        %dma_start3A_1128 = tpu.memref_squeeze %dma_start3A_1127 : memref<1x!tpu.dma_semaphore, #tpu.memory_space<semaphore_mem>> -> memref<!tpu.dma_semaphore, #tpu.memory_space<semaphore_mem>>
        tpu.enqueue_indirect_dma source(%dma_start3A_1126 : memref<10000x64xf32, #tpu.memory_space<hbm>>) target(%dma_start3A_1120 : memref<128x64xf32, #tpu.memory_space<vmem>>) offsets(%dma_start3A_1123 : memref<128xi32, #tpu.memory_space<vmem>>) semaphore(%dma_start3A_1128 : memref<!tpu.dma_semaphore, #tpu.memory_space<semaphore_mem>>)
      } else {
      }
      %add3A_914 = arith.constant 3 : i32
      %add3A_915 = arith.addi %add3A_796, %add3A_914 : i32
      %dma_wait3A_916 = arith.constant 0 : i32
      %dma_wait3A_917 = arith.constant 3 : i32
      %dma_wait3A_918 = arith.constant 3 : i32
      %dma_wait3A_919 = arith.constant 0 : i32
      %dma_wait3A_920 = arith.constant 0 : i32
      %dma_wait3A_921 = tpu.memref_slice %arg7[%dma_wait3A_917, %dma_wait3A_919, %dma_wait3A_920] : memref<8x128x64xf32, #tpu.memory_space<vmem>> -> memref<1x128x64xf32, #tpu.memory_space<vmem>>
      %dma_wait3A_922 = tpu.memref_squeeze %dma_wait3A_921 : memref<1x128x64xf32, #tpu.memory_space<vmem>> -> memref<128x64xf32, #tpu.memory_space<vmem>>
      %dma_wait3A_923 = arith.constant 0 : i32
      %dma_wait3A_924 = tpu.memref_slice %arg6[%add3A_915, %dma_wait3A_916, %dma_wait3A_923] : memref<80x2x128xi32, #tpu.memory_space<vmem>> -> memref<1x1x128xi32, #tpu.memory_space<vmem>>
      %dma_wait3A_925 = tpu.memref_squeeze %dma_wait3A_924 : memref<1x1x128xi32, #tpu.memory_space<vmem>> -> memref<128xi32, #tpu.memory_space<vmem>>
      %dma_wait3A_926 = arith.constant 0 : i32
      %dma_wait3A_927 = arith.constant 0 : i32
      %dma_wait3A_928 = tpu.memref_slice %arg2[%dma_wait3A_926, %dma_wait3A_927] : memref<10000x64xf32, #tpu.memory_space<hbm>> -> memref<10000x64xf32, #tpu.memory_space<hbm>>
      %dma_wait3A_929 = tpu.memref_slice %arg9[%dma_wait3A_918] : memref<8x!tpu.dma_semaphore, #tpu.memory_space<semaphore_mem>> -> memref<1x!tpu.dma_semaphore, #tpu.memory_space<semaphore_mem>>
      %dma_wait3A_930 = tpu.memref_squeeze %dma_wait3A_929 : memref<1x!tpu.dma_semaphore, #tpu.memory_space<semaphore_mem>> -> memref<!tpu.dma_semaphore, #tpu.memory_space<semaphore_mem>>
      tpu.wait_indirect_dma semaphore(%dma_wait3A_930 : memref<!tpu.dma_semaphore, #tpu.memory_space<semaphore_mem>>) src(%dma_wait3A_928 : memref<10000x64xf32, #tpu.memory_space<hbm>>) dst(%dma_wait3A_922 : memref<128x64xf32, #tpu.memory_space<vmem>>)
      %dma_start3A_931 = arith.constant 3 : i32
      %dma_start3A_932 = arith.constant 1 : i32
      %dma_start3A_933 = arith.constant 3 : i32
      %dma_start3A_934 = arith.constant 0 : i32
      %dma_start3A_935 = arith.constant 0 : i32
      %dma_start3A_936 = tpu.memref_slice %arg7[%dma_start3A_931, %dma_start3A_934, %dma_start3A_935] : memref<8x128x64xf32, #tpu.memory_space<vmem>> -> memref<1x128x64xf32, #tpu.memory_space<vmem>>
      %dma_start3A_937 = tpu.memref_squeeze %dma_start3A_936 : memref<1x128x64xf32, #tpu.memory_space<vmem>> -> memref<128x64xf32, #tpu.memory_space<vmem>>
      %dma_start3A_938 = arith.constant 0 : i32
      %dma_start3A_939 = tpu.memref_slice %arg6[%add3A_915, %dma_start3A_932, %dma_start3A_938] : memref<80x2x128xi32, #tpu.memory_space<vmem>> -> memref<1x1x128xi32, #tpu.memory_space<vmem>>
      %dma_start3A_940 = tpu.memref_squeeze %dma_start3A_939 : memref<1x1x128xi32, #tpu.memory_space<vmem>> -> memref<128xi32, #tpu.memory_space<vmem>>
      %dma_start3A_941 = arith.constant 0 : i32
      %dma_start3A_942 = arith.constant 0 : i32
      %dma_start3A_943 = tpu.memref_slice %arg8[%dma_start3A_941, %dma_start3A_942] : memref<10112x64xf32, #tpu.memory_space<vmem_shared>> -> memref<10112x64xf32, #tpu.memory_space<vmem_shared>>
      %dma_start3A_944 = tpu.memref_slice %arg10[%dma_start3A_933] : memref<8x!tpu.dma_semaphore, #tpu.memory_space<semaphore_mem>> -> memref<1x!tpu.dma_semaphore, #tpu.memory_space<semaphore_mem>>
      %dma_start3A_945 = tpu.memref_squeeze %dma_start3A_944 : memref<1x!tpu.dma_semaphore, #tpu.memory_space<semaphore_mem>> -> memref<!tpu.dma_semaphore, #tpu.memory_space<semaphore_mem>>
      tpu.enqueue_indirect_dma source(%dma_start3A_937 : memref<128x64xf32, #tpu.memory_space<vmem>>) target(%dma_start3A_943 : memref<10112x64xf32, #tpu.memory_space<vmem_shared>>) offsets(%dma_start3A_940 : memref<128xi32, #tpu.memory_space<vmem>>) semaphore(%dma_start3A_945 : memref<!tpu.dma_semaphore, #tpu.memory_space<semaphore_mem>>) {add = true}
      %add3A_946 = arith.constant 4 : i32
      %add3A_947 = arith.addi %add3A_915, %add3A_946 : i32
      %lt3A_948 = arith.constant 80 : i32
      %lt3A_949 = arith.cmpi slt, %add3A_947, %lt3A_948 : i32
      %convert_element_type3A_950 = arith.extui %lt3A_949 : i1 to i32
      %cond3A_951 = arith.constant 0 : i32
      %cond3A_952 = arith.cmpi ne, %convert_element_type3A_950, %cond3A_951 : i32
      scf.if %cond3A_952 {
        %ge3A_1109 = arith.constant 8 : i32
        %ge3A_1110 = arith.cmpi sge, %add3A_947, %ge3A_1109 : i32
        %convert_element_type3A_1111 = arith.extui %ge3A_1110 : i1 to i32
        %cond3A_1112 = arith.constant 0 : i32
        %cond3A_1113 = arith.cmpi ne, %convert_element_type3A_1111, %cond3A_1112 : i32
        scf.if %cond3A_1113 {
          %sub3A = arith.constant 8 : i32
          %sub3A_1129 = arith.subi %add3A_947, %sub3A : i32
          %dma_wait3A_1130 = arith.constant 7 : i32
          %dma_wait3A_1131 = arith.constant 1 : i32
          %dma_wait3A_1132 = arith.constant 7 : i32
          %dma_wait3A_1133 = arith.constant 0 : i32
          %dma_wait3A_1134 = arith.constant 0 : i32
          %dma_wait3A_1135 = tpu.memref_slice %arg7[%dma_wait3A_1130, %dma_wait3A_1133, %dma_wait3A_1134] : memref<8x128x64xf32, #tpu.memory_space<vmem>> -> memref<1x128x64xf32, #tpu.memory_space<vmem>>
          %dma_wait3A_1136 = tpu.memref_squeeze %dma_wait3A_1135 : memref<1x128x64xf32, #tpu.memory_space<vmem>> -> memref<128x64xf32, #tpu.memory_space<vmem>>
          %dma_wait3A_1137 = arith.constant 0 : i32
          %dma_wait3A_1138 = tpu.memref_slice %arg6[%sub3A_1129, %dma_wait3A_1131, %dma_wait3A_1137] : memref<80x2x128xi32, #tpu.memory_space<vmem>> -> memref<1x1x128xi32, #tpu.memory_space<vmem>>
          %dma_wait3A_1139 = tpu.memref_squeeze %dma_wait3A_1138 : memref<1x1x128xi32, #tpu.memory_space<vmem>> -> memref<128xi32, #tpu.memory_space<vmem>>
          %dma_wait3A_1140 = arith.constant 0 : i32
          %dma_wait3A_1141 = arith.constant 0 : i32
          %dma_wait3A_1142 = tpu.memref_slice %arg8[%dma_wait3A_1140, %dma_wait3A_1141] : memref<10112x64xf32, #tpu.memory_space<vmem_shared>> -> memref<10112x64xf32, #tpu.memory_space<vmem_shared>>
          %dma_wait3A_1143 = tpu.memref_slice %arg10[%dma_wait3A_1132] : memref<8x!tpu.dma_semaphore, #tpu.memory_space<semaphore_mem>> -> memref<1x!tpu.dma_semaphore, #tpu.memory_space<semaphore_mem>>
          %dma_wait3A_1144 = tpu.memref_squeeze %dma_wait3A_1143 : memref<1x!tpu.dma_semaphore, #tpu.memory_space<semaphore_mem>> -> memref<!tpu.dma_semaphore, #tpu.memory_space<semaphore_mem>>
          tpu.wait_indirect_dma semaphore(%dma_wait3A_1144 : memref<!tpu.dma_semaphore, #tpu.memory_space<semaphore_mem>>) src(%dma_wait3A_1136 : memref<128x64xf32, #tpu.memory_space<vmem>>) dst(%dma_wait3A_1142 : memref<10112x64xf32, #tpu.memory_space<vmem_shared>>)
        } else {
        }
        %dma_start3A_1114 = arith.constant 0 : i32
        %dma_start3A_1115 = arith.constant 7 : i32
        %dma_start3A_1116 = arith.constant 7 : i32
        %dma_start3A_1117 = arith.constant 0 : i32
        %dma_start3A_1118 = arith.constant 0 : i32
        %dma_start3A_1119 = tpu.memref_slice %arg7[%dma_start3A_1115, %dma_start3A_1117, %dma_start3A_1118] : memref<8x128x64xf32, #tpu.memory_space<vmem>> -> memref<1x128x64xf32, #tpu.memory_space<vmem>>
        %dma_start3A_1120 = tpu.memref_squeeze %dma_start3A_1119 : memref<1x128x64xf32, #tpu.memory_space<vmem>> -> memref<128x64xf32, #tpu.memory_space<vmem>>
        %dma_start3A_1121 = arith.constant 0 : i32
        %dma_start3A_1122 = tpu.memref_slice %arg6[%add3A_947, %dma_start3A_1114, %dma_start3A_1121] : memref<80x2x128xi32, #tpu.memory_space<vmem>> -> memref<1x1x128xi32, #tpu.memory_space<vmem>>
        %dma_start3A_1123 = tpu.memref_squeeze %dma_start3A_1122 : memref<1x1x128xi32, #tpu.memory_space<vmem>> -> memref<128xi32, #tpu.memory_space<vmem>>
        %dma_start3A_1124 = arith.constant 0 : i32
        %dma_start3A_1125 = arith.constant 0 : i32
        %dma_start3A_1126 = tpu.memref_slice %arg2[%dma_start3A_1124, %dma_start3A_1125] : memref<10000x64xf32, #tpu.memory_space<hbm>> -> memref<10000x64xf32, #tpu.memory_space<hbm>>
        %dma_start3A_1127 = tpu.memref_slice %arg9[%dma_start3A_1116] : memref<8x!tpu.dma_semaphore, #tpu.memory_space<semaphore_mem>> -> memref<1x!tpu.dma_semaphore, #tpu.memory_space<semaphore_mem>>
        %dma_start3A_1128 = tpu.memref_squeeze %dma_start3A_1127 : memref<1x!tpu.dma_semaphore, #tpu.memory_space<semaphore_mem>> -> memref<!tpu.dma_semaphore, #tpu.memory_space<semaphore_mem>>
        tpu.enqueue_indirect_dma source(%dma_start3A_1126 : memref<10000x64xf32, #tpu.memory_space<hbm>>) target(%dma_start3A_1120 : memref<128x64xf32, #tpu.memory_space<vmem>>) offsets(%dma_start3A_1123 : memref<128xi32, #tpu.memory_space<vmem>>) semaphore(%dma_start3A_1128 : memref<!tpu.dma_semaphore, #tpu.memory_space<semaphore_mem>>)
      } else {
      }
      %add3A_953 = arith.constant 4 : i32
      %add3A_954 = arith.addi %add3A_796, %add3A_953 : i32
      %dma_wait3A_955 = arith.constant 0 : i32
      %dma_wait3A_956 = arith.constant 4 : i32
      %dma_wait3A_957 = arith.constant 4 : i32
      %dma_wait3A_958 = arith.constant 0 : i32
      %dma_wait3A_959 = arith.constant 0 : i32
      %dma_wait3A_960 = tpu.memref_slice %arg7[%dma_wait3A_956, %dma_wait3A_958, %dma_wait3A_959] : memref<8x128x64xf32, #tpu.memory_space<vmem>> -> memref<1x128x64xf32, #tpu.memory_space<vmem>>
      %dma_wait3A_961 = tpu.memref_squeeze %dma_wait3A_960 : memref<1x128x64xf32, #tpu.memory_space<vmem>> -> memref<128x64xf32, #tpu.memory_space<vmem>>
      %dma_wait3A_962 = arith.constant 0 : i32
      %dma_wait3A_963 = tpu.memref_slice %arg6[%add3A_954, %dma_wait3A_955, %dma_wait3A_962] : memref<80x2x128xi32, #tpu.memory_space<vmem>> -> memref<1x1x128xi32, #tpu.memory_space<vmem>>
      %dma_wait3A_964 = tpu.memref_squeeze %dma_wait3A_963 : memref<1x1x128xi32, #tpu.memory_space<vmem>> -> memref<128xi32, #tpu.memory_space<vmem>>
      %dma_wait3A_965 = arith.constant 0 : i32
      %dma_wait3A_966 = arith.constant 0 : i32
      %dma_wait3A_967 = tpu.memref_slice %arg2[%dma_wait3A_965, %dma_wait3A_966] : memref<10000x64xf32, #tpu.memory_space<hbm>> -> memref<10000x64xf32, #tpu.memory_space<hbm>>
      %dma_wait3A_968 = tpu.memref_slice %arg9[%dma_wait3A_957] : memref<8x!tpu.dma_semaphore, #tpu.memory_space<semaphore_mem>> -> memref<1x!tpu.dma_semaphore, #tpu.memory_space<semaphore_mem>>
      %dma_wait3A_969 = tpu.memref_squeeze %dma_wait3A_968 : memref<1x!tpu.dma_semaphore, #tpu.memory_space<semaphore_mem>> -> memref<!tpu.dma_semaphore, #tpu.memory_space<semaphore_mem>>
      tpu.wait_indirect_dma semaphore(%dma_wait3A_969 : memref<!tpu.dma_semaphore, #tpu.memory_space<semaphore_mem>>) src(%dma_wait3A_967 : memref<10000x64xf32, #tpu.memory_space<hbm>>) dst(%dma_wait3A_961 : memref<128x64xf32, #tpu.memory_space<vmem>>)
      %dma_start3A_970 = arith.constant 4 : i32
      %dma_start3A_971 = arith.constant 1 : i32
      %dma_start3A_972 = arith.constant 4 : i32
      %dma_start3A_973 = arith.constant 0 : i32
      %dma_start3A_974 = arith.constant 0 : i32
      %dma_start3A_975 = tpu.memref_slice %arg7[%dma_start3A_970, %dma_start3A_973, %dma_start3A_974] : memref<8x128x64xf32, #tpu.memory_space<vmem>> -> memref<1x128x64xf32, #tpu.memory_space<vmem>>
      %dma_start3A_976 = tpu.memref_squeeze %dma_start3A_975 : memref<1x128x64xf32, #tpu.memory_space<vmem>> -> memref<128x64xf32, #tpu.memory_space<vmem>>
      %dma_start3A_977 = arith.constant 0 : i32
      %dma_start3A_978 = tpu.memref_slice %arg6[%add3A_954, %dma_start3A_971, %dma_start3A_977] : memref<80x2x128xi32, #tpu.memory_space<vmem>> -> memref<1x1x128xi32, #tpu.memory_space<vmem>>
      %dma_start3A_979 = tpu.memref_squeeze %dma_start3A_978 : memref<1x1x128xi32, #tpu.memory_space<vmem>> -> memref<128xi32, #tpu.memory_space<vmem>>
      %dma_start3A_980 = arith.constant 0 : i32
      %dma_start3A_981 = arith.constant 0 : i32
      %dma_start3A_982 = tpu.memref_slice %arg8[%dma_start3A_980, %dma_start3A_981] : memref<10112x64xf32, #tpu.memory_space<vmem_shared>> -> memref<10112x64xf32, #tpu.memory_space<vmem_shared>>
      %dma_start3A_983 = tpu.memref_slice %arg10[%dma_start3A_972] : memref<8x!tpu.dma_semaphore, #tpu.memory_space<semaphore_mem>> -> memref<1x!tpu.dma_semaphore, #tpu.memory_space<semaphore_mem>>
      %dma_start3A_984 = tpu.memref_squeeze %dma_start3A_983 : memref<1x!tpu.dma_semaphore, #tpu.memory_space<semaphore_mem>> -> memref<!tpu.dma_semaphore, #tpu.memory_space<semaphore_mem>>
      tpu.enqueue_indirect_dma source(%dma_start3A_976 : memref<128x64xf32, #tpu.memory_space<vmem>>) target(%dma_start3A_982 : memref<10112x64xf32, #tpu.memory_space<vmem_shared>>) offsets(%dma_start3A_979 : memref<128xi32, #tpu.memory_space<vmem>>) semaphore(%dma_start3A_984 : memref<!tpu.dma_semaphore, #tpu.memory_space<semaphore_mem>>) {add = true}
      %add3A_985 = arith.constant 4 : i32
      %add3A_986 = arith.addi %add3A_954, %add3A_985 : i32
      %lt3A_987 = arith.constant 80 : i32
      %lt3A_988 = arith.cmpi slt, %add3A_986, %lt3A_987 : i32
      %convert_element_type3A_989 = arith.extui %lt3A_988 : i1 to i32
      %cond3A_990 = arith.constant 0 : i32
      %cond3A_991 = arith.cmpi ne, %convert_element_type3A_989, %cond3A_990 : i32
      scf.if %cond3A_991 {
        %ge3A_1109 = arith.constant 8 : i32
        %ge3A_1110 = arith.cmpi sge, %add3A_986, %ge3A_1109 : i32
        %convert_element_type3A_1111 = arith.extui %ge3A_1110 : i1 to i32
        %cond3A_1112 = arith.constant 0 : i32
        %cond3A_1113 = arith.cmpi ne, %convert_element_type3A_1111, %cond3A_1112 : i32
        scf.if %cond3A_1113 {
          %sub3A = arith.constant 8 : i32
          %sub3A_1129 = arith.subi %add3A_986, %sub3A : i32
          %dma_wait3A_1130 = arith.constant 0 : i32
          %dma_wait3A_1131 = arith.constant 1 : i32
          %dma_wait3A_1132 = arith.constant 0 : i32
          %dma_wait3A_1133 = arith.constant 0 : i32
          %dma_wait3A_1134 = arith.constant 0 : i32
          %dma_wait3A_1135 = tpu.memref_slice %arg7[%dma_wait3A_1130, %dma_wait3A_1133, %dma_wait3A_1134] : memref<8x128x64xf32, #tpu.memory_space<vmem>> -> memref<1x128x64xf32, #tpu.memory_space<vmem>>
          %dma_wait3A_1136 = tpu.memref_squeeze %dma_wait3A_1135 : memref<1x128x64xf32, #tpu.memory_space<vmem>> -> memref<128x64xf32, #tpu.memory_space<vmem>>
          %dma_wait3A_1137 = arith.constant 0 : i32
          %dma_wait3A_1138 = tpu.memref_slice %arg6[%sub3A_1129, %dma_wait3A_1131, %dma_wait3A_1137] : memref<80x2x128xi32, #tpu.memory_space<vmem>> -> memref<1x1x128xi32, #tpu.memory_space<vmem>>
          %dma_wait3A_1139 = tpu.memref_squeeze %dma_wait3A_1138 : memref<1x1x128xi32, #tpu.memory_space<vmem>> -> memref<128xi32, #tpu.memory_space<vmem>>
          %dma_wait3A_1140 = arith.constant 0 : i32
          %dma_wait3A_1141 = arith.constant 0 : i32
          %dma_wait3A_1142 = tpu.memref_slice %arg8[%dma_wait3A_1140, %dma_wait3A_1141] : memref<10112x64xf32, #tpu.memory_space<vmem_shared>> -> memref<10112x64xf32, #tpu.memory_space<vmem_shared>>
          %dma_wait3A_1143 = tpu.memref_slice %arg10[%dma_wait3A_1132] : memref<8x!tpu.dma_semaphore, #tpu.memory_space<semaphore_mem>> -> memref<1x!tpu.dma_semaphore, #tpu.memory_space<semaphore_mem>>
          %dma_wait3A_1144 = tpu.memref_squeeze %dma_wait3A_1143 : memref<1x!tpu.dma_semaphore, #tpu.memory_space<semaphore_mem>> -> memref<!tpu.dma_semaphore, #tpu.memory_space<semaphore_mem>>
          tpu.wait_indirect_dma semaphore(%dma_wait3A_1144 : memref<!tpu.dma_semaphore, #tpu.memory_space<semaphore_mem>>) src(%dma_wait3A_1136 : memref<128x64xf32, #tpu.memory_space<vmem>>) dst(%dma_wait3A_1142 : memref<10112x64xf32, #tpu.memory_space<vmem_shared>>)
        } else {
        }
        %dma_start3A_1114 = arith.constant 0 : i32
        %dma_start3A_1115 = arith.constant 0 : i32
        %dma_start3A_1116 = arith.constant 0 : i32
        %dma_start3A_1117 = arith.constant 0 : i32
        %dma_start3A_1118 = arith.constant 0 : i32
        %dma_start3A_1119 = tpu.memref_slice %arg7[%dma_start3A_1115, %dma_start3A_1117, %dma_start3A_1118] : memref<8x128x64xf32, #tpu.memory_space<vmem>> -> memref<1x128x64xf32, #tpu.memory_space<vmem>>
        %dma_start3A_1120 = tpu.memref_squeeze %dma_start3A_1119 : memref<1x128x64xf32, #tpu.memory_space<vmem>> -> memref<128x64xf32, #tpu.memory_space<vmem>>
        %dma_start3A_1121 = arith.constant 0 : i32
        %dma_start3A_1122 = tpu.memref_slice %arg6[%add3A_986, %dma_start3A_1114, %dma_start3A_1121] : memref<80x2x128xi32, #tpu.memory_space<vmem>> -> memref<1x1x128xi32, #tpu.memory_space<vmem>>
        %dma_start3A_1123 = tpu.memref_squeeze %dma_start3A_1122 : memref<1x1x128xi32, #tpu.memory_space<vmem>> -> memref<128xi32, #tpu.memory_space<vmem>>
        %dma_start3A_1124 = arith.constant 0 : i32
        %dma_start3A_1125 = arith.constant 0 : i32
        %dma_start3A_1126 = tpu.memref_slice %arg2[%dma_start3A_1124, %dma_start3A_1125] : memref<10000x64xf32, #tpu.memory_space<hbm>> -> memref<10000x64xf32, #tpu.memory_space<hbm>>
        %dma_start3A_1127 = tpu.memref_slice %arg9[%dma_start3A_1116] : memref<8x!tpu.dma_semaphore, #tpu.memory_space<semaphore_mem>> -> memref<1x!tpu.dma_semaphore, #tpu.memory_space<semaphore_mem>>
        %dma_start3A_1128 = tpu.memref_squeeze %dma_start3A_1127 : memref<1x!tpu.dma_semaphore, #tpu.memory_space<semaphore_mem>> -> memref<!tpu.dma_semaphore, #tpu.memory_space<semaphore_mem>>
        tpu.enqueue_indirect_dma source(%dma_start3A_1126 : memref<10000x64xf32, #tpu.memory_space<hbm>>) target(%dma_start3A_1120 : memref<128x64xf32, #tpu.memory_space<vmem>>) offsets(%dma_start3A_1123 : memref<128xi32, #tpu.memory_space<vmem>>) semaphore(%dma_start3A_1128 : memref<!tpu.dma_semaphore, #tpu.memory_space<semaphore_mem>>)
      } else {
      }
      %add3A_992 = arith.constant 5 : i32
      %add3A_993 = arith.addi %add3A_796, %add3A_992 : i32
      %dma_wait3A_994 = arith.constant 0 : i32
      %dma_wait3A_995 = arith.constant 5 : i32
      %dma_wait3A_996 = arith.constant 5 : i32
      %dma_wait3A_997 = arith.constant 0 : i32
      %dma_wait3A_998 = arith.constant 0 : i32
      %dma_wait3A_999 = tpu.memref_slice %arg7[%dma_wait3A_995, %dma_wait3A_997, %dma_wait3A_998] : memref<8x128x64xf32, #tpu.memory_space<vmem>> -> memref<1x128x64xf32, #tpu.memory_space<vmem>>
      %dma_wait3A_1000 = tpu.memref_squeeze %dma_wait3A_999 : memref<1x128x64xf32, #tpu.memory_space<vmem>> -> memref<128x64xf32, #tpu.memory_space<vmem>>
      %dma_wait3A_1001 = arith.constant 0 : i32
      %dma_wait3A_1002 = tpu.memref_slice %arg6[%add3A_993, %dma_wait3A_994, %dma_wait3A_1001] : memref<80x2x128xi32, #tpu.memory_space<vmem>> -> memref<1x1x128xi32, #tpu.memory_space<vmem>>
      %dma_wait3A_1003 = tpu.memref_squeeze %dma_wait3A_1002 : memref<1x1x128xi32, #tpu.memory_space<vmem>> -> memref<128xi32, #tpu.memory_space<vmem>>
      %dma_wait3A_1004 = arith.constant 0 : i32
      %dma_wait3A_1005 = arith.constant 0 : i32
      %dma_wait3A_1006 = tpu.memref_slice %arg2[%dma_wait3A_1004, %dma_wait3A_1005] : memref<10000x64xf32, #tpu.memory_space<hbm>> -> memref<10000x64xf32, #tpu.memory_space<hbm>>
      %dma_wait3A_1007 = tpu.memref_slice %arg9[%dma_wait3A_996] : memref<8x!tpu.dma_semaphore, #tpu.memory_space<semaphore_mem>> -> memref<1x!tpu.dma_semaphore, #tpu.memory_space<semaphore_mem>>
      %dma_wait3A_1008 = tpu.memref_squeeze %dma_wait3A_1007 : memref<1x!tpu.dma_semaphore, #tpu.memory_space<semaphore_mem>> -> memref<!tpu.dma_semaphore, #tpu.memory_space<semaphore_mem>>
      tpu.wait_indirect_dma semaphore(%dma_wait3A_1008 : memref<!tpu.dma_semaphore, #tpu.memory_space<semaphore_mem>>) src(%dma_wait3A_1006 : memref<10000x64xf32, #tpu.memory_space<hbm>>) dst(%dma_wait3A_1000 : memref<128x64xf32, #tpu.memory_space<vmem>>)
      %dma_start3A_1009 = arith.constant 5 : i32
      %dma_start3A_1010 = arith.constant 1 : i32
      %dma_start3A_1011 = arith.constant 5 : i32
      %dma_start3A_1012 = arith.constant 0 : i32
      %dma_start3A_1013 = arith.constant 0 : i32
      %dma_start3A_1014 = tpu.memref_slice %arg7[%dma_start3A_1009, %dma_start3A_1012, %dma_start3A_1013] : memref<8x128x64xf32, #tpu.memory_space<vmem>> -> memref<1x128x64xf32, #tpu.memory_space<vmem>>
      %dma_start3A_1015 = tpu.memref_squeeze %dma_start3A_1014 : memref<1x128x64xf32, #tpu.memory_space<vmem>> -> memref<128x64xf32, #tpu.memory_space<vmem>>
      %dma_start3A_1016 = arith.constant 0 : i32
      %dma_start3A_1017 = tpu.memref_slice %arg6[%add3A_993, %dma_start3A_1010, %dma_start3A_1016] : memref<80x2x128xi32, #tpu.memory_space<vmem>> -> memref<1x1x128xi32, #tpu.memory_space<vmem>>
      %dma_start3A_1018 = tpu.memref_squeeze %dma_start3A_1017 : memref<1x1x128xi32, #tpu.memory_space<vmem>> -> memref<128xi32, #tpu.memory_space<vmem>>
      %dma_start3A_1019 = arith.constant 0 : i32
      %dma_start3A_1020 = arith.constant 0 : i32
      %dma_start3A_1021 = tpu.memref_slice %arg8[%dma_start3A_1019, %dma_start3A_1020] : memref<10112x64xf32, #tpu.memory_space<vmem_shared>> -> memref<10112x64xf32, #tpu.memory_space<vmem_shared>>
      %dma_start3A_1022 = tpu.memref_slice %arg10[%dma_start3A_1011] : memref<8x!tpu.dma_semaphore, #tpu.memory_space<semaphore_mem>> -> memref<1x!tpu.dma_semaphore, #tpu.memory_space<semaphore_mem>>
      %dma_start3A_1023 = tpu.memref_squeeze %dma_start3A_1022 : memref<1x!tpu.dma_semaphore, #tpu.memory_space<semaphore_mem>> -> memref<!tpu.dma_semaphore, #tpu.memory_space<semaphore_mem>>
      tpu.enqueue_indirect_dma source(%dma_start3A_1015 : memref<128x64xf32, #tpu.memory_space<vmem>>) target(%dma_start3A_1021 : memref<10112x64xf32, #tpu.memory_space<vmem_shared>>) offsets(%dma_start3A_1018 : memref<128xi32, #tpu.memory_space<vmem>>) semaphore(%dma_start3A_1023 : memref<!tpu.dma_semaphore, #tpu.memory_space<semaphore_mem>>) {add = true}
      %add3A_1024 = arith.constant 4 : i32
      %add3A_1025 = arith.addi %add3A_993, %add3A_1024 : i32
      %lt3A_1026 = arith.constant 80 : i32
      %lt3A_1027 = arith.cmpi slt, %add3A_1025, %lt3A_1026 : i32
      %convert_element_type3A_1028 = arith.extui %lt3A_1027 : i1 to i32
      %cond3A_1029 = arith.constant 0 : i32
      %cond3A_1030 = arith.cmpi ne, %convert_element_type3A_1028, %cond3A_1029 : i32
      scf.if %cond3A_1030 {
        %ge3A_1109 = arith.constant 8 : i32
        %ge3A_1110 = arith.cmpi sge, %add3A_1025, %ge3A_1109 : i32
        %convert_element_type3A_1111 = arith.extui %ge3A_1110 : i1 to i32
        %cond3A_1112 = arith.constant 0 : i32
        %cond3A_1113 = arith.cmpi ne, %convert_element_type3A_1111, %cond3A_1112 : i32
        scf.if %cond3A_1113 {
          %sub3A = arith.constant 8 : i32
          %sub3A_1129 = arith.subi %add3A_1025, %sub3A : i32
          %dma_wait3A_1130 = arith.constant 1 : i32
          %dma_wait3A_1131 = arith.constant 1 : i32
          %dma_wait3A_1132 = arith.constant 1 : i32
          %dma_wait3A_1133 = arith.constant 0 : i32
          %dma_wait3A_1134 = arith.constant 0 : i32
          %dma_wait3A_1135 = tpu.memref_slice %arg7[%dma_wait3A_1130, %dma_wait3A_1133, %dma_wait3A_1134] : memref<8x128x64xf32, #tpu.memory_space<vmem>> -> memref<1x128x64xf32, #tpu.memory_space<vmem>>
          %dma_wait3A_1136 = tpu.memref_squeeze %dma_wait3A_1135 : memref<1x128x64xf32, #tpu.memory_space<vmem>> -> memref<128x64xf32, #tpu.memory_space<vmem>>
          %dma_wait3A_1137 = arith.constant 0 : i32
          %dma_wait3A_1138 = tpu.memref_slice %arg6[%sub3A_1129, %dma_wait3A_1131, %dma_wait3A_1137] : memref<80x2x128xi32, #tpu.memory_space<vmem>> -> memref<1x1x128xi32, #tpu.memory_space<vmem>>
          %dma_wait3A_1139 = tpu.memref_squeeze %dma_wait3A_1138 : memref<1x1x128xi32, #tpu.memory_space<vmem>> -> memref<128xi32, #tpu.memory_space<vmem>>
          %dma_wait3A_1140 = arith.constant 0 : i32
          %dma_wait3A_1141 = arith.constant 0 : i32
          %dma_wait3A_1142 = tpu.memref_slice %arg8[%dma_wait3A_1140, %dma_wait3A_1141] : memref<10112x64xf32, #tpu.memory_space<vmem_shared>> -> memref<10112x64xf32, #tpu.memory_space<vmem_shared>>
          %dma_wait3A_1143 = tpu.memref_slice %arg10[%dma_wait3A_1132] : memref<8x!tpu.dma_semaphore, #tpu.memory_space<semaphore_mem>> -> memref<1x!tpu.dma_semaphore, #tpu.memory_space<semaphore_mem>>
          %dma_wait3A_1144 = tpu.memref_squeeze %dma_wait3A_1143 : memref<1x!tpu.dma_semaphore, #tpu.memory_space<semaphore_mem>> -> memref<!tpu.dma_semaphore, #tpu.memory_space<semaphore_mem>>
          tpu.wait_indirect_dma semaphore(%dma_wait3A_1144 : memref<!tpu.dma_semaphore, #tpu.memory_space<semaphore_mem>>) src(%dma_wait3A_1136 : memref<128x64xf32, #tpu.memory_space<vmem>>) dst(%dma_wait3A_1142 : memref<10112x64xf32, #tpu.memory_space<vmem_shared>>)
        } else {
        }
        %dma_start3A_1114 = arith.constant 0 : i32
        %dma_start3A_1115 = arith.constant 1 : i32
        %dma_start3A_1116 = arith.constant 1 : i32
        %dma_start3A_1117 = arith.constant 0 : i32
        %dma_start3A_1118 = arith.constant 0 : i32
        %dma_start3A_1119 = tpu.memref_slice %arg7[%dma_start3A_1115, %dma_start3A_1117, %dma_start3A_1118] : memref<8x128x64xf32, #tpu.memory_space<vmem>> -> memref<1x128x64xf32, #tpu.memory_space<vmem>>
        %dma_start3A_1120 = tpu.memref_squeeze %dma_start3A_1119 : memref<1x128x64xf32, #tpu.memory_space<vmem>> -> memref<128x64xf32, #tpu.memory_space<vmem>>
        %dma_start3A_1121 = arith.constant 0 : i32
        %dma_start3A_1122 = tpu.memref_slice %arg6[%add3A_1025, %dma_start3A_1114, %dma_start3A_1121] : memref<80x2x128xi32, #tpu.memory_space<vmem>> -> memref<1x1x128xi32, #tpu.memory_space<vmem>>
        %dma_start3A_1123 = tpu.memref_squeeze %dma_start3A_1122 : memref<1x1x128xi32, #tpu.memory_space<vmem>> -> memref<128xi32, #tpu.memory_space<vmem>>
        %dma_start3A_1124 = arith.constant 0 : i32
        %dma_start3A_1125 = arith.constant 0 : i32
        %dma_start3A_1126 = tpu.memref_slice %arg2[%dma_start3A_1124, %dma_start3A_1125] : memref<10000x64xf32, #tpu.memory_space<hbm>> -> memref<10000x64xf32, #tpu.memory_space<hbm>>
        %dma_start3A_1127 = tpu.memref_slice %arg9[%dma_start3A_1116] : memref<8x!tpu.dma_semaphore, #tpu.memory_space<semaphore_mem>> -> memref<1x!tpu.dma_semaphore, #tpu.memory_space<semaphore_mem>>
        %dma_start3A_1128 = tpu.memref_squeeze %dma_start3A_1127 : memref<1x!tpu.dma_semaphore, #tpu.memory_space<semaphore_mem>> -> memref<!tpu.dma_semaphore, #tpu.memory_space<semaphore_mem>>
        tpu.enqueue_indirect_dma source(%dma_start3A_1126 : memref<10000x64xf32, #tpu.memory_space<hbm>>) target(%dma_start3A_1120 : memref<128x64xf32, #tpu.memory_space<vmem>>) offsets(%dma_start3A_1123 : memref<128xi32, #tpu.memory_space<vmem>>) semaphore(%dma_start3A_1128 : memref<!tpu.dma_semaphore, #tpu.memory_space<semaphore_mem>>)
      } else {
      }
      %add3A_1031 = arith.constant 6 : i32
      %add3A_1032 = arith.addi %add3A_796, %add3A_1031 : i32
      %dma_wait3A_1033 = arith.constant 0 : i32
      %dma_wait3A_1034 = arith.constant 6 : i32
      %dma_wait3A_1035 = arith.constant 6 : i32
      %dma_wait3A_1036 = arith.constant 0 : i32
      %dma_wait3A_1037 = arith.constant 0 : i32
      %dma_wait3A_1038 = tpu.memref_slice %arg7[%dma_wait3A_1034, %dma_wait3A_1036, %dma_wait3A_1037] : memref<8x128x64xf32, #tpu.memory_space<vmem>> -> memref<1x128x64xf32, #tpu.memory_space<vmem>>
      %dma_wait3A_1039 = tpu.memref_squeeze %dma_wait3A_1038 : memref<1x128x64xf32, #tpu.memory_space<vmem>> -> memref<128x64xf32, #tpu.memory_space<vmem>>
      %dma_wait3A_1040 = arith.constant 0 : i32
      %dma_wait3A_1041 = tpu.memref_slice %arg6[%add3A_1032, %dma_wait3A_1033, %dma_wait3A_1040] : memref<80x2x128xi32, #tpu.memory_space<vmem>> -> memref<1x1x128xi32, #tpu.memory_space<vmem>>
      %dma_wait3A_1042 = tpu.memref_squeeze %dma_wait3A_1041 : memref<1x1x128xi32, #tpu.memory_space<vmem>> -> memref<128xi32, #tpu.memory_space<vmem>>
      %dma_wait3A_1043 = arith.constant 0 : i32
      %dma_wait3A_1044 = arith.constant 0 : i32
      %dma_wait3A_1045 = tpu.memref_slice %arg2[%dma_wait3A_1043, %dma_wait3A_1044] : memref<10000x64xf32, #tpu.memory_space<hbm>> -> memref<10000x64xf32, #tpu.memory_space<hbm>>
      %dma_wait3A_1046 = tpu.memref_slice %arg9[%dma_wait3A_1035] : memref<8x!tpu.dma_semaphore, #tpu.memory_space<semaphore_mem>> -> memref<1x!tpu.dma_semaphore, #tpu.memory_space<semaphore_mem>>
      %dma_wait3A_1047 = tpu.memref_squeeze %dma_wait3A_1046 : memref<1x!tpu.dma_semaphore, #tpu.memory_space<semaphore_mem>> -> memref<!tpu.dma_semaphore, #tpu.memory_space<semaphore_mem>>
      tpu.wait_indirect_dma semaphore(%dma_wait3A_1047 : memref<!tpu.dma_semaphore, #tpu.memory_space<semaphore_mem>>) src(%dma_wait3A_1045 : memref<10000x64xf32, #tpu.memory_space<hbm>>) dst(%dma_wait3A_1039 : memref<128x64xf32, #tpu.memory_space<vmem>>)
      %dma_start3A_1048 = arith.constant 6 : i32
      %dma_start3A_1049 = arith.constant 1 : i32
      %dma_start3A_1050 = arith.constant 6 : i32
      %dma_start3A_1051 = arith.constant 0 : i32
      %dma_start3A_1052 = arith.constant 0 : i32
      %dma_start3A_1053 = tpu.memref_slice %arg7[%dma_start3A_1048, %dma_start3A_1051, %dma_start3A_1052] : memref<8x128x64xf32, #tpu.memory_space<vmem>> -> memref<1x128x64xf32, #tpu.memory_space<vmem>>
      %dma_start3A_1054 = tpu.memref_squeeze %dma_start3A_1053 : memref<1x128x64xf32, #tpu.memory_space<vmem>> -> memref<128x64xf32, #tpu.memory_space<vmem>>
      %dma_start3A_1055 = arith.constant 0 : i32
      %dma_start3A_1056 = tpu.memref_slice %arg6[%add3A_1032, %dma_start3A_1049, %dma_start3A_1055] : memref<80x2x128xi32, #tpu.memory_space<vmem>> -> memref<1x1x128xi32, #tpu.memory_space<vmem>>
      %dma_start3A_1057 = tpu.memref_squeeze %dma_start3A_1056 : memref<1x1x128xi32, #tpu.memory_space<vmem>> -> memref<128xi32, #tpu.memory_space<vmem>>
      %dma_start3A_1058 = arith.constant 0 : i32
      %dma_start3A_1059 = arith.constant 0 : i32
      %dma_start3A_1060 = tpu.memref_slice %arg8[%dma_start3A_1058, %dma_start3A_1059] : memref<10112x64xf32, #tpu.memory_space<vmem_shared>> -> memref<10112x64xf32, #tpu.memory_space<vmem_shared>>
      %dma_start3A_1061 = tpu.memref_slice %arg10[%dma_start3A_1050] : memref<8x!tpu.dma_semaphore, #tpu.memory_space<semaphore_mem>> -> memref<1x!tpu.dma_semaphore, #tpu.memory_space<semaphore_mem>>
      %dma_start3A_1062 = tpu.memref_squeeze %dma_start3A_1061 : memref<1x!tpu.dma_semaphore, #tpu.memory_space<semaphore_mem>> -> memref<!tpu.dma_semaphore, #tpu.memory_space<semaphore_mem>>
      tpu.enqueue_indirect_dma source(%dma_start3A_1054 : memref<128x64xf32, #tpu.memory_space<vmem>>) target(%dma_start3A_1060 : memref<10112x64xf32, #tpu.memory_space<vmem_shared>>) offsets(%dma_start3A_1057 : memref<128xi32, #tpu.memory_space<vmem>>) semaphore(%dma_start3A_1062 : memref<!tpu.dma_semaphore, #tpu.memory_space<semaphore_mem>>) {add = true}
      %add3A_1063 = arith.constant 4 : i32
      %add3A_1064 = arith.addi %add3A_1032, %add3A_1063 : i32
      %lt3A_1065 = arith.constant 80 : i32
      %lt3A_1066 = arith.cmpi slt, %add3A_1064, %lt3A_1065 : i32
      %convert_element_type3A_1067 = arith.extui %lt3A_1066 : i1 to i32
      %cond3A_1068 = arith.constant 0 : i32
      %cond3A_1069 = arith.cmpi ne, %convert_element_type3A_1067, %cond3A_1068 : i32
      scf.if %cond3A_1069 {
        %ge3A_1109 = arith.constant 8 : i32
        %ge3A_1110 = arith.cmpi sge, %add3A_1064, %ge3A_1109 : i32
        %convert_element_type3A_1111 = arith.extui %ge3A_1110 : i1 to i32
        %cond3A_1112 = arith.constant 0 : i32
        %cond3A_1113 = arith.cmpi ne, %convert_element_type3A_1111, %cond3A_1112 : i32
        scf.if %cond3A_1113 {
          %sub3A = arith.constant 8 : i32
          %sub3A_1129 = arith.subi %add3A_1064, %sub3A : i32
          %dma_wait3A_1130 = arith.constant 2 : i32
          %dma_wait3A_1131 = arith.constant 1 : i32
          %dma_wait3A_1132 = arith.constant 2 : i32
          %dma_wait3A_1133 = arith.constant 0 : i32
          %dma_wait3A_1134 = arith.constant 0 : i32
          %dma_wait3A_1135 = tpu.memref_slice %arg7[%dma_wait3A_1130, %dma_wait3A_1133, %dma_wait3A_1134] : memref<8x128x64xf32, #tpu.memory_space<vmem>> -> memref<1x128x64xf32, #tpu.memory_space<vmem>>
          %dma_wait3A_1136 = tpu.memref_squeeze %dma_wait3A_1135 : memref<1x128x64xf32, #tpu.memory_space<vmem>> -> memref<128x64xf32, #tpu.memory_space<vmem>>
          %dma_wait3A_1137 = arith.constant 0 : i32
          %dma_wait3A_1138 = tpu.memref_slice %arg6[%sub3A_1129, %dma_wait3A_1131, %dma_wait3A_1137] : memref<80x2x128xi32, #tpu.memory_space<vmem>> -> memref<1x1x128xi32, #tpu.memory_space<vmem>>
          %dma_wait3A_1139 = tpu.memref_squeeze %dma_wait3A_1138 : memref<1x1x128xi32, #tpu.memory_space<vmem>> -> memref<128xi32, #tpu.memory_space<vmem>>
          %dma_wait3A_1140 = arith.constant 0 : i32
          %dma_wait3A_1141 = arith.constant 0 : i32
          %dma_wait3A_1142 = tpu.memref_slice %arg8[%dma_wait3A_1140, %dma_wait3A_1141] : memref<10112x64xf32, #tpu.memory_space<vmem_shared>> -> memref<10112x64xf32, #tpu.memory_space<vmem_shared>>
          %dma_wait3A_1143 = tpu.memref_slice %arg10[%dma_wait3A_1132] : memref<8x!tpu.dma_semaphore, #tpu.memory_space<semaphore_mem>> -> memref<1x!tpu.dma_semaphore, #tpu.memory_space<semaphore_mem>>
          %dma_wait3A_1144 = tpu.memref_squeeze %dma_wait3A_1143 : memref<1x!tpu.dma_semaphore, #tpu.memory_space<semaphore_mem>> -> memref<!tpu.dma_semaphore, #tpu.memory_space<semaphore_mem>>
          tpu.wait_indirect_dma semaphore(%dma_wait3A_1144 : memref<!tpu.dma_semaphore, #tpu.memory_space<semaphore_mem>>) src(%dma_wait3A_1136 : memref<128x64xf32, #tpu.memory_space<vmem>>) dst(%dma_wait3A_1142 : memref<10112x64xf32, #tpu.memory_space<vmem_shared>>)
        } else {
        }
        %dma_start3A_1114 = arith.constant 0 : i32
        %dma_start3A_1115 = arith.constant 2 : i32
        %dma_start3A_1116 = arith.constant 2 : i32
        %dma_start3A_1117 = arith.constant 0 : i32
        %dma_start3A_1118 = arith.constant 0 : i32
        %dma_start3A_1119 = tpu.memref_slice %arg7[%dma_start3A_1115, %dma_start3A_1117, %dma_start3A_1118] : memref<8x128x64xf32, #tpu.memory_space<vmem>> -> memref<1x128x64xf32, #tpu.memory_space<vmem>>
        %dma_start3A_1120 = tpu.memref_squeeze %dma_start3A_1119 : memref<1x128x64xf32, #tpu.memory_space<vmem>> -> memref<128x64xf32, #tpu.memory_space<vmem>>
        %dma_start3A_1121 = arith.constant 0 : i32
        %dma_start3A_1122 = tpu.memref_slice %arg6[%add3A_1064, %dma_start3A_1114, %dma_start3A_1121] : memref<80x2x128xi32, #tpu.memory_space<vmem>> -> memref<1x1x128xi32, #tpu.memory_space<vmem>>
        %dma_start3A_1123 = tpu.memref_squeeze %dma_start3A_1122 : memref<1x1x128xi32, #tpu.memory_space<vmem>> -> memref<128xi32, #tpu.memory_space<vmem>>
        %dma_start3A_1124 = arith.constant 0 : i32
        %dma_start3A_1125 = arith.constant 0 : i32
        %dma_start3A_1126 = tpu.memref_slice %arg2[%dma_start3A_1124, %dma_start3A_1125] : memref<10000x64xf32, #tpu.memory_space<hbm>> -> memref<10000x64xf32, #tpu.memory_space<hbm>>
        %dma_start3A_1127 = tpu.memref_slice %arg9[%dma_start3A_1116] : memref<8x!tpu.dma_semaphore, #tpu.memory_space<semaphore_mem>> -> memref<1x!tpu.dma_semaphore, #tpu.memory_space<semaphore_mem>>
        %dma_start3A_1128 = tpu.memref_squeeze %dma_start3A_1127 : memref<1x!tpu.dma_semaphore, #tpu.memory_space<semaphore_mem>> -> memref<!tpu.dma_semaphore, #tpu.memory_space<semaphore_mem>>
        tpu.enqueue_indirect_dma source(%dma_start3A_1126 : memref<10000x64xf32, #tpu.memory_space<hbm>>) target(%dma_start3A_1120 : memref<128x64xf32, #tpu.memory_space<vmem>>) offsets(%dma_start3A_1123 : memref<128xi32, #tpu.memory_space<vmem>>) semaphore(%dma_start3A_1128 : memref<!tpu.dma_semaphore, #tpu.memory_space<semaphore_mem>>)
      } else {
      }
      %add3A_1070 = arith.constant 7 : i32
      %add3A_1071 = arith.addi %add3A_796, %add3A_1070 : i32
      %dma_wait3A_1072 = arith.constant 0 : i32
      %dma_wait3A_1073 = arith.constant 7 : i32
      %dma_wait3A_1074 = arith.constant 7 : i32
      %dma_wait3A_1075 = arith.constant 0 : i32
      %dma_wait3A_1076 = arith.constant 0 : i32
      %dma_wait3A_1077 = tpu.memref_slice %arg7[%dma_wait3A_1073, %dma_wait3A_1075, %dma_wait3A_1076] : memref<8x128x64xf32, #tpu.memory_space<vmem>> -> memref<1x128x64xf32, #tpu.memory_space<vmem>>
      %dma_wait3A_1078 = tpu.memref_squeeze %dma_wait3A_1077 : memref<1x128x64xf32, #tpu.memory_space<vmem>> -> memref<128x64xf32, #tpu.memory_space<vmem>>
      %dma_wait3A_1079 = arith.constant 0 : i32
      %dma_wait3A_1080 = tpu.memref_slice %arg6[%add3A_1071, %dma_wait3A_1072, %dma_wait3A_1079] : memref<80x2x128xi32, #tpu.memory_space<vmem>> -> memref<1x1x128xi32, #tpu.memory_space<vmem>>
      %dma_wait3A_1081 = tpu.memref_squeeze %dma_wait3A_1080 : memref<1x1x128xi32, #tpu.memory_space<vmem>> -> memref<128xi32, #tpu.memory_space<vmem>>
      %dma_wait3A_1082 = arith.constant 0 : i32
      %dma_wait3A_1083 = arith.constant 0 : i32
      %dma_wait3A_1084 = tpu.memref_slice %arg2[%dma_wait3A_1082, %dma_wait3A_1083] : memref<10000x64xf32, #tpu.memory_space<hbm>> -> memref<10000x64xf32, #tpu.memory_space<hbm>>
      %dma_wait3A_1085 = tpu.memref_slice %arg9[%dma_wait3A_1074] : memref<8x!tpu.dma_semaphore, #tpu.memory_space<semaphore_mem>> -> memref<1x!tpu.dma_semaphore, #tpu.memory_space<semaphore_mem>>
      %dma_wait3A_1086 = tpu.memref_squeeze %dma_wait3A_1085 : memref<1x!tpu.dma_semaphore, #tpu.memory_space<semaphore_mem>> -> memref<!tpu.dma_semaphore, #tpu.memory_space<semaphore_mem>>
      tpu.wait_indirect_dma semaphore(%dma_wait3A_1086 : memref<!tpu.dma_semaphore, #tpu.memory_space<semaphore_mem>>) src(%dma_wait3A_1084 : memref<10000x64xf32, #tpu.memory_space<hbm>>) dst(%dma_wait3A_1078 : memref<128x64xf32, #tpu.memory_space<vmem>>)
      %dma_start3A_1087 = arith.constant 7 : i32
      %dma_start3A_1088 = arith.constant 1 : i32
      %dma_start3A_1089 = arith.constant 7 : i32
      %dma_start3A_1090 = arith.constant 0 : i32
      %dma_start3A_1091 = arith.constant 0 : i32
      %dma_start3A_1092 = tpu.memref_slice %arg7[%dma_start3A_1087, %dma_start3A_1090, %dma_start3A_1091] : memref<8x128x64xf32, #tpu.memory_space<vmem>> -> memref<1x128x64xf32, #tpu.memory_space<vmem>>
      %dma_start3A_1093 = tpu.memref_squeeze %dma_start3A_1092 : memref<1x128x64xf32, #tpu.memory_space<vmem>> -> memref<128x64xf32, #tpu.memory_space<vmem>>
      %dma_start3A_1094 = arith.constant 0 : i32
      %dma_start3A_1095 = tpu.memref_slice %arg6[%add3A_1071, %dma_start3A_1088, %dma_start3A_1094] : memref<80x2x128xi32, #tpu.memory_space<vmem>> -> memref<1x1x128xi32, #tpu.memory_space<vmem>>
      %dma_start3A_1096 = tpu.memref_squeeze %dma_start3A_1095 : memref<1x1x128xi32, #tpu.memory_space<vmem>> -> memref<128xi32, #tpu.memory_space<vmem>>
      %dma_start3A_1097 = arith.constant 0 : i32
      %dma_start3A_1098 = arith.constant 0 : i32
      %dma_start3A_1099 = tpu.memref_slice %arg8[%dma_start3A_1097, %dma_start3A_1098] : memref<10112x64xf32, #tpu.memory_space<vmem_shared>> -> memref<10112x64xf32, #tpu.memory_space<vmem_shared>>
      %dma_start3A_1100 = tpu.memref_slice %arg10[%dma_start3A_1089] : memref<8x!tpu.dma_semaphore, #tpu.memory_space<semaphore_mem>> -> memref<1x!tpu.dma_semaphore, #tpu.memory_space<semaphore_mem>>
      %dma_start3A_1101 = tpu.memref_squeeze %dma_start3A_1100 : memref<1x!tpu.dma_semaphore, #tpu.memory_space<semaphore_mem>> -> memref<!tpu.dma_semaphore, #tpu.memory_space<semaphore_mem>>
      tpu.enqueue_indirect_dma source(%dma_start3A_1093 : memref<128x64xf32, #tpu.memory_space<vmem>>) target(%dma_start3A_1099 : memref<10112x64xf32, #tpu.memory_space<vmem_shared>>) offsets(%dma_start3A_1096 : memref<128xi32, #tpu.memory_space<vmem>>) semaphore(%dma_start3A_1101 : memref<!tpu.dma_semaphore, #tpu.memory_space<semaphore_mem>>) {add = true}
      %add3A_1102 = arith.constant 4 : i32
      %add3A_1103 = arith.addi %add3A_1071, %add3A_1102 : i32
      %lt3A_1104 = arith.constant 80 : i32
      %lt3A_1105 = arith.cmpi slt, %add3A_1103, %lt3A_1104 : i32
      %convert_element_type3A_1106 = arith.extui %lt3A_1105 : i1 to i32
      %cond3A_1107 = arith.constant 0 : i32
      %cond3A_1108 = arith.cmpi ne, %convert_element_type3A_1106, %cond3A_1107 : i32
      scf.if %cond3A_1108 {
        %ge3A_1109 = arith.constant 8 : i32
        %ge3A_1110 = arith.cmpi sge, %add3A_1103, %ge3A_1109 : i32
        %convert_element_type3A_1111 = arith.extui %ge3A_1110 : i1 to i32
        %cond3A_1112 = arith.constant 0 : i32
        %cond3A_1113 = arith.cmpi ne, %convert_element_type3A_1111, %cond3A_1112 : i32
        scf.if %cond3A_1113 {
          %sub3A = arith.constant 8 : i32
          %sub3A_1129 = arith.subi %add3A_1103, %sub3A : i32
          %dma_wait3A_1130 = arith.constant 3 : i32
          %dma_wait3A_1131 = arith.constant 1 : i32
          %dma_wait3A_1132 = arith.constant 3 : i32
          %dma_wait3A_1133 = arith.constant 0 : i32
          %dma_wait3A_1134 = arith.constant 0 : i32
          %dma_wait3A_1135 = tpu.memref_slice %arg7[%dma_wait3A_1130, %dma_wait3A_1133, %dma_wait3A_1134] : memref<8x128x64xf32, #tpu.memory_space<vmem>> -> memref<1x128x64xf32, #tpu.memory_space<vmem>>
          %dma_wait3A_1136 = tpu.memref_squeeze %dma_wait3A_1135 : memref<1x128x64xf32, #tpu.memory_space<vmem>> -> memref<128x64xf32, #tpu.memory_space<vmem>>
          %dma_wait3A_1137 = arith.constant 0 : i32
          %dma_wait3A_1138 = tpu.memref_slice %arg6[%sub3A_1129, %dma_wait3A_1131, %dma_wait3A_1137] : memref<80x2x128xi32, #tpu.memory_space<vmem>> -> memref<1x1x128xi32, #tpu.memory_space<vmem>>
          %dma_wait3A_1139 = tpu.memref_squeeze %dma_wait3A_1138 : memref<1x1x128xi32, #tpu.memory_space<vmem>> -> memref<128xi32, #tpu.memory_space<vmem>>
          %dma_wait3A_1140 = arith.constant 0 : i32
          %dma_wait3A_1141 = arith.constant 0 : i32
          %dma_wait3A_1142 = tpu.memref_slice %arg8[%dma_wait3A_1140, %dma_wait3A_1141] : memref<10112x64xf32, #tpu.memory_space<vmem_shared>> -> memref<10112x64xf32, #tpu.memory_space<vmem_shared>>
          %dma_wait3A_1143 = tpu.memref_slice %arg10[%dma_wait3A_1132] : memref<8x!tpu.dma_semaphore, #tpu.memory_space<semaphore_mem>> -> memref<1x!tpu.dma_semaphore, #tpu.memory_space<semaphore_mem>>
          %dma_wait3A_1144 = tpu.memref_squeeze %dma_wait3A_1143 : memref<1x!tpu.dma_semaphore, #tpu.memory_space<semaphore_mem>> -> memref<!tpu.dma_semaphore, #tpu.memory_space<semaphore_mem>>
          tpu.wait_indirect_dma semaphore(%dma_wait3A_1144 : memref<!tpu.dma_semaphore, #tpu.memory_space<semaphore_mem>>) src(%dma_wait3A_1136 : memref<128x64xf32, #tpu.memory_space<vmem>>) dst(%dma_wait3A_1142 : memref<10112x64xf32, #tpu.memory_space<vmem_shared>>)
        } else {
        }
        %dma_start3A_1114 = arith.constant 0 : i32
        %dma_start3A_1115 = arith.constant 3 : i32
        %dma_start3A_1116 = arith.constant 3 : i32
        %dma_start3A_1117 = arith.constant 0 : i32
        %dma_start3A_1118 = arith.constant 0 : i32
        %dma_start3A_1119 = tpu.memref_slice %arg7[%dma_start3A_1115, %dma_start3A_1117, %dma_start3A_1118] : memref<8x128x64xf32, #tpu.memory_space<vmem>> -> memref<1x128x64xf32, #tpu.memory_space<vmem>>
        %dma_start3A_1120 = tpu.memref_squeeze %dma_start3A_1119 : memref<1x128x64xf32, #tpu.memory_space<vmem>> -> memref<128x64xf32, #tpu.memory_space<vmem>>
        %dma_start3A_1121 = arith.constant 0 : i32
        %dma_start3A_1122 = tpu.memref_slice %arg6[%add3A_1103, %dma_start3A_1114, %dma_start3A_1121] : memref<80x2x128xi32, #tpu.memory_space<vmem>> -> memref<1x1x128xi32, #tpu.memory_space<vmem>>
        %dma_start3A_1123 = tpu.memref_squeeze %dma_start3A_1122 : memref<1x1x128xi32, #tpu.memory_space<vmem>> -> memref<128xi32, #tpu.memory_space<vmem>>
        %dma_start3A_1124 = arith.constant 0 : i32
        %dma_start3A_1125 = arith.constant 0 : i32
        %dma_start3A_1126 = tpu.memref_slice %arg2[%dma_start3A_1124, %dma_start3A_1125] : memref<10000x64xf32, #tpu.memory_space<hbm>> -> memref<10000x64xf32, #tpu.memory_space<hbm>>
        %dma_start3A_1127 = tpu.memref_slice %arg9[%dma_start3A_1116] : memref<8x!tpu.dma_semaphore, #tpu.memory_space<semaphore_mem>> -> memref<1x!tpu.dma_semaphore, #tpu.memory_space<semaphore_mem>>
        %dma_start3A_1128 = tpu.memref_squeeze %dma_start3A_1127 : memref<1x!tpu.dma_semaphore, #tpu.memory_space<semaphore_mem>> -> memref<!tpu.dma_semaphore, #tpu.memory_space<semaphore_mem>>
        tpu.enqueue_indirect_dma source(%dma_start3A_1126 : memref<10000x64xf32, #tpu.memory_space<hbm>>) target(%dma_start3A_1120 : memref<128x64xf32, #tpu.memory_space<vmem>>) offsets(%dma_start3A_1123 : memref<128xi32, #tpu.memory_space<vmem>>) semaphore(%dma_start3A_1128 : memref<!tpu.dma_semaphore, #tpu.memory_space<semaphore_mem>>)
      } else {
      }
    }
    %scan3A_659 = arith.constant 10 : i32
    %dma_wait3A = arith.constant 0 : i32
    %dma_wait3A_660 = arith.constant 72 : i32
    %dma_wait3A_661 = arith.constant 1 : i32
    %dma_wait3A_662 = arith.constant 0 : i32
    %dma_wait3A_663 = arith.constant 0 : i32
    %dma_wait3A_664 = arith.constant 0 : i32
    %dma_wait3A_665 = tpu.memref_slice %arg7[%dma_wait3A, %dma_wait3A_663, %dma_wait3A_664] : memref<8x128x64xf32, #tpu.memory_space<vmem>> -> memref<1x128x64xf32, #tpu.memory_space<vmem>>
    %dma_wait3A_666 = tpu.memref_squeeze %dma_wait3A_665 : memref<1x128x64xf32, #tpu.memory_space<vmem>> -> memref<128x64xf32, #tpu.memory_space<vmem>>
    %dma_wait3A_667 = arith.constant 0 : i32
    %dma_wait3A_668 = tpu.memref_slice %arg6[%dma_wait3A_660, %dma_wait3A_661, %dma_wait3A_667] : memref<80x2x128xi32, #tpu.memory_space<vmem>> -> memref<1x1x128xi32, #tpu.memory_space<vmem>>
    %dma_wait3A_669 = tpu.memref_squeeze %dma_wait3A_668 : memref<1x1x128xi32, #tpu.memory_space<vmem>> -> memref<128xi32, #tpu.memory_space<vmem>>
    %dma_wait3A_670 = arith.constant 0 : i32
    %dma_wait3A_671 = arith.constant 0 : i32
    %dma_wait3A_672 = tpu.memref_slice %arg8[%dma_wait3A_670, %dma_wait3A_671] : memref<10112x64xf32, #tpu.memory_space<vmem_shared>> -> memref<10112x64xf32, #tpu.memory_space<vmem_shared>>
    %dma_wait3A_673 = tpu.memref_slice %arg10[%dma_wait3A_662] : memref<8x!tpu.dma_semaphore, #tpu.memory_space<semaphore_mem>> -> memref<1x!tpu.dma_semaphore, #tpu.memory_space<semaphore_mem>>
    %dma_wait3A_674 = tpu.memref_squeeze %dma_wait3A_673 : memref<1x!tpu.dma_semaphore, #tpu.memory_space<semaphore_mem>> -> memref<!tpu.dma_semaphore, #tpu.memory_space<semaphore_mem>>
    tpu.wait_indirect_dma semaphore(%dma_wait3A_674 : memref<!tpu.dma_semaphore, #tpu.memory_space<semaphore_mem>>) src(%dma_wait3A_666 : memref<128x64xf32, #tpu.memory_space<vmem>>) dst(%dma_wait3A_672 : memref<10112x64xf32, #tpu.memory_space<vmem_shared>>)
    %dma_wait3A_675 = arith.constant 1 : i32
    %dma_wait3A_676 = arith.constant 73 : i32
    %dma_wait3A_677 = arith.constant 1 : i32
    %dma_wait3A_678 = arith.constant 1 : i32
    %dma_wait3A_679 = arith.constant 0 : i32
    %dma_wait3A_680 = arith.constant 0 : i32
    %dma_wait3A_681 = tpu.memref_slice %arg7[%dma_wait3A_675, %dma_wait3A_679, %dma_wait3A_680] : memref<8x128x64xf32, #tpu.memory_space<vmem>> -> memref<1x128x64xf32, #tpu.memory_space<vmem>>
    %dma_wait3A_682 = tpu.memref_squeeze %dma_wait3A_681 : memref<1x128x64xf32, #tpu.memory_space<vmem>> -> memref<128x64xf32, #tpu.memory_space<vmem>>
    %dma_wait3A_683 = arith.constant 0 : i32
    %dma_wait3A_684 = tpu.memref_slice %arg6[%dma_wait3A_676, %dma_wait3A_677, %dma_wait3A_683] : memref<80x2x128xi32, #tpu.memory_space<vmem>> -> memref<1x1x128xi32, #tpu.memory_space<vmem>>
    %dma_wait3A_685 = tpu.memref_squeeze %dma_wait3A_684 : memref<1x1x128xi32, #tpu.memory_space<vmem>> -> memref<128xi32, #tpu.memory_space<vmem>>
    %dma_wait3A_686 = arith.constant 0 : i32
    %dma_wait3A_687 = arith.constant 0 : i32
    %dma_wait3A_688 = tpu.memref_slice %arg8[%dma_wait3A_686, %dma_wait3A_687] : memref<10112x64xf32, #tpu.memory_space<vmem_shared>> -> memref<10112x64xf32, #tpu.memory_space<vmem_shared>>
    %dma_wait3A_689 = tpu.memref_slice %arg10[%dma_wait3A_678] : memref<8x!tpu.dma_semaphore, #tpu.memory_space<semaphore_mem>> -> memref<1x!tpu.dma_semaphore, #tpu.memory_space<semaphore_mem>>
    %dma_wait3A_690 = tpu.memref_squeeze %dma_wait3A_689 : memref<1x!tpu.dma_semaphore, #tpu.memory_space<semaphore_mem>> -> memref<!tpu.dma_semaphore, #tpu.memory_space<semaphore_mem>>
    tpu.wait_indirect_dma semaphore(%dma_wait3A_690 : memref<!tpu.dma_semaphore, #tpu.memory_space<semaphore_mem>>) src(%dma_wait3A_682 : memref<128x64xf32, #tpu.memory_space<vmem>>) dst(%dma_wait3A_688 : memref<10112x64xf32, #tpu.memory_space<vmem_shared>>)
    %dma_wait3A_691 = arith.constant 2 : i32
    %dma_wait3A_692 = arith.constant 74 : i32
    %dma_wait3A_693 = arith.constant 1 : i32
    %dma_wait3A_694 = arith.constant 2 : i32
    %dma_wait3A_695 = arith.constant 0 : i32
    %dma_wait3A_696 = arith.constant 0 : i32
    %dma_wait3A_697 = tpu.memref_slice %arg7[%dma_wait3A_691, %dma_wait3A_695, %dma_wait3A_696] : memref<8x128x64xf32, #tpu.memory_space<vmem>> -> memref<1x128x64xf32, #tpu.memory_space<vmem>>
    %dma_wait3A_698 = tpu.memref_squeeze %dma_wait3A_697 : memref<1x128x64xf32, #tpu.memory_space<vmem>> -> memref<128x64xf32, #tpu.memory_space<vmem>>
    %dma_wait3A_699 = arith.constant 0 : i32
    %dma_wait3A_700 = tpu.memref_slice %arg6[%dma_wait3A_692, %dma_wait3A_693, %dma_wait3A_699] : memref<80x2x128xi32, #tpu.memory_space<vmem>> -> memref<1x1x128xi32, #tpu.memory_space<vmem>>
    %dma_wait3A_701 = tpu.memref_squeeze %dma_wait3A_700 : memref<1x1x128xi32, #tpu.memory_space<vmem>> -> memref<128xi32, #tpu.memory_space<vmem>>
    %dma_wait3A_702 = arith.constant 0 : i32
    %dma_wait3A_703 = arith.constant 0 : i32
    %dma_wait3A_704 = tpu.memref_slice %arg8[%dma_wait3A_702, %dma_wait3A_703] : memref<10112x64xf32, #tpu.memory_space<vmem_shared>> -> memref<10112x64xf32, #tpu.memory_space<vmem_shared>>
    %dma_wait3A_705 = tpu.memref_slice %arg10[%dma_wait3A_694] : memref<8x!tpu.dma_semaphore, #tpu.memory_space<semaphore_mem>> -> memref<1x!tpu.dma_semaphore, #tpu.memory_space<semaphore_mem>>
    %dma_wait3A_706 = tpu.memref_squeeze %dma_wait3A_705 : memref<1x!tpu.dma_semaphore, #tpu.memory_space<semaphore_mem>> -> memref<!tpu.dma_semaphore, #tpu.memory_space<semaphore_mem>>
    tpu.wait_indirect_dma semaphore(%dma_wait3A_706 : memref<!tpu.dma_semaphore, #tpu.memory_space<semaphore_mem>>) src(%dma_wait3A_698 : memref<128x64xf32, #tpu.memory_space<vmem>>) dst(%dma_wait3A_704 : memref<10112x64xf32, #tpu.memory_space<vmem_shared>>)
    %dma_wait3A_707 = arith.constant 3 : i32
    %dma_wait3A_708 = arith.constant 75 : i32
    %dma_wait3A_709 = arith.constant 1 : i32
    %dma_wait3A_710 = arith.constant 3 : i32
    %dma_wait3A_711 = arith.constant 0 : i32
    %dma_wait3A_712 = arith.constant 0 : i32
    %dma_wait3A_713 = tpu.memref_slice %arg7[%dma_wait3A_707, %dma_wait3A_711, %dma_wait3A_712] : memref<8x128x64xf32, #tpu.memory_space<vmem>> -> memref<1x128x64xf32, #tpu.memory_space<vmem>>
    %dma_wait3A_714 = tpu.memref_squeeze %dma_wait3A_713 : memref<1x128x64xf32, #tpu.memory_space<vmem>> -> memref<128x64xf32, #tpu.memory_space<vmem>>
    %dma_wait3A_715 = arith.constant 0 : i32
    %dma_wait3A_716 = tpu.memref_slice %arg6[%dma_wait3A_708, %dma_wait3A_709, %dma_wait3A_715] : memref<80x2x128xi32, #tpu.memory_space<vmem>> -> memref<1x1x128xi32, #tpu.memory_space<vmem>>
    %dma_wait3A_717 = tpu.memref_squeeze %dma_wait3A_716 : memref<1x1x128xi32, #tpu.memory_space<vmem>> -> memref<128xi32, #tpu.memory_space<vmem>>
    %dma_wait3A_718 = arith.constant 0 : i32
    %dma_wait3A_719 = arith.constant 0 : i32
    %dma_wait3A_720 = tpu.memref_slice %arg8[%dma_wait3A_718, %dma_wait3A_719] : memref<10112x64xf32, #tpu.memory_space<vmem_shared>> -> memref<10112x64xf32, #tpu.memory_space<vmem_shared>>
    %dma_wait3A_721 = tpu.memref_slice %arg10[%dma_wait3A_710] : memref<8x!tpu.dma_semaphore, #tpu.memory_space<semaphore_mem>> -> memref<1x!tpu.dma_semaphore, #tpu.memory_space<semaphore_mem>>
    %dma_wait3A_722 = tpu.memref_squeeze %dma_wait3A_721 : memref<1x!tpu.dma_semaphore, #tpu.memory_space<semaphore_mem>> -> memref<!tpu.dma_semaphore, #tpu.memory_space<semaphore_mem>>
    tpu.wait_indirect_dma semaphore(%dma_wait3A_722 : memref<!tpu.dma_semaphore, #tpu.memory_space<semaphore_mem>>) src(%dma_wait3A_714 : memref<128x64xf32, #tpu.memory_space<vmem>>) dst(%dma_wait3A_720 : memref<10112x64xf32, #tpu.memory_space<vmem_shared>>)
    %dma_wait3A_723 = arith.constant 4 : i32
    %dma_wait3A_724 = arith.constant 76 : i32
    %dma_wait3A_725 = arith.constant 1 : i32
    %dma_wait3A_726 = arith.constant 4 : i32
    %dma_wait3A_727 = arith.constant 0 : i32
    %dma_wait3A_728 = arith.constant 0 : i32
    %dma_wait3A_729 = tpu.memref_slice %arg7[%dma_wait3A_723, %dma_wait3A_727, %dma_wait3A_728] : memref<8x128x64xf32, #tpu.memory_space<vmem>> -> memref<1x128x64xf32, #tpu.memory_space<vmem>>
    %dma_wait3A_730 = tpu.memref_squeeze %dma_wait3A_729 : memref<1x128x64xf32, #tpu.memory_space<vmem>> -> memref<128x64xf32, #tpu.memory_space<vmem>>
    %dma_wait3A_731 = arith.constant 0 : i32
    %dma_wait3A_732 = tpu.memref_slice %arg6[%dma_wait3A_724, %dma_wait3A_725, %dma_wait3A_731] : memref<80x2x128xi32, #tpu.memory_space<vmem>> -> memref<1x1x128xi32, #tpu.memory_space<vmem>>
    %dma_wait3A_733 = tpu.memref_squeeze %dma_wait3A_732 : memref<1x1x128xi32, #tpu.memory_space<vmem>> -> memref<128xi32, #tpu.memory_space<vmem>>
    %dma_wait3A_734 = arith.constant 0 : i32
    %dma_wait3A_735 = arith.constant 0 : i32
    %dma_wait3A_736 = tpu.memref_slice %arg8[%dma_wait3A_734, %dma_wait3A_735] : memref<10112x64xf32, #tpu.memory_space<vmem_shared>> -> memref<10112x64xf32, #tpu.memory_space<vmem_shared>>
    %dma_wait3A_737 = tpu.memref_slice %arg10[%dma_wait3A_726] : memref<8x!tpu.dma_semaphore, #tpu.memory_space<semaphore_mem>> -> memref<1x!tpu.dma_semaphore, #tpu.memory_space<semaphore_mem>>
    %dma_wait3A_738 = tpu.memref_squeeze %dma_wait3A_737 : memref<1x!tpu.dma_semaphore, #tpu.memory_space<semaphore_mem>> -> memref<!tpu.dma_semaphore, #tpu.memory_space<semaphore_mem>>
    tpu.wait_indirect_dma semaphore(%dma_wait3A_738 : memref<!tpu.dma_semaphore, #tpu.memory_space<semaphore_mem>>) src(%dma_wait3A_730 : memref<128x64xf32, #tpu.memory_space<vmem>>) dst(%dma_wait3A_736 : memref<10112x64xf32, #tpu.memory_space<vmem_shared>>)
    %dma_wait3A_739 = arith.constant 5 : i32
    %dma_wait3A_740 = arith.constant 77 : i32
    %dma_wait3A_741 = arith.constant 1 : i32
    %dma_wait3A_742 = arith.constant 5 : i32
    %dma_wait3A_743 = arith.constant 0 : i32
    %dma_wait3A_744 = arith.constant 0 : i32
    %dma_wait3A_745 = tpu.memref_slice %arg7[%dma_wait3A_739, %dma_wait3A_743, %dma_wait3A_744] : memref<8x128x64xf32, #tpu.memory_space<vmem>> -> memref<1x128x64xf32, #tpu.memory_space<vmem>>
    %dma_wait3A_746 = tpu.memref_squeeze %dma_wait3A_745 : memref<1x128x64xf32, #tpu.memory_space<vmem>> -> memref<128x64xf32, #tpu.memory_space<vmem>>
    %dma_wait3A_747 = arith.constant 0 : i32
    %dma_wait3A_748 = tpu.memref_slice %arg6[%dma_wait3A_740, %dma_wait3A_741, %dma_wait3A_747] : memref<80x2x128xi32, #tpu.memory_space<vmem>> -> memref<1x1x128xi32, #tpu.memory_space<vmem>>
    %dma_wait3A_749 = tpu.memref_squeeze %dma_wait3A_748 : memref<1x1x128xi32, #tpu.memory_space<vmem>> -> memref<128xi32, #tpu.memory_space<vmem>>
    %dma_wait3A_750 = arith.constant 0 : i32
    %dma_wait3A_751 = arith.constant 0 : i32
    %dma_wait3A_752 = tpu.memref_slice %arg8[%dma_wait3A_750, %dma_wait3A_751] : memref<10112x64xf32, #tpu.memory_space<vmem_shared>> -> memref<10112x64xf32, #tpu.memory_space<vmem_shared>>
    %dma_wait3A_753 = tpu.memref_slice %arg10[%dma_wait3A_742] : memref<8x!tpu.dma_semaphore, #tpu.memory_space<semaphore_mem>> -> memref<1x!tpu.dma_semaphore, #tpu.memory_space<semaphore_mem>>
    %dma_wait3A_754 = tpu.memref_squeeze %dma_wait3A_753 : memref<1x!tpu.dma_semaphore, #tpu.memory_space<semaphore_mem>> -> memref<!tpu.dma_semaphore, #tpu.memory_space<semaphore_mem>>
    tpu.wait_indirect_dma semaphore(%dma_wait3A_754 : memref<!tpu.dma_semaphore, #tpu.memory_space<semaphore_mem>>) src(%dma_wait3A_746 : memref<128x64xf32, #tpu.memory_space<vmem>>) dst(%dma_wait3A_752 : memref<10112x64xf32, #tpu.memory_space<vmem_shared>>)
    %dma_wait3A_755 = arith.constant 6 : i32
    %dma_wait3A_756 = arith.constant 78 : i32
    %dma_wait3A_757 = arith.constant 1 : i32
    %dma_wait3A_758 = arith.constant 6 : i32
    %dma_wait3A_759 = arith.constant 0 : i32
    %dma_wait3A_760 = arith.constant 0 : i32
    %dma_wait3A_761 = tpu.memref_slice %arg7[%dma_wait3A_755, %dma_wait3A_759, %dma_wait3A_760] : memref<8x128x64xf32, #tpu.memory_space<vmem>> -> memref<1x128x64xf32, #tpu.memory_space<vmem>>
    %dma_wait3A_762 = tpu.memref_squeeze %dma_wait3A_761 : memref<1x128x64xf32, #tpu.memory_space<vmem>> -> memref<128x64xf32, #tpu.memory_space<vmem>>
    %dma_wait3A_763 = arith.constant 0 : i32
    %dma_wait3A_764 = tpu.memref_slice %arg6[%dma_wait3A_756, %dma_wait3A_757, %dma_wait3A_763] : memref<80x2x128xi32, #tpu.memory_space<vmem>> -> memref<1x1x128xi32, #tpu.memory_space<vmem>>
    %dma_wait3A_765 = tpu.memref_squeeze %dma_wait3A_764 : memref<1x1x128xi32, #tpu.memory_space<vmem>> -> memref<128xi32, #tpu.memory_space<vmem>>
    %dma_wait3A_766 = arith.constant 0 : i32
    %dma_wait3A_767 = arith.constant 0 : i32
    %dma_wait3A_768 = tpu.memref_slice %arg8[%dma_wait3A_766, %dma_wait3A_767] : memref<10112x64xf32, #tpu.memory_space<vmem_shared>> -> memref<10112x64xf32, #tpu.memory_space<vmem_shared>>
    %dma_wait3A_769 = tpu.memref_slice %arg10[%dma_wait3A_758] : memref<8x!tpu.dma_semaphore, #tpu.memory_space<semaphore_mem>> -> memref<1x!tpu.dma_semaphore, #tpu.memory_space<semaphore_mem>>
    %dma_wait3A_770 = tpu.memref_squeeze %dma_wait3A_769 : memref<1x!tpu.dma_semaphore, #tpu.memory_space<semaphore_mem>> -> memref<!tpu.dma_semaphore, #tpu.memory_space<semaphore_mem>>
    tpu.wait_indirect_dma semaphore(%dma_wait3A_770 : memref<!tpu.dma_semaphore, #tpu.memory_space<semaphore_mem>>) src(%dma_wait3A_762 : memref<128x64xf32, #tpu.memory_space<vmem>>) dst(%dma_wait3A_768 : memref<10112x64xf32, #tpu.memory_space<vmem_shared>>)
    %dma_wait3A_771 = arith.constant 7 : i32
    %dma_wait3A_772 = arith.constant 79 : i32
    %dma_wait3A_773 = arith.constant 1 : i32
    %dma_wait3A_774 = arith.constant 7 : i32
    %dma_wait3A_775 = arith.constant 0 : i32
    %dma_wait3A_776 = arith.constant 0 : i32
    %dma_wait3A_777 = tpu.memref_slice %arg7[%dma_wait3A_771, %dma_wait3A_775, %dma_wait3A_776] : memref<8x128x64xf32, #tpu.memory_space<vmem>> -> memref<1x128x64xf32, #tpu.memory_space<vmem>>
    %dma_wait3A_778 = tpu.memref_squeeze %dma_wait3A_777 : memref<1x128x64xf32, #tpu.memory_space<vmem>> -> memref<128x64xf32, #tpu.memory_space<vmem>>
    %dma_wait3A_779 = arith.constant 0 : i32
    %dma_wait3A_780 = tpu.memref_slice %arg6[%dma_wait3A_772, %dma_wait3A_773, %dma_wait3A_779] : memref<80x2x128xi32, #tpu.memory_space<vmem>> -> memref<1x1x128xi32, #tpu.memory_space<vmem>>
    %dma_wait3A_781 = tpu.memref_squeeze %dma_wait3A_780 : memref<1x1x128xi32, #tpu.memory_space<vmem>> -> memref<128xi32, #tpu.memory_space<vmem>>
    %dma_wait3A_782 = arith.constant 0 : i32
    %dma_wait3A_783 = arith.constant 0 : i32
    %dma_wait3A_784 = tpu.memref_slice %arg8[%dma_wait3A_782, %dma_wait3A_783] : memref<10112x64xf32, #tpu.memory_space<vmem_shared>> -> memref<10112x64xf32, #tpu.memory_space<vmem_shared>>
    %dma_wait3A_785 = tpu.memref_slice %arg10[%dma_wait3A_774] : memref<8x!tpu.dma_semaphore, #tpu.memory_space<semaphore_mem>> -> memref<1x!tpu.dma_semaphore, #tpu.memory_space<semaphore_mem>>
    %dma_wait3A_786 = tpu.memref_squeeze %dma_wait3A_785 : memref<1x!tpu.dma_semaphore, #tpu.memory_space<semaphore_mem>> -> memref<!tpu.dma_semaphore, #tpu.memory_space<semaphore_mem>>
    tpu.wait_indirect_dma semaphore(%dma_wait3A_786 : memref<!tpu.dma_semaphore, #tpu.memory_space<semaphore_mem>>) src(%dma_wait3A_778 : memref<128x64xf32, #tpu.memory_space<vmem>>) dst(%dma_wait3A_784 : memref<10112x64xf32, #tpu.memory_space<vmem_shared>>)
    %barrier3A_787 = arith.constant 0 : index
    tpu.barrier barrier_id(%barrier3A_787)
    %mul3A_788 = arith.constant 632 : i32
    %mul3A_789 = arith.muli %arg1, %mul3A_788 : i32
    %mul3A_790 = arith.constant 632 : i32
    %mul3A_791 = arith.muli %arg1, %mul3A_790 : i32
    "tpu.region"() ({
      %run_scoped3A = tpu.sem_alloc : memref<!tpu.dma_semaphore, #tpu.memory_space<semaphore_mem>>
      %dma_start3A_792 = arith.constant 0 : i32
      %dma_start3A_793 = arith.constant 0 : i32
      %dma_start3A_794 = tpu.memref_slice %arg5[%arg0, %dma_start3A_792, %dma_start3A_793] : memref<2x10112x64xf32, #tpu.memory_space<hbm>> -> memref<1x10112x64xf32, #tpu.memory_space<hbm>>
      %dma_start3A_795 = tpu.memref_squeeze %dma_start3A_794 : memref<1x10112x64xf32, #tpu.memory_space<hbm>> -> memref<10112x64xf32, #tpu.memory_space<hbm>>
      %dma_start3A_796 = arith.constant 0 : i32
      %dma_start3A_797 = tpu.memref_slice %dma_start3A_795[%mul3A_791, %dma_start3A_796] : memref<10112x64xf32, #tpu.memory_space<hbm>> -> memref<632x64xf32, #tpu.memory_space<hbm>>
      %dma_start3A_798 = arith.constant 0 : i32
      %dma_start3A_799 = tpu.memref_slice %arg8[%mul3A_789, %dma_start3A_798] : memref<10112x64xf32, #tpu.memory_space<vmem_shared>> -> memref<632x64xf32, #tpu.memory_space<vmem_shared>>
      tpu.enqueue_dma source(%dma_start3A_799 : memref<632x64xf32, #tpu.memory_space<vmem_shared>>) target(%dma_start3A_797 : memref<632x64xf32, #tpu.memory_space<hbm>>) target_semaphore(%run_scoped3A : memref<!tpu.dma_semaphore, #tpu.memory_space<semaphore_mem>>)
      %dma_wait3A_800 = arith.constant 0 : i32
      %dma_wait3A_801 = arith.constant 0 : i32
      %dma_wait3A_802 = tpu.memref_slice %arg5[%arg0, %dma_wait3A_800, %dma_wait3A_801] : memref<2x10112x64xf32, #tpu.memory_space<hbm>> -> memref<1x10112x64xf32, #tpu.memory_space<hbm>>
      %dma_wait3A_803 = tpu.memref_squeeze %dma_wait3A_802 : memref<1x10112x64xf32, #tpu.memory_space<hbm>> -> memref<10112x64xf32, #tpu.memory_space<hbm>>
      %dma_wait3A_804 = arith.constant 0 : i32
      %dma_wait3A_805 = tpu.memref_slice %dma_wait3A_803[%mul3A_791, %dma_wait3A_804] : memref<10112x64xf32, #tpu.memory_space<hbm>> -> memref<632x64xf32, #tpu.memory_space<hbm>>
      %dma_wait3A_806 = arith.constant 0 : i32
      %dma_wait3A_807 = tpu.memref_slice %arg8[%mul3A_789, %dma_wait3A_806] : memref<10112x64xf32, #tpu.memory_space<vmem_shared>> -> memref<632x64xf32, #tpu.memory_space<vmem_shared>>
      tpu.wait_dma2 semaphore(%run_scoped3A : memref<!tpu.dma_semaphore, #tpu.memory_space<semaphore_mem>>) src(%dma_wait3A_807 : memref<632x64xf32, #tpu.memory_space<vmem_shared>>) dst(%dma_wait3A_805 : memref<632x64xf32, #tpu.memory_space<hbm>>)
      tpu.yield
    }) : () -> ()
    return
  }
}

#map = affine_map<(d0, d1) -> (0)>
#map1 = affine_map<(d0, d1) -> (0, 0)>
module attributes {stable_mosaic.version = 14 : i64} {
  func.func @_degree_kernel(%arg0: i32, %arg1: i32, %arg2: memref<640000xi32, #tpu.memory_space<hbm>>, %arg3: memref<32x10112xf32, #tpu.memory_space<hbm>>, %arg4: memref<20480xi32, #tpu.memory_space<vmem>>, %arg5: memref<10112xf32, #tpu.memory_space<vmem>>) attributes {dimension_semantics = [#tpu.dimension_semantics<core_parallel>, #tpu.dimension_semantics<subcore_parallel>], iteration_bounds = array<i64: 2, 16>, scalar_prefetch = 0 : i64, scratch_operands = 2 : i64, tpu.core_type = #tpu.core_type<sc_vector_subcore>, window_params = [{transform_indices = #map}, {transform_indices = #map1}]} {
    %mul3A = arith.constant 16 : i32
    %mul3A_0 = arith.muli %arg0, %mul3A : i32
    %add3A = arith.addi %mul3A_0, %arg1 : i32
    %mul3A_1 = arith.constant 78 : i32
    %mul3A_2 = arith.muli %mul3A_1, %add3A : i32
    %min3A = arith.constant 4 : i32
    %min3A_3 = arith.minsi %add3A, %min3A : i32
    %add3A_4 = arith.addi %mul3A_2, %min3A_3 : i32
    %mul3A_5 = arith.constant 2 : i32
    %mul3A_6 = arith.muli %add3A_4, %mul3A_5 : i32
    %mul3A_7 = arith.constant 128 : i32
    %mul3A_8 = arith.muli %mul3A_6, %mul3A_7 : i32
    "tpu.region"() ({
      %run_scoped3A = tpu.sem_alloc : memref<!tpu.dma_semaphore, #tpu.memory_space<semaphore_mem>>
      %dma_start3A = arith.constant 0 : i32
      %dma_start3A_295 = tpu.memref_slice %arg4[%dma_start3A] : memref<20480xi32, #tpu.memory_space<vmem>> -> memref<19968xi32, #tpu.memory_space<vmem>>
      %dma_start3A_296 = tpu.memref_slice %arg2[%mul3A_8] : memref<640000xi32, #tpu.memory_space<hbm>> -> memref<19968xi32, #tpu.memory_space<hbm>>
      %dma_start3A_297 = arith.constant 0 : i32
      %dma_start3A_298 = tpu.memref_slice %arg4[%dma_start3A_297] : memref<20480xi32, #tpu.memory_space<vmem>> -> memref<19968xi32, #tpu.memory_space<vmem>>
      %dma_start3A_299 = tpu.memref_slice %arg2[%mul3A_8] : memref<640000xi32, #tpu.memory_space<hbm>> -> memref<19968xi32, #tpu.memory_space<hbm>>
      tpu.enqueue_dma source(%dma_start3A_299 : memref<19968xi32, #tpu.memory_space<hbm>>) target(%dma_start3A_298 : memref<19968xi32, #tpu.memory_space<vmem>>) target_semaphore(%run_scoped3A : memref<!tpu.dma_semaphore, #tpu.memory_space<semaphore_mem>>)
      %dma_wait3A = arith.constant 0 : i32
      %dma_wait3A_300 = tpu.memref_slice %arg4[%dma_wait3A] : memref<20480xi32, #tpu.memory_space<vmem>> -> memref<19968xi32, #tpu.memory_space<vmem>>
      %dma_wait3A_301 = tpu.memref_slice %arg2[%mul3A_8] : memref<640000xi32, #tpu.memory_space<hbm>> -> memref<19968xi32, #tpu.memory_space<hbm>>
      %dma_wait3A_302 = arith.constant 0 : i32
      %dma_wait3A_303 = tpu.memref_slice %arg4[%dma_wait3A_302] : memref<20480xi32, #tpu.memory_space<vmem>> -> memref<19968xi32, #tpu.memory_space<vmem>>
      %dma_wait3A_304 = tpu.memref_slice %arg2[%mul3A_8] : memref<640000xi32, #tpu.memory_space<hbm>> -> memref<19968xi32, #tpu.memory_space<hbm>>
      tpu.wait_dma2 semaphore(%run_scoped3A : memref<!tpu.dma_semaphore, #tpu.memory_space<semaphore_mem>>) src(%dma_wait3A_304 : memref<19968xi32, #tpu.memory_space<hbm>>) dst(%dma_wait3A_303 : memref<19968xi32, #tpu.memory_space<vmem>>)
      tpu.yield
    }) : () -> ()
    %lt3A = arith.constant 4 : i32
    %lt3A_9 = arith.cmpi slt, %add3A, %lt3A : i32
    %convert_element_type3A = arith.extui %lt3A_9 : i1 to i32
    %cond3A = arith.constant 0 : i32
    %cond3A_10 = arith.cmpi ne, %convert_element_type3A, %cond3A : i32
    scf.if %cond3A_10 {
      %add3A_295 = arith.constant 78 : i32
      %add3A_296 = arith.addi %add3A_4, %add3A_295 : i32
      %mul3A_297 = arith.constant 2 : i32
      %mul3A_298 = arith.muli %add3A_296, %mul3A_297 : i32
      %mul3A_299 = arith.constant 128 : i32
      %mul3A_300 = arith.muli %mul3A_298, %mul3A_299 : i32
      "tpu.region"() ({
        %run_scoped3A = tpu.sem_alloc : memref<!tpu.dma_semaphore, #tpu.memory_space<semaphore_mem>>
        %dma_start3A = arith.constant 19968 : i32
        %dma_start3A_301 = tpu.memref_slice %arg4[%dma_start3A] : memref<20480xi32, #tpu.memory_space<vmem>> -> memref<256xi32, #tpu.memory_space<vmem>>
        %dma_start3A_302 = tpu.memref_slice %arg2[%mul3A_300] : memref<640000xi32, #tpu.memory_space<hbm>> -> memref<256xi32, #tpu.memory_space<hbm>>
        %dma_start3A_303 = arith.constant 19968 : i32
        %dma_start3A_304 = tpu.memref_slice %arg4[%dma_start3A_303] : memref<20480xi32, #tpu.memory_space<vmem>> -> memref<256xi32, #tpu.memory_space<vmem>>
        %dma_start3A_305 = tpu.memref_slice %arg2[%mul3A_300] : memref<640000xi32, #tpu.memory_space<hbm>> -> memref<256xi32, #tpu.memory_space<hbm>>
        tpu.enqueue_dma source(%dma_start3A_305 : memref<256xi32, #tpu.memory_space<hbm>>) target(%dma_start3A_304 : memref<256xi32, #tpu.memory_space<vmem>>) target_semaphore(%run_scoped3A : memref<!tpu.dma_semaphore, #tpu.memory_space<semaphore_mem>>)
        %dma_wait3A = arith.constant 19968 : i32
        %dma_wait3A_306 = tpu.memref_slice %arg4[%dma_wait3A] : memref<20480xi32, #tpu.memory_space<vmem>> -> memref<256xi32, #tpu.memory_space<vmem>>
        %dma_wait3A_307 = tpu.memref_slice %arg2[%mul3A_300] : memref<640000xi32, #tpu.memory_space<hbm>> -> memref<256xi32, #tpu.memory_space<hbm>>
        %dma_wait3A_308 = arith.constant 19968 : i32
        %dma_wait3A_309 = tpu.memref_slice %arg4[%dma_wait3A_308] : memref<20480xi32, #tpu.memory_space<vmem>> -> memref<256xi32, #tpu.memory_space<vmem>>
        %dma_wait3A_310 = tpu.memref_slice %arg2[%mul3A_300] : memref<640000xi32, #tpu.memory_space<hbm>> -> memref<256xi32, #tpu.memory_space<hbm>>
        tpu.wait_dma2 semaphore(%run_scoped3A : memref<!tpu.dma_semaphore, #tpu.memory_space<semaphore_mem>>) src(%dma_wait3A_310 : memref<256xi32, #tpu.memory_space<hbm>>) dst(%dma_wait3A_309 : memref<256xi32, #tpu.memory_space<vmem>>)
        tpu.yield
      }) : () -> ()
    } else {
    }
    %iota3A = tpu.iota {dimensions = array<i32: 0>} : vector<16xi32>
    %add3A_11 = arith.constant 0 : i32
    %add3A_12 = vector.broadcast %add3A_11 : i32 to vector<16xi32>
    %add3A_13 = arith.addi %iota3A, %add3A_12 : vector<16xi32>
    %jit3A = arith.constant 112 : i32
    %eq3A = arith.constant 0 : i32
    %eq3A_14 = arith.cmpi eq, %jit3A, %eq3A : i32
    %jit3A_15 = arith.constant 1 : i32
    %select_n3A = arith.select %eq3A_14, %jit3A_15, %jit3A : i32
    %rem3A = vector.broadcast %select_n3A : i32 to vector<16xi32>
    %rem3A_16 = arith.remsi %add3A_13, %rem3A : vector<16xi32>
    %ne3A = arith.constant 0 : i32
    %ne3A_17 = vector.broadcast %ne3A : i32 to vector<16xi32>
    %ne3A_18 = arith.cmpi ne, %rem3A_16, %ne3A_17 : vector<16xi32>
    %lt3A_19 = arith.constant 0 : i32
    %lt3A_20 = vector.broadcast %lt3A_19 : i32 to vector<16xi32>
    %lt3A_21 = arith.cmpi slt, %rem3A_16, %lt3A_20 : vector<16xi32>
    %lt3A_22 = arith.constant 0 : i32
    %lt3A_23 = arith.cmpi slt, %select_n3A, %lt3A_22 : i32
    %ne3A_24 = vector.broadcast %lt3A_23 : i1 to vector<16xi1>
    %ne3A_25 = vector.broadcast %ne3A_24 : vector<16xi1> to vector<16xi1>
    %ne3A_26 = arith.xori %lt3A_21, %ne3A_25 : vector<16xi1>
    %and3A = arith.andi %ne3A_26, %ne3A_18 : vector<16xi1>
    %add3A_27 = vector.broadcast %select_n3A : i32 to vector<16xi32>
    %add3A_28 = arith.addi %rem3A_16, %add3A_27 : vector<16xi32>
    %select_n3A_29 = arith.select %and3A, %add3A_28, %rem3A_16 : vector<16xi1>, vector<16xi32>
    %add3A_30 = arith.constant 10000 : i32
    %add3A_31 = vector.broadcast %add3A_30 : i32 to vector<16xi32>
    %add3A_32 = arith.addi %add3A_31, %select_n3A_29 : vector<16xi32>
    %swap3A = arith.constant 20352 : index
    %swap3A_33 = tpu.vector_load %arg4[%swap3A] {strides = array<i32>} : memref<20480xi32, #tpu.memory_space<vmem>>, vector<16xi32>,
    tpu.vector_store %arg4[%swap3A], %add3A_32 {strides = array<i32>} : memref<20480xi32, #tpu.memory_space<vmem>>, vector<16xi32>,
    %ge3A = arith.constant 4 : i32
    %ge3A_34 = arith.cmpi sge, %add3A, %ge3A : i32
    %convert_element_type3A_35 = arith.extui %ge3A_34 : i1 to i32
    %cond3A_36 = arith.constant 0 : i32
    %cond3A_37 = arith.cmpi ne, %convert_element_type3A_35, %cond3A_36 : i32
    scf.if %cond3A_37 {
      %swap3A_295 = arith.constant 20096 : index
      %swap3A_296 = tpu.vector_load %arg4[%swap3A_295] {strides = array<i32>} : memref<20480xi32, #tpu.memory_space<vmem>>, vector<16xi32>,
      tpu.vector_store %arg4[%swap3A_295], %add3A_32 {strides = array<i32>} : memref<20480xi32, #tpu.memory_space<vmem>>, vector<16xi32>,
    } else {
    }
    %add3A_38 = arith.constant 16 : i32
    %add3A_39 = vector.broadcast %add3A_38 : i32 to vector<16xi32>
    %add3A_40 = arith.addi %iota3A, %add3A_39 : vector<16xi32>
    %jit3A_41 = arith.constant 112 : i32
    %eq3A_42 = arith.constant 0 : i32
    %eq3A_43 = arith.cmpi eq, %jit3A_41, %eq3A_42 : i32
    %jit3A_44 = arith.constant 1 : i32
    %select_n3A_45 = arith.select %eq3A_43, %jit3A_44, %jit3A_41 : i32
    %rem3A_46 = vector.broadcast %select_n3A_45 : i32 to vector<16xi32>
    %rem3A_47 = arith.remsi %add3A_40, %rem3A_46 : vector<16xi32>
    %ne3A_48 = arith.constant 0 : i32
    %ne3A_49 = vector.broadcast %ne3A_48 : i32 to vector<16xi32>
    %ne3A_50 = arith.cmpi ne, %rem3A_47, %ne3A_49 : vector<16xi32>
    %lt3A_51 = arith.constant 0 : i32
    %lt3A_52 = vector.broadcast %lt3A_51 : i32 to vector<16xi32>
    %lt3A_53 = arith.cmpi slt, %rem3A_47, %lt3A_52 : vector<16xi32>
    %lt3A_54 = arith.constant 0 : i32
    %lt3A_55 = arith.cmpi slt, %select_n3A_45, %lt3A_54 : i32
    %ne3A_56 = vector.broadcast %lt3A_55 : i1 to vector<16xi1>
    %ne3A_57 = vector.broadcast %ne3A_56 : vector<16xi1> to vector<16xi1>
    %ne3A_58 = arith.xori %lt3A_53, %ne3A_57 : vector<16xi1>
    %and3A_59 = arith.andi %ne3A_58, %ne3A_50 : vector<16xi1>
    %add3A_60 = vector.broadcast %select_n3A_45 : i32 to vector<16xi32>
    %add3A_61 = arith.addi %rem3A_47, %add3A_60 : vector<16xi32>
    %select_n3A_62 = arith.select %and3A_59, %add3A_61, %rem3A_47 : vector<16xi1>, vector<16xi32>
    %add3A_63 = arith.constant 10000 : i32
    %add3A_64 = vector.broadcast %add3A_63 : i32 to vector<16xi32>
    %add3A_65 = arith.addi %add3A_64, %select_n3A_62 : vector<16xi32>
    %swap3A_66 = arith.constant 20368 : index
    %swap3A_67 = tpu.vector_load %arg4[%swap3A_66] {strides = array<i32>} : memref<20480xi32, #tpu.memory_space<vmem>>, vector<16xi32>,
    tpu.vector_store %arg4[%swap3A_66], %add3A_65 {strides = array<i32>} : memref<20480xi32, #tpu.memory_space<vmem>>, vector<16xi32>,
    %ge3A_68 = arith.constant 4 : i32
    %ge3A_69 = arith.cmpi sge, %add3A, %ge3A_68 : i32
    %convert_element_type3A_70 = arith.extui %ge3A_69 : i1 to i32
    %cond3A_71 = arith.constant 0 : i32
    %cond3A_72 = arith.cmpi ne, %convert_element_type3A_70, %cond3A_71 : i32
    scf.if %cond3A_72 {
      %swap3A_295 = arith.constant 20112 : index
      %swap3A_296 = tpu.vector_load %arg4[%swap3A_295] {strides = array<i32>} : memref<20480xi32, #tpu.memory_space<vmem>>, vector<16xi32>,
      tpu.vector_store %arg4[%swap3A_295], %add3A_65 {strides = array<i32>} : memref<20480xi32, #tpu.memory_space<vmem>>, vector<16xi32>,
    } else {
    }
    %add3A_73 = arith.constant 32 : i32
    %add3A_74 = vector.broadcast %add3A_73 : i32 to vector<16xi32>
    %add3A_75 = arith.addi %iota3A, %add3A_74 : vector<16xi32>
    %jit3A_76 = arith.constant 112 : i32
    %eq3A_77 = arith.constant 0 : i32
    %eq3A_78 = arith.cmpi eq, %jit3A_76, %eq3A_77 : i32
    %jit3A_79 = arith.constant 1 : i32
    %select_n3A_80 = arith.select %eq3A_78, %jit3A_79, %jit3A_76 : i32
    %rem3A_81 = vector.broadcast %select_n3A_80 : i32 to vector<16xi32>
    %rem3A_82 = arith.remsi %add3A_75, %rem3A_81 : vector<16xi32>
    %ne3A_83 = arith.constant 0 : i32
    %ne3A_84 = vector.broadcast %ne3A_83 : i32 to vector<16xi32>
    %ne3A_85 = arith.cmpi ne, %rem3A_82, %ne3A_84 : vector<16xi32>
    %lt3A_86 = arith.constant 0 : i32
    %lt3A_87 = vector.broadcast %lt3A_86 : i32 to vector<16xi32>
    %lt3A_88 = arith.cmpi slt, %rem3A_82, %lt3A_87 : vector<16xi32>
    %lt3A_89 = arith.constant 0 : i32
    %lt3A_90 = arith.cmpi slt, %select_n3A_80, %lt3A_89 : i32
    %ne3A_91 = vector.broadcast %lt3A_90 : i1 to vector<16xi1>
    %ne3A_92 = vector.broadcast %ne3A_91 : vector<16xi1> to vector<16xi1>
    %ne3A_93 = arith.xori %lt3A_88, %ne3A_92 : vector<16xi1>
    %and3A_94 = arith.andi %ne3A_93, %ne3A_85 : vector<16xi1>
    %add3A_95 = vector.broadcast %select_n3A_80 : i32 to vector<16xi32>
    %add3A_96 = arith.addi %rem3A_82, %add3A_95 : vector<16xi32>
    %select_n3A_97 = arith.select %and3A_94, %add3A_96, %rem3A_82 : vector<16xi1>, vector<16xi32>
    %add3A_98 = arith.constant 10000 : i32
    %add3A_99 = vector.broadcast %add3A_98 : i32 to vector<16xi32>
    %add3A_100 = arith.addi %add3A_99, %select_n3A_97 : vector<16xi32>
    %swap3A_101 = arith.constant 20384 : index
    %swap3A_102 = tpu.vector_load %arg4[%swap3A_101] {strides = array<i32>} : memref<20480xi32, #tpu.memory_space<vmem>>, vector<16xi32>,
    tpu.vector_store %arg4[%swap3A_101], %add3A_100 {strides = array<i32>} : memref<20480xi32, #tpu.memory_space<vmem>>, vector<16xi32>,
    %ge3A_103 = arith.constant 4 : i32
    %ge3A_104 = arith.cmpi sge, %add3A, %ge3A_103 : i32
    %convert_element_type3A_105 = arith.extui %ge3A_104 : i1 to i32
    %cond3A_106 = arith.constant 0 : i32
    %cond3A_107 = arith.cmpi ne, %convert_element_type3A_105, %cond3A_106 : i32
    scf.if %cond3A_107 {
      %swap3A_295 = arith.constant 20128 : index
      %swap3A_296 = tpu.vector_load %arg4[%swap3A_295] {strides = array<i32>} : memref<20480xi32, #tpu.memory_space<vmem>>, vector<16xi32>,
      tpu.vector_store %arg4[%swap3A_295], %add3A_100 {strides = array<i32>} : memref<20480xi32, #tpu.memory_space<vmem>>, vector<16xi32>,
    } else {
    }
    %add3A_108 = arith.constant 48 : i32
    %add3A_109 = vector.broadcast %add3A_108 : i32 to vector<16xi32>
    %add3A_110 = arith.addi %iota3A, %add3A_109 : vector<16xi32>
    %jit3A_111 = arith.constant 112 : i32
    %eq3A_112 = arith.constant 0 : i32
    %eq3A_113 = arith.cmpi eq, %jit3A_111, %eq3A_112 : i32
    %jit3A_114 = arith.constant 1 : i32
    %select_n3A_115 = arith.select %eq3A_113, %jit3A_114, %jit3A_111 : i32
    %rem3A_116 = vector.broadcast %select_n3A_115 : i32 to vector<16xi32>
    %rem3A_117 = arith.remsi %add3A_110, %rem3A_116 : vector<16xi32>
    %ne3A_118 = arith.constant 0 : i32
    %ne3A_119 = vector.broadcast %ne3A_118 : i32 to vector<16xi32>
    %ne3A_120 = arith.cmpi ne, %rem3A_117, %ne3A_119 : vector<16xi32>
    %lt3A_121 = arith.constant 0 : i32
    %lt3A_122 = vector.broadcast %lt3A_121 : i32 to vector<16xi32>
    %lt3A_123 = arith.cmpi slt, %rem3A_117, %lt3A_122 : vector<16xi32>
    %lt3A_124 = arith.constant 0 : i32
    %lt3A_125 = arith.cmpi slt, %select_n3A_115, %lt3A_124 : i32
    %ne3A_126 = vector.broadcast %lt3A_125 : i1 to vector<16xi1>
    %ne3A_127 = vector.broadcast %ne3A_126 : vector<16xi1> to vector<16xi1>
    %ne3A_128 = arith.xori %lt3A_123, %ne3A_127 : vector<16xi1>
    %and3A_129 = arith.andi %ne3A_128, %ne3A_120 : vector<16xi1>
    %add3A_130 = vector.broadcast %select_n3A_115 : i32 to vector<16xi32>
    %add3A_131 = arith.addi %rem3A_117, %add3A_130 : vector<16xi32>
    %select_n3A_132 = arith.select %and3A_129, %add3A_131, %rem3A_117 : vector<16xi1>, vector<16xi32>
    %add3A_133 = arith.constant 10000 : i32
    %add3A_134 = vector.broadcast %add3A_133 : i32 to vector<16xi32>
    %add3A_135 = arith.addi %add3A_134, %select_n3A_132 : vector<16xi32>
    %swap3A_136 = arith.constant 20400 : index
    %swap3A_137 = tpu.vector_load %arg4[%swap3A_136] {strides = array<i32>} : memref<20480xi32, #tpu.memory_space<vmem>>, vector<16xi32>,
    tpu.vector_store %arg4[%swap3A_136], %add3A_135 {strides = array<i32>} : memref<20480xi32, #tpu.memory_space<vmem>>, vector<16xi32>,
    %ge3A_138 = arith.constant 4 : i32
    %ge3A_139 = arith.cmpi sge, %add3A, %ge3A_138 : i32
    %convert_element_type3A_140 = arith.extui %ge3A_139 : i1 to i32
    %cond3A_141 = arith.constant 0 : i32
    %cond3A_142 = arith.cmpi ne, %convert_element_type3A_140, %cond3A_141 : i32
    scf.if %cond3A_142 {
      %swap3A_295 = arith.constant 20144 : index
      %swap3A_296 = tpu.vector_load %arg4[%swap3A_295] {strides = array<i32>} : memref<20480xi32, #tpu.memory_space<vmem>>, vector<16xi32>,
      tpu.vector_store %arg4[%swap3A_295], %add3A_135 {strides = array<i32>} : memref<20480xi32, #tpu.memory_space<vmem>>, vector<16xi32>,
    } else {
    }
    %add3A_143 = arith.constant 64 : i32
    %add3A_144 = vector.broadcast %add3A_143 : i32 to vector<16xi32>
    %add3A_145 = arith.addi %iota3A, %add3A_144 : vector<16xi32>
    %jit3A_146 = arith.constant 112 : i32
    %eq3A_147 = arith.constant 0 : i32
    %eq3A_148 = arith.cmpi eq, %jit3A_146, %eq3A_147 : i32
    %jit3A_149 = arith.constant 1 : i32
    %select_n3A_150 = arith.select %eq3A_148, %jit3A_149, %jit3A_146 : i32
    %rem3A_151 = vector.broadcast %select_n3A_150 : i32 to vector<16xi32>
    %rem3A_152 = arith.remsi %add3A_145, %rem3A_151 : vector<16xi32>
    %ne3A_153 = arith.constant 0 : i32
    %ne3A_154 = vector.broadcast %ne3A_153 : i32 to vector<16xi32>
    %ne3A_155 = arith.cmpi ne, %rem3A_152, %ne3A_154 : vector<16xi32>
    %lt3A_156 = arith.constant 0 : i32
    %lt3A_157 = vector.broadcast %lt3A_156 : i32 to vector<16xi32>
    %lt3A_158 = arith.cmpi slt, %rem3A_152, %lt3A_157 : vector<16xi32>
    %lt3A_159 = arith.constant 0 : i32
    %lt3A_160 = arith.cmpi slt, %select_n3A_150, %lt3A_159 : i32
    %ne3A_161 = vector.broadcast %lt3A_160 : i1 to vector<16xi1>
    %ne3A_162 = vector.broadcast %ne3A_161 : vector<16xi1> to vector<16xi1>
    %ne3A_163 = arith.xori %lt3A_158, %ne3A_162 : vector<16xi1>
    %and3A_164 = arith.andi %ne3A_163, %ne3A_155 : vector<16xi1>
    %add3A_165 = vector.broadcast %select_n3A_150 : i32 to vector<16xi32>
    %add3A_166 = arith.addi %rem3A_152, %add3A_165 : vector<16xi32>
    %select_n3A_167 = arith.select %and3A_164, %add3A_166, %rem3A_152 : vector<16xi1>, vector<16xi32>
    %add3A_168 = arith.constant 10000 : i32
    %add3A_169 = vector.broadcast %add3A_168 : i32 to vector<16xi32>
    %add3A_170 = arith.addi %add3A_169, %select_n3A_167 : vector<16xi32>
    %swap3A_171 = arith.constant 20416 : index
    %swap3A_172 = tpu.vector_load %arg4[%swap3A_171] {strides = array<i32>} : memref<20480xi32, #tpu.memory_space<vmem>>, vector<16xi32>,
    tpu.vector_store %arg4[%swap3A_171], %add3A_170 {strides = array<i32>} : memref<20480xi32, #tpu.memory_space<vmem>>, vector<16xi32>,
    %ge3A_173 = arith.constant 4 : i32
    %ge3A_174 = arith.cmpi sge, %add3A, %ge3A_173 : i32
    %convert_element_type3A_175 = arith.extui %ge3A_174 : i1 to i32
    %cond3A_176 = arith.constant 0 : i32
    %cond3A_177 = arith.cmpi ne, %convert_element_type3A_175, %cond3A_176 : i32
    scf.if %cond3A_177 {
      %swap3A_295 = arith.constant 20160 : index
      %swap3A_296 = tpu.vector_load %arg4[%swap3A_295] {strides = array<i32>} : memref<20480xi32, #tpu.memory_space<vmem>>, vector<16xi32>,
      tpu.vector_store %arg4[%swap3A_295], %add3A_170 {strides = array<i32>} : memref<20480xi32, #tpu.memory_space<vmem>>, vector<16xi32>,
    } else {
    }
    %add3A_178 = arith.constant 80 : i32
    %add3A_179 = vector.broadcast %add3A_178 : i32 to vector<16xi32>
    %add3A_180 = arith.addi %iota3A, %add3A_179 : vector<16xi32>
    %jit3A_181 = arith.constant 112 : i32
    %eq3A_182 = arith.constant 0 : i32
    %eq3A_183 = arith.cmpi eq, %jit3A_181, %eq3A_182 : i32
    %jit3A_184 = arith.constant 1 : i32
    %select_n3A_185 = arith.select %eq3A_183, %jit3A_184, %jit3A_181 : i32
    %rem3A_186 = vector.broadcast %select_n3A_185 : i32 to vector<16xi32>
    %rem3A_187 = arith.remsi %add3A_180, %rem3A_186 : vector<16xi32>
    %ne3A_188 = arith.constant 0 : i32
    %ne3A_189 = vector.broadcast %ne3A_188 : i32 to vector<16xi32>
    %ne3A_190 = arith.cmpi ne, %rem3A_187, %ne3A_189 : vector<16xi32>
    %lt3A_191 = arith.constant 0 : i32
    %lt3A_192 = vector.broadcast %lt3A_191 : i32 to vector<16xi32>
    %lt3A_193 = arith.cmpi slt, %rem3A_187, %lt3A_192 : vector<16xi32>
    %lt3A_194 = arith.constant 0 : i32
    %lt3A_195 = arith.cmpi slt, %select_n3A_185, %lt3A_194 : i32
    %ne3A_196 = vector.broadcast %lt3A_195 : i1 to vector<16xi1>
    %ne3A_197 = vector.broadcast %ne3A_196 : vector<16xi1> to vector<16xi1>
    %ne3A_198 = arith.xori %lt3A_193, %ne3A_197 : vector<16xi1>
    %and3A_199 = arith.andi %ne3A_198, %ne3A_190 : vector<16xi1>
    %add3A_200 = vector.broadcast %select_n3A_185 : i32 to vector<16xi32>
    %add3A_201 = arith.addi %rem3A_187, %add3A_200 : vector<16xi32>
    %select_n3A_202 = arith.select %and3A_199, %add3A_201, %rem3A_187 : vector<16xi1>, vector<16xi32>
    %add3A_203 = arith.constant 10000 : i32
    %add3A_204 = vector.broadcast %add3A_203 : i32 to vector<16xi32>
    %add3A_205 = arith.addi %add3A_204, %select_n3A_202 : vector<16xi32>
    %swap3A_206 = arith.constant 20432 : index
    %swap3A_207 = tpu.vector_load %arg4[%swap3A_206] {strides = array<i32>} : memref<20480xi32, #tpu.memory_space<vmem>>, vector<16xi32>,
    tpu.vector_store %arg4[%swap3A_206], %add3A_205 {strides = array<i32>} : memref<20480xi32, #tpu.memory_space<vmem>>, vector<16xi32>,
    %ge3A_208 = arith.constant 4 : i32
    %ge3A_209 = arith.cmpi sge, %add3A, %ge3A_208 : i32
    %convert_element_type3A_210 = arith.extui %ge3A_209 : i1 to i32
    %cond3A_211 = arith.constant 0 : i32
    %cond3A_212 = arith.cmpi ne, %convert_element_type3A_210, %cond3A_211 : i32
    scf.if %cond3A_212 {
      %swap3A_295 = arith.constant 20176 : index
      %swap3A_296 = tpu.vector_load %arg4[%swap3A_295] {strides = array<i32>} : memref<20480xi32, #tpu.memory_space<vmem>>, vector<16xi32>,
      tpu.vector_store %arg4[%swap3A_295], %add3A_205 {strides = array<i32>} : memref<20480xi32, #tpu.memory_space<vmem>>, vector<16xi32>,
    } else {
    }
    %add3A_213 = arith.constant 96 : i32
    %add3A_214 = vector.broadcast %add3A_213 : i32 to vector<16xi32>
    %add3A_215 = arith.addi %iota3A, %add3A_214 : vector<16xi32>
    %jit3A_216 = arith.constant 112 : i32
    %eq3A_217 = arith.constant 0 : i32
    %eq3A_218 = arith.cmpi eq, %jit3A_216, %eq3A_217 : i32
    %jit3A_219 = arith.constant 1 : i32
    %select_n3A_220 = arith.select %eq3A_218, %jit3A_219, %jit3A_216 : i32
    %rem3A_221 = vector.broadcast %select_n3A_220 : i32 to vector<16xi32>
    %rem3A_222 = arith.remsi %add3A_215, %rem3A_221 : vector<16xi32>
    %ne3A_223 = arith.constant 0 : i32
    %ne3A_224 = vector.broadcast %ne3A_223 : i32 to vector<16xi32>
    %ne3A_225 = arith.cmpi ne, %rem3A_222, %ne3A_224 : vector<16xi32>
    %lt3A_226 = arith.constant 0 : i32
    %lt3A_227 = vector.broadcast %lt3A_226 : i32 to vector<16xi32>
    %lt3A_228 = arith.cmpi slt, %rem3A_222, %lt3A_227 : vector<16xi32>
    %lt3A_229 = arith.constant 0 : i32
    %lt3A_230 = arith.cmpi slt, %select_n3A_220, %lt3A_229 : i32
    %ne3A_231 = vector.broadcast %lt3A_230 : i1 to vector<16xi1>
    %ne3A_232 = vector.broadcast %ne3A_231 : vector<16xi1> to vector<16xi1>
    %ne3A_233 = arith.xori %lt3A_228, %ne3A_232 : vector<16xi1>
    %and3A_234 = arith.andi %ne3A_233, %ne3A_225 : vector<16xi1>
    %add3A_235 = vector.broadcast %select_n3A_220 : i32 to vector<16xi32>
    %add3A_236 = arith.addi %rem3A_222, %add3A_235 : vector<16xi32>
    %select_n3A_237 = arith.select %and3A_234, %add3A_236, %rem3A_222 : vector<16xi1>, vector<16xi32>
    %add3A_238 = arith.constant 10000 : i32
    %add3A_239 = vector.broadcast %add3A_238 : i32 to vector<16xi32>
    %add3A_240 = arith.addi %add3A_239, %select_n3A_237 : vector<16xi32>
    %swap3A_241 = arith.constant 20448 : index
    %swap3A_242 = tpu.vector_load %arg4[%swap3A_241] {strides = array<i32>} : memref<20480xi32, #tpu.memory_space<vmem>>, vector<16xi32>,
    tpu.vector_store %arg4[%swap3A_241], %add3A_240 {strides = array<i32>} : memref<20480xi32, #tpu.memory_space<vmem>>, vector<16xi32>,
    %ge3A_243 = arith.constant 4 : i32
    %ge3A_244 = arith.cmpi sge, %add3A, %ge3A_243 : i32
    %convert_element_type3A_245 = arith.extui %ge3A_244 : i1 to i32
    %cond3A_246 = arith.constant 0 : i32
    %cond3A_247 = arith.cmpi ne, %convert_element_type3A_245, %cond3A_246 : i32
    scf.if %cond3A_247 {
      %swap3A_295 = arith.constant 20192 : index
      %swap3A_296 = tpu.vector_load %arg4[%swap3A_295] {strides = array<i32>} : memref<20480xi32, #tpu.memory_space<vmem>>, vector<16xi32>,
      tpu.vector_store %arg4[%swap3A_295], %add3A_240 {strides = array<i32>} : memref<20480xi32, #tpu.memory_space<vmem>>, vector<16xi32>,
    } else {
    }
    %add3A_248 = arith.constant 112 : i32
    %add3A_249 = vector.broadcast %add3A_248 : i32 to vector<16xi32>
    %add3A_250 = arith.addi %iota3A, %add3A_249 : vector<16xi32>
    %jit3A_251 = arith.constant 112 : i32
    %eq3A_252 = arith.constant 0 : i32
    %eq3A_253 = arith.cmpi eq, %jit3A_251, %eq3A_252 : i32
    %jit3A_254 = arith.constant 1 : i32
    %select_n3A_255 = arith.select %eq3A_253, %jit3A_254, %jit3A_251 : i32
    %rem3A_256 = vector.broadcast %select_n3A_255 : i32 to vector<16xi32>
    %rem3A_257 = arith.remsi %add3A_250, %rem3A_256 : vector<16xi32>
    %ne3A_258 = arith.constant 0 : i32
    %ne3A_259 = vector.broadcast %ne3A_258 : i32 to vector<16xi32>
    %ne3A_260 = arith.cmpi ne, %rem3A_257, %ne3A_259 : vector<16xi32>
    %lt3A_261 = arith.constant 0 : i32
    %lt3A_262 = vector.broadcast %lt3A_261 : i32 to vector<16xi32>
    %lt3A_263 = arith.cmpi slt, %rem3A_257, %lt3A_262 : vector<16xi32>
    %lt3A_264 = arith.constant 0 : i32
    %lt3A_265 = arith.cmpi slt, %select_n3A_255, %lt3A_264 : i32
    %ne3A_266 = vector.broadcast %lt3A_265 : i1 to vector<16xi1>
    %ne3A_267 = vector.broadcast %ne3A_266 : vector<16xi1> to vector<16xi1>
    %ne3A_268 = arith.xori %lt3A_263, %ne3A_267 : vector<16xi1>
    %and3A_269 = arith.andi %ne3A_268, %ne3A_260 : vector<16xi1>
    %add3A_270 = vector.broadcast %select_n3A_255 : i32 to vector<16xi32>
    %add3A_271 = arith.addi %rem3A_257, %add3A_270 : vector<16xi32>
    %select_n3A_272 = arith.select %and3A_269, %add3A_271, %rem3A_257 : vector<16xi1>, vector<16xi32>
    %add3A_273 = arith.constant 10000 : i32
    %add3A_274 = vector.broadcast %add3A_273 : i32 to vector<16xi32>
    %add3A_275 = arith.addi %add3A_274, %select_n3A_272 : vector<16xi32>
    %swap3A_276 = arith.constant 20464 : index
    %swap3A_277 = tpu.vector_load %arg4[%swap3A_276] {strides = array<i32>} : memref<20480xi32, #tpu.memory_space<vmem>>, vector<16xi32>,
    tpu.vector_store %arg4[%swap3A_276], %add3A_275 {strides = array<i32>} : memref<20480xi32, #tpu.memory_space<vmem>>, vector<16xi32>,
    %ge3A_278 = arith.constant 4 : i32
    %ge3A_279 = arith.cmpi sge, %add3A, %ge3A_278 : i32
    %convert_element_type3A_280 = arith.extui %ge3A_279 : i1 to i32
    %cond3A_281 = arith.constant 0 : i32
    %cond3A_282 = arith.cmpi ne, %convert_element_type3A_280, %cond3A_281 : i32
    scf.if %cond3A_282 {
      %swap3A_295 = arith.constant 20208 : index
      %swap3A_296 = tpu.vector_load %arg4[%swap3A_295] {strides = array<i32>} : memref<20480xi32, #tpu.memory_space<vmem>>, vector<16xi32>,
      tpu.vector_store %arg4[%swap3A_295], %add3A_275 {strides = array<i32>} : memref<20480xi32, #tpu.memory_space<vmem>>, vector<16xi32>,
    } else {
    }
    %broadcast_in_dim3A = arith.constant 0.000000e+00 : f32
    %broadcast_in_dim3A_283 = vector.broadcast %broadcast_in_dim3A : f32 to vector<16xf32>
    %scan3A = arith.constant 0 : i32
    %scan3A_284 = arith.constant 632 : i32
    %scan3A_285 = arith.addi %scan3A, %scan3A_284 : i32
    %scan3A_286 = arith.constant 1 : i32
    scf.for %scan3A_295 = %scan3A to %scan3A_285 step %scan3A_286  : i32 {
      %mul3A_296 = arith.constant 1 : i32
      %mul3A_297 = arith.muli %scan3A_295, %mul3A_296 : i32
      %add3A_298 = arith.constant 0 : i32
      %add3A_299 = arith.addi %add3A_298, %mul3A_297 : i32
      %mul3A_300 = arith.constant 16 : i32
      %mul3A_301 = arith.muli %mul3A_300, %add3A_299 : i32
      %swap3A_302 = arith.index_cast %mul3A_301 : i32 to index
      %swap3A_303 = tpu.vector_load %arg5[%swap3A_302] {strides = array<i32>} : memref<10112xf32, #tpu.memory_space<vmem>>, vector<16xf32>,
      tpu.vector_store %arg5[%swap3A_302], %broadcast_in_dim3A_283 {strides = array<i32>} : memref<10112xf32, #tpu.memory_space<vmem>>, vector<16xf32>,
    }
    %scan3A_287 = arith.constant 632 : i32
    %broadcast_in_dim3A_288 = arith.constant 1.000000e+00 : f32
    %broadcast_in_dim3A_289 = vector.broadcast %broadcast_in_dim3A_288 : f32 to vector<16xf32>
    %scan3A_290 = arith.constant 0 : i32
    %scan3A_291 = arith.constant 80 : i32
    %scan3A_292 = arith.addi %scan3A_290, %scan3A_291 : i32
    %scan3A_293 = arith.constant 1 : i32
    scf.for %scan3A_295 = %scan3A_290 to %scan3A_292 step %scan3A_293  : i32 {
      %mul3A_296 = arith.constant 1 : i32
      %mul3A_297 = arith.muli %scan3A_295, %mul3A_296 : i32
      %add3A_298 = arith.constant 0 : i32
      %add3A_299 = arith.addi %add3A_298, %mul3A_297 : i32
      %mul3A_300 = arith.constant 2 : i32
      %mul3A_301 = arith.muli %add3A_299, %mul3A_300 : i32
      %mul3A_302 = arith.constant 128 : i32
      %mul3A_303 = arith.muli %mul3A_301, %mul3A_302 : i32
      %add3A_304 = arith.constant 128 : i32
      %add3A_305 = arith.addi %mul3A_303, %add3A_304 : i32
      %add3A_306 = arith.constant 0 : i32
      %add3A_307 = arith.addi %add3A_305, %add3A_306 : i32
      %get3A = arith.index_cast %add3A_307 : i32 to index
      %get3A_308 = tpu.vector_load %arg4[%get3A] {strides = array<i32>} : memref<20480xi32, #tpu.memory_space<vmem>>, vector<16xi32>,
      tpu.vector_store_idx %arg5[%get3A_308], %broadcast_in_dim3A_289 {add = true} : memref<10112xf32, #tpu.memory_space<vmem>>[vector<16xi32>], vector<16xf32>,
      %mul3A_309 = arith.constant 2 : i32
      %mul3A_310 = arith.muli %add3A_299, %mul3A_309 : i32
      %mul3A_311 = arith.constant 128 : i32
      %mul3A_312 = arith.muli %mul3A_310, %mul3A_311 : i32
      %add3A_313 = arith.constant 128 : i32
      %add3A_314 = arith.addi %mul3A_312, %add3A_313 : i32
      %add3A_315 = arith.constant 16 : i32
      %add3A_316 = arith.addi %add3A_314, %add3A_315 : i32
      %get3A_317 = arith.index_cast %add3A_316 : i32 to index
      %get3A_318 = tpu.vector_load %arg4[%get3A_317] {strides = array<i32>} : memref<20480xi32, #tpu.memory_space<vmem>>, vector<16xi32>,
      tpu.vector_store_idx %arg5[%get3A_318], %broadcast_in_dim3A_289 {add = true} : memref<10112xf32, #tpu.memory_space<vmem>>[vector<16xi32>], vector<16xf32>,
      %mul3A_319 = arith.constant 2 : i32
      %mul3A_320 = arith.muli %add3A_299, %mul3A_319 : i32
      %mul3A_321 = arith.constant 128 : i32
      %mul3A_322 = arith.muli %mul3A_320, %mul3A_321 : i32
      %add3A_323 = arith.constant 128 : i32
      %add3A_324 = arith.addi %mul3A_322, %add3A_323 : i32
      %add3A_325 = arith.constant 32 : i32
      %add3A_326 = arith.addi %add3A_324, %add3A_325 : i32
      %get3A_327 = arith.index_cast %add3A_326 : i32 to index
      %get3A_328 = tpu.vector_load %arg4[%get3A_327] {strides = array<i32>} : memref<20480xi32, #tpu.memory_space<vmem>>, vector<16xi32>,
      tpu.vector_store_idx %arg5[%get3A_328], %broadcast_in_dim3A_289 {add = true} : memref<10112xf32, #tpu.memory_space<vmem>>[vector<16xi32>], vector<16xf32>,
      %mul3A_329 = arith.constant 2 : i32
      %mul3A_330 = arith.muli %add3A_299, %mul3A_329 : i32
      %mul3A_331 = arith.constant 128 : i32
      %mul3A_332 = arith.muli %mul3A_330, %mul3A_331 : i32
      %add3A_333 = arith.constant 128 : i32
      %add3A_334 = arith.addi %mul3A_332, %add3A_333 : i32
      %add3A_335 = arith.constant 48 : i32
      %add3A_336 = arith.addi %add3A_334, %add3A_335 : i32
      %get3A_337 = arith.index_cast %add3A_336 : i32 to index
      %get3A_338 = tpu.vector_load %arg4[%get3A_337] {strides = array<i32>} : memref<20480xi32, #tpu.memory_space<vmem>>, vector<16xi32>,
      tpu.vector_store_idx %arg5[%get3A_338], %broadcast_in_dim3A_289 {add = true} : memref<10112xf32, #tpu.memory_space<vmem>>[vector<16xi32>], vector<16xf32>,
      %mul3A_339 = arith.constant 2 : i32
      %mul3A_340 = arith.muli %add3A_299, %mul3A_339 : i32
      %mul3A_341 = arith.constant 128 : i32
      %mul3A_342 = arith.muli %mul3A_340, %mul3A_341 : i32
      %add3A_343 = arith.constant 128 : i32
      %add3A_344 = arith.addi %mul3A_342, %add3A_343 : i32
      %add3A_345 = arith.constant 64 : i32
      %add3A_346 = arith.addi %add3A_344, %add3A_345 : i32
      %get3A_347 = arith.index_cast %add3A_346 : i32 to index
      %get3A_348 = tpu.vector_load %arg4[%get3A_347] {strides = array<i32>} : memref<20480xi32, #tpu.memory_space<vmem>>, vector<16xi32>,
      tpu.vector_store_idx %arg5[%get3A_348], %broadcast_in_dim3A_289 {add = true} : memref<10112xf32, #tpu.memory_space<vmem>>[vector<16xi32>], vector<16xf32>,
      %mul3A_349 = arith.constant 2 : i32
      %mul3A_350 = arith.muli %add3A_299, %mul3A_349 : i32
      %mul3A_351 = arith.constant 128 : i32
      %mul3A_352 = arith.muli %mul3A_350, %mul3A_351 : i32
      %add3A_353 = arith.constant 128 : i32
      %add3A_354 = arith.addi %mul3A_352, %add3A_353 : i32
      %add3A_355 = arith.constant 80 : i32
      %add3A_356 = arith.addi %add3A_354, %add3A_355 : i32
      %get3A_357 = arith.index_cast %add3A_356 : i32 to index
      %get3A_358 = tpu.vector_load %arg4[%get3A_357] {strides = array<i32>} : memref<20480xi32, #tpu.memory_space<vmem>>, vector<16xi32>,
      tpu.vector_store_idx %arg5[%get3A_358], %broadcast_in_dim3A_289 {add = true} : memref<10112xf32, #tpu.memory_space<vmem>>[vector<16xi32>], vector<16xf32>,
      %mul3A_359 = arith.constant 2 : i32
      %mul3A_360 = arith.muli %add3A_299, %mul3A_359 : i32
      %mul3A_361 = arith.constant 128 : i32
      %mul3A_362 = arith.muli %mul3A_360, %mul3A_361 : i32
      %add3A_363 = arith.constant 128 : i32
      %add3A_364 = arith.addi %mul3A_362, %add3A_363 : i32
      %add3A_365 = arith.constant 96 : i32
      %add3A_366 = arith.addi %add3A_364, %add3A_365 : i32
      %get3A_367 = arith.index_cast %add3A_366 : i32 to index
      %get3A_368 = tpu.vector_load %arg4[%get3A_367] {strides = array<i32>} : memref<20480xi32, #tpu.memory_space<vmem>>, vector<16xi32>,
      tpu.vector_store_idx %arg5[%get3A_368], %broadcast_in_dim3A_289 {add = true} : memref<10112xf32, #tpu.memory_space<vmem>>[vector<16xi32>], vector<16xf32>,
      %mul3A_369 = arith.constant 2 : i32
      %mul3A_370 = arith.muli %add3A_299, %mul3A_369 : i32
      %mul3A_371 = arith.constant 128 : i32
      %mul3A_372 = arith.muli %mul3A_370, %mul3A_371 : i32
      %add3A_373 = arith.constant 128 : i32
      %add3A_374 = arith.addi %mul3A_372, %add3A_373 : i32
      %add3A_375 = arith.constant 112 : i32
      %add3A_376 = arith.addi %add3A_374, %add3A_375 : i32
      %get3A_377 = arith.index_cast %add3A_376 : i32 to index
      %get3A_378 = tpu.vector_load %arg4[%get3A_377] {strides = array<i32>} : memref<20480xi32, #tpu.memory_space<vmem>>, vector<16xi32>,
      tpu.vector_store_idx %arg5[%get3A_378], %broadcast_in_dim3A_289 {add = true} : memref<10112xf32, #tpu.memory_space<vmem>>[vector<16xi32>], vector<16xf32>,
    }
    %scan3A_294 = arith.constant 80 : i32
    "tpu.region"() ({
      %run_scoped3A = tpu.sem_alloc : memref<!tpu.dma_semaphore, #tpu.memory_space<semaphore_mem>>
      %dma_start3A = arith.constant 0 : i32
      %dma_start3A_295 = tpu.memref_slice %arg3[%add3A, %dma_start3A] : memref<32x10112xf32, #tpu.memory_space<hbm>> -> memref<1x10112xf32, #tpu.memory_space<hbm>>
      %dma_start3A_296 = tpu.memref_squeeze %dma_start3A_295 : memref<1x10112xf32, #tpu.memory_space<hbm>> -> memref<10112xf32, #tpu.memory_space<hbm>>
      %dma_start3A_297 = arith.constant 0 : i32
      %dma_start3A_298 = tpu.memref_slice %arg3[%add3A, %dma_start3A_297] : memref<32x10112xf32, #tpu.memory_space<hbm>> -> memref<1x10112xf32, #tpu.memory_space<hbm>>
      %dma_start3A_299 = tpu.memref_squeeze %dma_start3A_298 : memref<1x10112xf32, #tpu.memory_space<hbm>> -> memref<10112xf32, #tpu.memory_space<hbm>>
      tpu.enqueue_dma source(%arg5 : memref<10112xf32, #tpu.memory_space<vmem>>) target(%dma_start3A_299 : memref<10112xf32, #tpu.memory_space<hbm>>) target_semaphore(%run_scoped3A : memref<!tpu.dma_semaphore, #tpu.memory_space<semaphore_mem>>)
      %dma_wait3A = arith.constant 0 : i32
      %dma_wait3A_300 = tpu.memref_slice %arg3[%add3A, %dma_wait3A] : memref<32x10112xf32, #tpu.memory_space<hbm>> -> memref<1x10112xf32, #tpu.memory_space<hbm>>
      %dma_wait3A_301 = tpu.memref_squeeze %dma_wait3A_300 : memref<1x10112xf32, #tpu.memory_space<hbm>> -> memref<10112xf32, #tpu.memory_space<hbm>>
      %dma_wait3A_302 = arith.constant 0 : i32
      %dma_wait3A_303 = tpu.memref_slice %arg3[%add3A, %dma_wait3A_302] : memref<32x10112xf32, #tpu.memory_space<hbm>> -> memref<1x10112xf32, #tpu.memory_space<hbm>>
      %dma_wait3A_304 = tpu.memref_squeeze %dma_wait3A_303 : memref<1x10112xf32, #tpu.memory_space<hbm>> -> memref<10112xf32, #tpu.memory_space<hbm>>
      tpu.wait_dma2 semaphore(%run_scoped3A : memref<!tpu.dma_semaphore, #tpu.memory_space<semaphore_mem>>) src(%arg5 : memref<10112xf32, #tpu.memory_space<vmem>>) dst(%dma_wait3A_304 : memref<10112xf32, #tpu.memory_space<hbm>>)
      tpu.yield
    }) : () -> ()
    return
  }
}

module attributes {stable_mosaic.version = 14 : i64} {
  func.func @body(%arg0: memref<10000x64xf32, #tpu.memory_space<vmem>>, %arg1: memref<32x10112xf32, #tpu.memory_space<vmem>>, %arg2: memref<10000x64xf32, #tpu.memory_space<vmem>>) attributes {dimension_semantics = [], scalar_prefetch = 0 : i64, scratch_operands = 0 : i64, tpu.core_type = #tpu.core_type<tc>} {
    %get3A = arith.constant 0 : index
    %get3A_0 = arith.constant 0 : index
    %get3A_1 = vector.load %arg0[%get3A, %get3A_0] : memref<10000x64xf32, #tpu.memory_space<vmem>>, vector<10000x64xf32>
    %get3A_2 = arith.constant 0 : index
    %get3A_3 = arith.constant 0 : index
    %get3A_4 = vector.load %arg1[%get3A_2, %get3A_3] : memref<32x10112xf32, #tpu.memory_space<vmem>>, vector<32x10112xf32>
    %transpose3A = tpu.transpose %get3A_4, [1, 0] : vector<32x10112xf32> -> vector<10112x32xf32>
    %reduce_sum3A = arith.constant dense<0.000000e+00> : vector<10112xf32>
    %reduce_sum3A_5 = vector.multi_reduction <add>, %transpose3A, %reduce_sum3A [1] : vector<10112x32xf32> to vector<10112xf32>
    %broadcast_in_dim3A = vector.shape_cast %reduce_sum3A_5 : vector<10112xf32> to vector<10112x1xf32>
    %slice3A = vector.extract_strided_slice %broadcast_in_dim3A {offsets = [0, 0], sizes = [10000, 1], strides = [1, 1]} : vector<10112x1xf32> to vector<10000x1xf32>
    %add3A = arith.constant 1.000000e+00 : f32
    %add3A_6 = vector.broadcast %add3A : f32 to vector<10000x1xf32>
    %add3A_7 = arith.addf %slice3A, %add3A_6 : vector<10000x1xf32>
    %rsqrt3A = math.rsqrt %add3A_7 : vector<10000x1xf32>
    %mul3A = vector.broadcast %rsqrt3A : vector<10000x1xf32> to vector<10000x64xf32>
    %mul3A_8 = arith.mulf %get3A_1, %mul3A : vector<10000x64xf32>
    %swap3A = arith.constant 0 : index
    %swap3A_9 = arith.constant 0 : index
    %swap3A_10 = vector.load %arg2[%swap3A, %swap3A_9] : memref<10000x64xf32, #tpu.memory_space<vmem>>, vector<10000x64xf32>
    tpu.vector_store %arg2[%swap3A, %swap3A_9], %mul3A_8 {strides = array<i32>} : memref<10000x64xf32, #tpu.memory_space<vmem>>, vector<10000x64xf32>,
    return
  }
}

module attributes {stable_mosaic.version = 14 : i64} {
  func.func @body(%arg0: i32, %arg1: memref<1000x128xf32, #tpu.memory_space<vmem>>, %arg2: memref<128x64xf32, #tpu.memory_space<vmem>>, %arg3: memref<1000x64xf32, #tpu.memory_space<vmem>>) attributes {dimension_semantics = [#tpu.dimension_semantics<arbitrary>], iteration_bounds = array<i64: 10>, scalar_prefetch = 0 : i64, scratch_operands = 0 : i64, tpu.core_type = #tpu.core_type<tc>, window_params = [{transform_indices = @transform_0, window_bounds = array<i64: 1000, 128>}, {pipeline_mode = #tpu.pipeline_mode<synchronous>, transform_indices = @transform_1, window_bounds = array<i64: 128, 64>}, {transform_indices = @transform_2, window_bounds = array<i64: 1000, 64>}]} {
    %get3A = arith.constant 0 : index
    %get3A_0 = arith.constant 0 : index
    %get3A_1 = vector.load %arg1[%get3A, %get3A_0] : memref<1000x128xf32, #tpu.memory_space<vmem>>, vector<1000x128xf32>
    %get3A_2 = arith.constant 0 : index
    %get3A_3 = arith.constant 0 : index
    %get3A_4 = vector.load %arg2[%get3A_2, %get3A_3] : memref<128x64xf32, #tpu.memory_space<vmem>>, vector<128x64xf32>
    %dot_general3A = arith.constant dense<0.000000e+00> : vector<1000x64xf32>
    %dot_general3A_5 = tpu.matmul %get3A_1, %get3A_4, %dot_general3A {dimension_numbers = #tpu.dot_dimension_numbers<[1], [0], [0], [1], [0, 0, 1, 1], [], []>, transpose_lhs_hint = false} : vector<1000x128xf32>, vector<128x64xf32>, vector<1000x64xf32> -> vector<1000x64xf32>
    %swap3A = arith.constant 0 : index
    %swap3A_6 = arith.constant 0 : index
    %swap3A_7 = vector.load %arg3[%swap3A, %swap3A_6] : memref<1000x64xf32, #tpu.memory_space<vmem>>, vector<1000x64xf32>
    tpu.vector_store %arg3[%swap3A, %swap3A_6], %dot_general3A_5 {strides = array<i32>} : memref<1000x64xf32, #tpu.memory_space<vmem>>, vector<1000x64xf32>,
    return
  }
  func.func @transform_0(%arg0: i32) -> (i32, i32) {
    %c0_i32 = arith.constant 0 : i32
    %c0_i32_0 = arith.constant 0 : i32
    return %arg0, %c0_i32 : i32, i32
  }
  func.func @transform_1(%arg0: i32) -> (i32, i32) {
    %c0_i32 = arith.constant 0 : i32
    %c0_i32_0 = arith.constant 0 : i32
    %c0_i32_1 = arith.constant 0 : i32
    return %c0_i32, %c0_i32_0 : i32, i32
  }
  func.func @transform_2(%arg0: i32) -> (i32, i32) {
    %c0_i32 = arith.constant 0 : i32
    %c0_i32_0 = arith.constant 0 : i32
    return %arg0, %c0_i32 : i32, i32
  }
}

module attributes {stable_mosaic.version = 14 : i64} {
  func.func @body(%arg0: memref<2x10112x64xf32, #tpu.memory_space<vmem>>, %arg1: memref<10000x64xf32, #tpu.memory_space<vmem>>, %arg2: memref<32x10112xf32, #tpu.memory_space<vmem>>, %arg3: memref<1x64xf32, #tpu.memory_space<vmem>>, %arg4: memref<64x64xf32, #tpu.memory_space<vmem>>, %arg5: memref<64x1xf32, #tpu.memory_space<vmem>>, %arg6: memref<64x10000xf32, #tpu.memory_space<vmem>>, %arg7: memref<64x10000xf32, #tpu.memory_space<vmem>>) attributes {dimension_semantics = [], scalar_prefetch = 0 : i64, scratch_operands = 0 : i64, tpu.core_type = #tpu.core_type<tc>} {
    %get3A = arith.constant 0 : index
    %get3A_0 = arith.constant 0 : index
    %get3A_1 = vector.load %arg2[%get3A, %get3A_0] : memref<32x10112xf32, #tpu.memory_space<vmem>>, vector<32x10112xf32>
    %transpose3A = tpu.transpose %get3A_1, [1, 0] : vector<32x10112xf32> -> vector<10112x32xf32>
    %reduce_sum3A = arith.constant dense<0.000000e+00> : vector<10112xf32>
    %reduce_sum3A_2 = vector.multi_reduction <add>, %transpose3A, %reduce_sum3A [1] : vector<10112x32xf32> to vector<10112xf32>
    %broadcast_in_dim3A = vector.shape_cast %reduce_sum3A_2 : vector<10112xf32> to vector<10112x1xf32>
    %slice3A = vector.extract_strided_slice %broadcast_in_dim3A {offsets = [0, 0], sizes = [10000, 1], strides = [1, 1]} : vector<10112x1xf32> to vector<10000x1xf32>
    %add3A = arith.constant 1.000000e+00 : f32
    %add3A_3 = vector.broadcast %add3A : f32 to vector<10000x1xf32>
    %add3A_4 = arith.addf %slice3A, %add3A_3 : vector<10000x1xf32>
    %rsqrt3A = math.rsqrt %add3A_4 : vector<10000x1xf32>
    %get3A_5 = arith.constant 0 : index
    %get3A_6 = arith.constant 0 : index
    %get3A_7 = arith.constant 0 : index
    %get3A_8 = vector.load %arg0[%get3A_5, %get3A_6, %get3A_7] : memref<2x10112x64xf32, #tpu.memory_space<vmem>>, vector<1x10000x64xf32>
    %get3A_9 = vector.shape_cast %get3A_8 : vector<1x10000x64xf32> to vector<10000x64xf32>
    %get3A_10 = arith.constant 1 : index
    %get3A_11 = arith.constant 0 : index
    %get3A_12 = arith.constant 0 : index
    %get3A_13 = vector.load %arg0[%get3A_10, %get3A_11, %get3A_12] : memref<2x10112x64xf32, #tpu.memory_space<vmem>>, vector<1x10000x64xf32>
    %get3A_14 = vector.shape_cast %get3A_13 : vector<1x10000x64xf32> to vector<10000x64xf32>
    %add3A_15 = arith.addf %get3A_9, %get3A_14 : vector<10000x64xf32>
    %get3A_16 = arith.constant 0 : index
    %get3A_17 = arith.constant 0 : index
    %get3A_18 = vector.load %arg1[%get3A_16, %get3A_17] : memref<10000x64xf32, #tpu.memory_space<vmem>>, vector<10000x64xf32>
    %add3A_19 = arith.addf %add3A_15, %get3A_18 : vector<10000x64xf32>
    %mul3A = vector.broadcast %rsqrt3A : vector<10000x1xf32> to vector<10000x64xf32>
    %mul3A_20 = arith.mulf %add3A_19, %mul3A : vector<10000x64xf32>
    %get3A_21 = arith.constant 0 : index
    %get3A_22 = arith.constant 0 : index
    %get3A_23 = vector.load %arg3[%get3A_21, %get3A_22] : memref<1x64xf32, #tpu.memory_space<vmem>>, vector<1x64xf32>
    %add3A_24 = vector.broadcast %get3A_23 : vector<1x64xf32> to vector<10000x64xf32>
    %add3A_25 = arith.addf %mul3A_20, %add3A_24 : vector<10000x64xf32>
    %max3A = arith.constant 0.000000e+00 : f32
    %max3A_26 = vector.broadcast %max3A : f32 to vector<10000x64xf32>
    %max3A_27 = arith.maximumf %add3A_25, %max3A_26 : vector<10000x64xf32>
    %transpose3A_28 = tpu.transpose %max3A_27, [1, 0] : vector<10000x64xf32> -> vector<64x10000xf32>
    %swap3A = arith.constant 0 : index
    %swap3A_29 = arith.constant 0 : index
    %swap3A_30 = vector.load %arg7[%swap3A, %swap3A_29] : memref<64x10000xf32, #tpu.memory_space<vmem>>, vector<64x10000xf32>
    tpu.vector_store %arg7[%swap3A, %swap3A_29], %transpose3A_28 {strides = array<i32>} : memref<64x10000xf32, #tpu.memory_space<vmem>>, vector<64x10000xf32>,
    %get3A_31 = arith.constant 0 : index
    %get3A_32 = arith.constant 0 : index
    %get3A_33 = vector.load %arg4[%get3A_31, %get3A_32] : memref<64x64xf32, #tpu.memory_space<vmem>>, vector<64x64xf32>
    %dot_general3A = arith.constant dense<0.000000e+00> : vector<64x10000xf32>
    %dot_general3A_34 = tpu.matmul %get3A_33, %transpose3A_28, %dot_general3A {dimension_numbers = #tpu.dot_dimension_numbers<[0], [0], [1], [1], [0, 1, 1, 1], [], []>, transpose_lhs_hint = false} : vector<64x64xf32>, vector<64x10000xf32>, vector<64x10000xf32> -> vector<64x10000xf32>
    %get3A_35 = arith.constant 0 : index
    %get3A_36 = arith.constant 0 : index
    %get3A_37 = vector.load %arg5[%get3A_35, %get3A_36] : memref<64x1xf32, #tpu.memory_space<vmem>>, vector<64x1xf32>
    %add3A_38 = vector.broadcast %get3A_37 : vector<64x1xf32> to vector<64x10000xf32>
    %add3A_39 = arith.addf %dot_general3A_34, %add3A_38 : vector<64x10000xf32>
    %swap3A_40 = arith.constant 0 : index
    %swap3A_41 = arith.constant 0 : index
    %swap3A_42 = vector.load %arg6[%swap3A_40, %swap3A_41] : memref<64x10000xf32, #tpu.memory_space<vmem>>, vector<64x10000xf32>
    tpu.vector_store %arg6[%swap3A_40, %swap3A_41], %add3A_39 {strides = array<i32>} : memref<64x10000xf32, #tpu.memory_space<vmem>>, vector<64x10000xf32>,
    return
  }
}

</mosaic_0001>

<sc_bundles>
// kernel: kernel.10.cloned.1.call-start
scs
__scs_entry_jumppad:
0x0: {  	(pc) =	sbr.rel $0x88, $3  }
0x1: {  	(tag) =	ssettag $0x0;
	lr =	simm.s32 $0x1  }
0x2: {  	[smem:$0x3F9B] =	sst lr;
	_ =	strace $0xD0000000  }
0x3: {  	_ = 	snop  }
0x4: {  	_ = 	snop  }
0x5: {  	_ = 	snop  }
0x6: {  	_ = 	snop  }
0x7: {  	_ = 	snop  }
__scs_overlays_trampoline_lowered:
0x8: {  	[smem:$0x3FAA] =	sst s0  }
0x9: {  	[smem:$0x3FAB] =	sst s1  }
0xa: {  	[smem:$0x3FAC] =	sst s2  }
0xb: {  	[smem:$0x3FAD] =	sst s3  }
0xc: {  	[smem:$0x3FAE] =	sst s4  }
0xd: {  	[smem:$0x3FAF] =	sst s5  }
0xe: {  	[smem:$0x3FB0] =	sst s6  }
0xf: {  	[smem:$0x3FB1] =	sst s7  }
0x10: {  	[smem:$0x3FB2] =	sst s8  }
0x11: {  	[smem:$0x3FB3] =	sst s9;
	s0 =	simm.s32 @!p0 $0x0  }
0x12: {  	s1 =	sld [smem:$0x3F99];
	s0 =	simm.s32 @p0 $0x1  }
0x13: {  	[smem:$0x3FB4] =	sst s0;
	s0 =	simm.s32 @!p1 $0x0  }
0x14: {  	s2 =	sld [smem:$0x3F98];
	s0 =	simm.s32 @p1 $0x1  }
0x15: {  	[smem:$0x3FB5] =	sst s0;
	s0 =	simm.s32 @!p2 $0x0  }
0x16: {  	s3 =	sld [smem:$0x3FDB];
	s0 =	simm.s32 @p2 $0x1  }
0x17: {  	s4 =	simm.s32 $0x1BF5;
	[smem:$0x3FB7] =	sst s0  }
0x18: {  	s0 =	sld [smem:$0x3F9A];
	_ =	swait.ge [sflag:s4], $0x0  }
0x19: {  	s7 =	sld [smem:$0x3F9B]  }
0x1a: {  	s8 =	sadd.s32 $0xFFFFE003, lr  }
0x1b: {  	s9 =	sadd.s32 $0xFFFFFEF7, lr;
	s5 =	simm.s32 $0xFFFFFFFF;
	p2 =	slt.u32 s8, $0xFFFFF086  }
0x1c: {  	p1 =	slt.u32 s9, $0xF7A;
	s5 =	simm.s32 @!p2 $0x0  }
0x1d: {  	s5 =	simm.s32 @p1 $0x1;
	p0 =	seq.s32 s7, s2  }
0x1e: {  	s7 =	smul.u32 @!p0 $0xF7A, s2;
	p2 =	seq.s32 @!p0 s5, $0x0  }
0x1f: {  	s9 =	smul.u32 $0xF7A, s1;
	s8 =	simm.s32 @!p0 $0x1BF5;
	p2 =	por !p2, p0  }
0x20: {  	[sflag:s8] =	ssyncset.s32 @!p0 $0xFFFFF086;
	s6 =	sadd.s32 @!p0 s3, s7;
	s7 =	simm.s32 @!p0 $0x108  }
0x21: {  	s3 =	sadd.s32 s3, s9;
	s6 =	sadd.s32 @!p0 $0x88, s6;
	s7 =	simm.s32 @p2 $0x1082  }
0x22: {  	[simem:s7], [sflag:s8] =	dma.local @!p0 [hbm:s6], $0xF7A  }
0x23: {  	s9 =	sor.u32 $0xD0000000, s2;
	s6 =	simm.s32 $0x108;
	_ =	swait.ge @!p0 [sflag:s8], $0x0  }
0x24: {  	s3 =	sadd.s32 $0x88, s3;
	s6 =	simm.s32 @!p1 $0x1082;
	[sflag:s4] =	ssyncset.s32 $0xFFFFF086  }
0x25: {  	[simem:s6], [sflag:s4] =	dma.local [hbm:s3], $0xF7A  }
0x26: {  	[smem:$0x3F9B] =	sst s1;
	(tag) =	ssettag s2;
	_ =	strace s9  }
0x27: {  	s1 =	sld [smem:$0x3FAB]  }
0x28: {  	s2 =	sld [smem:$0x3FAC]  }
0x29: {  	s4 =	sld [smem:$0x3FAE]  }
0x2a: {  	p0 =	seq.s32 s5, $0x0;
	s5 =	sld [smem:$0x3FAF]  }
0x2b: {  	s6 =	sld [smem:$0x3FB0]  }
0x2c: {  	s7 =	sld [smem:$0x3FB1]  }
0x2d: {  	s3 =	simm.s32 $0x108;
	s8 =	sld [smem:$0x3FB2]  }
0x2e: {  	s3 =	simm.s32 @!p0 $0x1082;
	s9 =	sld [smem:$0x3FB3]  }
0x2f: {  	lr =	sadd.s32 s0, s3;
	s0 =	sld [smem:$0x3FAA]  }
0x30: {  	s3 =	sld [smem:$0x3FAD]  }
0x31: {  	[smem:$0x3FB6] =	sst s10  }
0x32: {  	s10 =	sld [smem:$0x3FB4];
	_ =	sdelay $0x3  }
0x33: {  	p0 =	seq.s32 s10, $0x1;
	s10 =	sld [smem:$0x3FB6];
	_ =	sdelay $0x3  }
0x34: {  	[smem:$0x3FB6] =	sst s10  }
0x35: {  	s10 =	sld [smem:$0x3FB5];
	_ =	sdelay $0x3  }
0x36: {  	p1 =	seq.s32 s10, $0x1;
	s10 =	sld [smem:$0x3FB6];
	_ =	sdelay $0x3  }
0x37: {  	[smem:$0x3FB6] =	sst s10  }
0x38: {  	s10 =	sld [smem:$0x3FB7]  }
0x39: {  	_ = 	snop;
	(pc) =	sbr.ind lr, $3  }
0x3a: {  	_ = 	snop  }
0x3b: {  	_ = 	snop  }
0x3c: {  	p2 =	seq.s32 s10, $0x1;
	s10 =	sld [smem:$0x3FB6]  }
0x3d: {  	_ =	shalt  }
0x3e: {  	_ =	shalt  }
0x3f: {  	_ =	shalt  }
0x40: {  	_ =	shalt  }
0x41: {  	_ =	shalt  }
0x42: {  	_ =	shalt  }
0x43: {  	_ =	shalt  }
0x44: {  	_ =	shalt  }
0x45: {  	_ =	shalt  }
0x46: {  	_ =	shalt  }
0x47: {  	_ =	shalt  }
0x48: {  	_ =	shalt  }
0x49: {  	_ =	shalt  }
0x4a: {  	_ =	shalt  }
0x4b: {  	_ =	shalt  }
0x4c: {  	_ =	shalt  }
0x4d: {  	_ =	shalt  }
0x4e: {  	_ =	shalt  }
0x4f: {  	_ =	shalt  }
0x50: {  	_ =	shalt  }
0x51: {  	_ =	shalt  }
0x52: {  	_ =	shalt  }
0x53: {  	_ =	shalt  }
0x54: {  	_ =	shalt  }
0x55: {  	_ =	shalt  }
0x56: {  	_ =	shalt  }
0x57: {  	_ =	shalt  }
0x58: {  	_ =	shalt  }
0x59: {  	_ =	shalt  }
0x5a: {  	_ =	shalt  }
0x5b: {  	_ =	shalt  }
0x5c: {  	_ =	shalt  }
0x5d: {  	_ =	shalt  }
0x5e: {  	_ =	shalt  }
0x5f: {  	_ =	shalt  }
0x60: {  	_ =	shalt  }
0x61: {  	_ =	shalt  }
0x62: {  	_ =	shalt  }
0x63: {  	_ =	shalt  }
0x64: {  	_ =	shalt  }
0x65: {  	_ =	shalt  }
0x66: {  	_ =	shalt  }
0x67: {  	_ =	shalt  }
0x68: {  	_ =	shalt  }
0x69: {  	_ =	shalt  }
0x6a: {  	_ =	shalt  }
0x6b: {  	_ =	shalt  }
0x6c: {  	_ =	shalt  }
0x6d: {  	_ =	shalt  }
0x6e: {  	_ =	shalt  }
0x6f: {  	_ =	shalt  }
0x70: {  	_ =	shalt  }
0x71: {  	_ =	shalt  }
0x72: {  	_ =	shalt  }
0x73: {  	_ =	shalt  }
0x74: {  	_ =	shalt  }
0x75: {  	_ =	shalt  }
0x76: {  	_ =	shalt  }
0x77: {  	_ =	shalt  }
0x78: {  	_ =	shalt  }
0x79: {  	_ =	shalt  }
0x7a: {  	_ =	shalt  }
0x7b: {  	_ =	shalt  }
0x7c: {  	_ =	shalt  }
0x7d: {  	_ =	shalt  }
0x7e: {  	_ =	shalt  }
0x7f: {  	_ =	shalt  }
0x80: {  	_ =	shalt  }
0x81: {  	_ =	shalt  }
0x82: {  	_ =	shalt  }
0x83: {  	_ =	shalt  }
0x84: {  	_ =	shalt  }
0x85: {  	_ =	shalt  }
0x86: {  	_ =	shalt  }
0x87: {  	_ =	shalt  }
.Lfunc_end0:
.L_simem_size_0:
called_computation.1_lowered:
.L_overlay_start_0:
0x88: {  	s2 =	sld [smem:$0x3FD9]  }
0x89: {  	s3 =	sld [smem:$0x3FFE];
	_ =	sdelay $0x1  }
0x8a: {  	s1 =	srdreg.scid  }
0x8b: {  	s0 =	sand.u32 $0x1, s1  }
0x8c: {  	s14 =	sshll.u32 s0, $0xA;
	s2 =	sadd.s32 s3, s2  }
0x8d: {  	s2 =	sadd.s32 s2, s14  }
0x8e: {  	[smem:$0x3FC2] =	sst s2  }
0x8f: {  	_ = 	snop  }
0x90: {  	s2 =	sld [smem:$0x3FD0];
	_ =	sdelay $0x2  }
0x91: {  	s4 =	simm.s32 $0xA;
	s5 =	simm.s32 $0x10;
	s15 =	sld [smem:$0x3FC8]  }
0x92: {  	[smem:s5], [sflag:s4] =	dma.local [hbm:s2], $0x1  }
0x93: {  	_ =	swait.eq [sflag:s4], $0x1  }
0x94: {  	[sflag:s4] =	ssyncset.done $0x0  }
0x95: {  	s16 =	sld [smem:$0x10];
	[sflag:s4] =	ssyncadd.s32 $0xFFFFFFFF  }
0x96: {  	s17 =	sld [smem:$0x11];
	(tm) =	ssettm $0x1  }
0x97: {  	s18 =	sld [smem:$0x3FFB];
	_ =	sdelay $0x3  }
0x98: {  	_ =	strace s18  }
0x99: {  	s5 =	sld [smem:$0x3FFC];
	_ =	sdelay $0x3  }
0x9a: {  	_ =	strace s5  }
0x9b: {  	s5 =	sld [smem:$0x3FFD];
	_ =	sdelay $0x3  }
0x9c: {  	_ =	strace s5  }
0x9d: {  	_ =	strace $0x8FFFFFFF  }
0x9e: {  	s19 =	sld [smem:$0x3FDB];
	_ =	sdelay $0x1  }
0x9f: {  	s6 =	simm.s32 $_scs_section_size  }
0xa0: {  	s7 =	simm.s32 $_size__tile_overlayer_lowered;
	s8 =	simm.s32 $_tile_overlayer_lowered  }
0xa1: {  	s22 =	simm.s32 $0x1BFF;
	s21 =	sshll.u32 s8, $0x1;
	s5 =	sadd.s32 s6, s19  }
0xa2: {  	s9 =	simm.s32 $0x0;
	s20 =	sshll.u32 s7, $0x1;
	s7 =	sadd.s32 s21, s5  }
0xa3: {  	[timem:s9], [sflag:s22] =	dma.local [hbm:s7], s20  }
0xa4: {  	_ =	swait.ge [sflag:s22], s20  }
0xa5: {  	s6 =	ssub.s32 $0x0, s20;
	[sflag:s22] =	ssyncset.done $0x0  }
0xa6: {  	[sflag:s22] =	ssyncadd.s32 s6;
	_ =	sdelay $0x1  }
0xa7: {  	s23 =	simm.s32 $0x1B8B  }
0xa8: {  	_ =	swait.ge [sflag:s23], $0x1  }
0xa9: {  	[sflag:s23] =	ssyncset.done $0x0  }
0xaa: {  	s25 =	simm.s32 $0x1B8E;
	s24 =	sld [smem:$0x3FFE];
	[sflag:s23] =	ssyncadd.s32 $0xFFFFFFFF  }
0xab: {  	s26 =	simm.s32 $execute0_lowered;
	[smem:$0x3FD2] =	sst s25  }
0xac: {  	s7 =	sshll.u32 s26, $0x1;
	_ =	strace $0x80000049;
	[dreg:$0x1] =	wrdreg $0xFFFFFFFF  }
0xad: {  	s28 =	simm.s32 $_size_execute0_lowered;
	s5 =	sadd.s32 s5, s7;
	[dreg:$0x0] =	wrdreg $0x0  }
0xae: {  	s7 =	sshll.u32 s28, $0x1;
	[dreg:$0x2] =	wrdreg s5  }
0xaf: {  	[dreg:$0x3] =	wrdreg s7  }
0xb0: {  	[dreg:$0x4] =	wrdreg $0xC0  }
0xb1: {  	_ =	task [dreg:s9], $0x5FFFF  }
0xb2: {  	[dreg:$0x1] =	wrdreg $0xFFFFFFFF  }
0xb3: {  	[dreg:$0x0] =	wrdreg $0x60  }
0xb4: {  	[dreg:$0x2] =	wrdreg s17  }
0xb5: {  	[dreg:$0x3] =	wrdreg s15  }
0xb6: {  	[dreg:$0x4] =	wrdreg s16  }
0xb7: {  	[dreg:$0x5] =	wrdreg s24  }
0xb8: {  	[dreg:$0x6] =	wrdreg $0x150000  }
0xb9: {  	[dreg:$0x7] =	wrdreg $0x9  }
0xba: {  	_ =	task.clear_ibuf [dreg:s9], $0x8FFFF;
	_ =	strace $0x90000049  }
0xbb: {  	s29 =	simm.s32 $0x9;
	_ =	strace $0x8000004B  }
0xbc: {  	_ =	swait.ge [sflag:s29], $0x1  }
0xbd: {  	[sflag:s29] =	ssyncadd.s32 $0xFFFFFFFF  }
0xbe: {  	_ =	strace $0x9000004B  }
0xbf: {  	_ =	sfence  }
0xc0: {  	s30 =	sld [smem:$0x0];
	_ =	sdelay $0x2  }
0xc1: {  	s31 =	sshll.u32 s1, $0xD;
	s1 =	sshrl.u32 s1, $0x2  }
0xc2: {  	s3 =	sand.u32 $0x4000, s31;
	s1 =	sadd.s32 s1, s30  }
0xc3: {  	s0 =	sor.u32 s3, s0;
	s1 =	sshll.u32 s1, $0x11  }
0xc4: {  	s0 =	sor.u32 s1, s0  }
0xc5: {  	s0 =	sadd.s32 $0x8F2B, s0  }
0xc6: {  	[sflag:s0] =	ssyncadd.remote.s32 $0x1  }
0xc7: {  	_ =	sfence.sel $0xFFFF  }
0xc8: {  	[dreg:$0x0] =	wrdreg $0xFFFFFFFF;
	(pc) =	sbr.abs _section_cstart, $3  }
0xc9: {  	[dreg:$0x1] =	wrdreg $0xFFFFFFFF  }
0xca: {  	_ =	task.clear_ibuf [dreg:s9], $0x2FFFF;
	_ =	strace $0x9FFFFFFF  }
0xcb: {  	(tm) =	ssettm $0x7FFFFFFF  }
tec
execute0_lowered:
.L_overlay_start_1:
0x0: {  	(tag) =	ssettag $0x1  }
0x1: {  	s0 =	rddreg [dreg:$0x0]  }
0x2: {  	s1 =	rddreg [dreg:$0x1]  }
0x3: {  	s2 =	rddreg [dreg:$0x3];
	s3 =	srdreg.scid  }
0x4: {  	s4 =	rddreg [dreg:$0x4];
	s9 =	stileid.u32  }
0x5: {  	s7 =	simm.s32 $0x0;
	s11 =	simm.s32 $0x11;
	s12 =	simm.s32 $0x80  }
0x6: {  	s13 =	simm.s32 $0x5000;
	s17 =	simm.s32 $0x9000;
	s19 =	simm.s32 $0xB000  }
0x7: {  	s28 =	simm.s32 $0x7;
	s29 =	simm.s32 $0x11000;
	s30 =	simm.s32 $0x8  }
0x8: {  	s16 =	simm.s32 $0xF;
	s18 =	simm.s32 $0x10;
	s3 =	sand.u32 $0x1, s3  }
0x9: {  	[smem:$0x7FF] =	sst s7;
	s23 =	smul.u32 $0x9E00, s9;
	s24 =	sshll.u32 s9, $0x6  }
0xa: {  	s5 =	sshll.u32 s3, $0x4;
	s6 =	smul.u32 $0x13C00, s3;
	_ =	strace $0x8000004A  }
0xb: {  	s3 =	ssub.s32 $0x2, s3;
	s7 =	sor.u32 $0x1C11, s24;
	s5 =	sor.u32 s9, s5  }
0xc: {  	s22 =	sshrl.u32 s3, $0x1;
	s25 =	sadd.s32 s23, s4;
	s26 =	sshrl.u32 s23, $0x3  }
0xd: {  	s23 =	simm.s32 $0x13000;
	s20 =	smul.u32 $0x4E, s5;
	s8 =	smin.u32 s5, $0x4  }
0xe: {  	s2 =	sadd.s32 s6, s2;
	s3 =	ssub.s32 s3, s22;
	p0 =	slt.u32 s5, $0x4  }
0xf: {  	s10 =	sshrl.u32 s25, $0x3;
	s22 =	simm.s32 $0x3;
	s25 =	simm.s32 $0x5  }
0x10: {  	s5 =	simm.s32 $0x0;
	s2 =	sadd.s32 $0x1A00, s2;
	s3 =	smax.u32 s3, $0x1  }
.Ltmp0:
0x11: {  	s21 =	sadd.s32 s8, s20;
	[dreg:$0x8] =	wrdreg s3;
	(pc) =	sbr.rel .LBB2_1-.Ltmp0, $4  }
0x12: {  	s20 =	simm.s32 $0x1;
	s31 =	sadd.s32 s26, s2;
	s6 =	sshll.u32 s21, $0x5  }
0x13: {  	s26 =	simm.s32 $0xD000;
	[dreg:$0x9] =	wrdreg s31;
	s6 =	sadd.s32 s1, s6  }
0x14: {  	s3 =	simm.s32 $0xB;
	[dreg:$0x6] =	wrdreg s6;
	s6 =	sadd.s32 $0x9C0, s6  }
0x15: {  	s2 =	simm.s32 $0xC;
	s21 =	simm.s32 $0xF000;
	[dreg:$0x7] =	wrdreg s6  }
.LBB2_4:
0x16: {  	_ =	swait.ge [sflag:s30], $0x2000  }
0x17: {  	[sflag:s30] =	ssyncset.done $0x0  }
0x18: {  	s1 =	simm.s32 $0x9;
	[sflag:s30] =	ssyncadd.s32 $0xFFFFE000  }
0x19: {  	[spmem:s4] =	stream.indirect.scatter.add.f32 [tilespmem:s23], [sflag:$0x10], $0x40, s6, s12, $0xb8;
	[tilespmem:$0x1EE00] =	vst v63  }
0x1a: {  	_ =	swait.ge [sflag:s1], $0x2000  }
0x1b: {  	[sflag:s1] =	ssyncset.done $0x0  }
0x1c: {  	s9 =	simm.s32 $0xA;
	[sflag:s1] =	ssyncadd.s32 $0xFFFFE000  }
0x1d: {  	_ =	swait.ge [sflag:s9], $0x2000  }
0x1e: {  	[sflag:s9] =	ssyncset.done $0x0  }
0x1f: {  	[sflag:s9] =	ssyncadd.s32 $0xFFFFE000  }
0x20: {  	_ =	swait.ge [sflag:s3], $0x2000  }
0x21: {  	[sflag:s3] =	ssyncset.done $0x0  }
0x22: {  	[sflag:s3] =	ssyncadd.s32 $0xFFFFE000  }
0x23: {  	_ =	swait.ge [sflag:s2], $0x2000  }
0x24: {  	[sflag:s2] =	ssyncset.done $0x0  }
0x25: {  	s14 =	simm.s32 $0xD;
	[sflag:s2] =	ssyncadd.s32 $0xFFFFE000  }
0x26: {  	_ =	swait.ge [sflag:s14], $0x2000  }
0x27: {  	[sflag:s14] =	ssyncset.done $0x0  }
0x28: {  	s15 =	simm.s32 $0xE;
	[sflag:s14] =	ssyncadd.s32 $0xFFFFE000  }
0x29: {  	_ =	swait.ge [sflag:s15], $0x2000  }
0x2a: {  	[sflag:s15] =	ssyncset.done $0x0  }
0x2b: {  	[sflag:s15] =	ssyncadd.s32 $0xFFFFE000  }
0x2c: {  	_ =	swait.ge [sflag:s16], $0x2000  }
0x2d: {  	[sflag:s16] =	ssyncset.done $0x0  }
0x2e: {  	[sflag:s16] =	ssyncadd.s32 $0xFFFFE000  }
0x2f: {  	_ =	swait.ge [sflag:s18], $0x2000  }
0x30: {  	[sflag:s18] =	ssyncset.done $0x0  }
0x31: {  	[sflag:s18] =	ssyncadd.s32 $0xFFFFE000  }
0x32: {  	[bflag:$0x0] =	sbarrier.arrive $0xFFFF  }
0x33: {  	s24 =	rddreg [dreg:$0x9]  }
0x34: {  	[hbm:s24], [sflag:s7] =	dma.local [spmem:s10], $0x13C0  }
0x35: {  	_ =	swait.ge [sflag:s11], $0x13C0  }
0x36: {  	s5 =	sadd.s32 $0x1, s5;
	s31 =	rddreg [dreg:$0x8]  }
0x37: {  	p1 =	sne.s32 s5, s31  }
.Ltmp1:
0x38: {  	_ = 	snop;
	(pc) =	sbr.rel @!p1 .LBB2_5-.Ltmp1, $3  }
0x39: {  	_ =	sdelay $0x1  }
0x3a: {  	[sflag:s11] =	ssyncset.done $0x0  }
0x3b: {  	[sflag:s11] =	ssyncadd.s32 $0xFFFFEC40  }
.LBB2_1:
0x3c: {  	s1 =	rddreg [dreg:$0x2]  }
0x3d: {  	[spmem:s10], [sflag:s7] =	dma.local [hbm:s1], $0x13C0  }
0x3e: {  	_ =	swait.ge [sflag:s11], $0x13C0  }
0x3f: {  	[sflag:s11] =	ssyncset.done $0x0  }
0x40: {  	s31 =	simm.s32 $0x0;
	s6 =	rddreg [dreg:$0x6];
	[sflag:s11] =	ssyncadd.s32 $0xFFFFEC40  }
0x41: {  	[tilespmem:s31], [sflag:$0x11] =	stream.linear.gather [hbm4b:s6+s31], $0x4E00, $0x38;
	[tilespmem:$0x1EE00] =	vst v63  }
0x42: {  	_ =	swait.ge [sflag:s11], $0x4E00  }
0x43: {  	s8 =	simm.s32 @p0 $0x4E00;
	[sflag:s11] =	ssyncset.done $0x0  }
0x44: {  	s6 =	simm.s32 @p0 $0x0;
	s9 =	rddreg [dreg:$0x7];
	[sflag:s11] =	ssyncadd.s32 $0xFFFFB200  }
0x45: {  	[tilespmem:s8], [sflag:$0x11] =	stream.linear.gather @p0 [hbm4b:s9+s6], $0x100, $0x38;
	[tilespmem:$0x1EE00] =	vst v63  }
0x46: {  	s6 =	simm.s32 @p0 $0x11  }
0x47: {  	_ =	swait.ge @p0 [sflag:s6], $0x100  }
0x48: {  	[sflag:s6] =	ssyncset.done @p0 $0x0  }
0x49: {  	v0 =	vlaneseq.u32 @p0;
	[sflag:s6] =	ssyncadd.s32 @p0 $0xFFFFFF00  }
0x4a: {  	v1 =	vor.u32 @p0 $0x2710, v0;
	[tilespmem:$0x4F00] =	vst @p0 v0  }
0x4b: {  	v2 =	vor.u32 @p0 $0x10, v0;
	[tilespmem:$0x4F80] =	vst @p0 v1  }
0x4c: {  	[tilespmem:$0x4F10] =	vst @p0 v2  }
0x4d: {  	v2 =	vor.u32 @p0 $0x2720, v0;
	[tilespmem:$0x4FF0] =	vst @p0 v1  }
0x4e: {  	[tilespmem:$0x4F90] =	vst @p0 v2;
	v2 =	vor.u32 @p0 $0x20, v0  }
0x4f: {  	[tilespmem:$0x4F20] =	vst @p0 v2;
	v2 =	vor.u32 @p0 $0x2730, v0  }
0x50: {  	[tilespmem:$0x4FA0] =	vst @p0 v2;
	v2 =	vor.u32 @p0 $0x30, v0  }
0x51: {  	[tilespmem:$0x4F30] =	vst @p0 v2;
	v2 =	vor.u32 @p0 $0x2740, v0  }
0x52: {  	[tilespmem:$0x4FB0] =	vst @p0 v2;
	v2 =	vor.u32 @p0 $0x40, v0  }
0x53: {  	[tilespmem:$0x4F40] =	vst @p0 v2;
	v2 =	vor.u32 @p0 $0x2750, v0  }
0x54: {  	[tilespmem:$0x4FC0] =	vst @p0 v2;
	v2 =	vor.u32 @p0 $0x50, v0  }
0x55: {  	[tilespmem:$0x4F50] =	vst @p0 v2;
	v2 =	vor.u32 @p0 $0x2760, v0  }
0x56: {  	[tilespmem:$0x4FD0] =	vst @p0 v2;
	v2 =	vor.u32 @p0 $0x60, v0  }
0x57: {  	[tilespmem:$0x4F60] =	vst @p0 v2;
	v2 =	vor.u32 @p0 $0x2770, v0  }
0x58: {  	v0 =	vor.u32 @p0 $0x70, v0;
	[tilespmem:$0x4FE0] =	vst @p0 v2  }
0x59: {  	[tilespmem:$0x4F70] =	vst @p0 v0;
	v0 =	vlaneseq.u32 @!p0  }
0x5a: {  	[tilespmem:$0x4F00] =	vst @!p0 v0  }
0x5b: {  	v1 =	vor.u32 @!p0 $0x2710, v0;
	[tilespmem:$0x4E00] =	vst @!p0 v0  }
0x5c: {  	[tilespmem:$0x4F80] =	vst @!p0 v1  }
0x5d: {  	v2 =	vor.u32 @!p0 $0x10, v0;
	[tilespmem:$0x4E80] =	vst @!p0 v1  }
0x5e: {  	v3 =	vor.u32 @!p0 $0x2720, v0;
	[tilespmem:$0x4F10] =	vst @!p0 v2  }
0x5f: {  	[tilespmem:$0x4F90] =	vst @!p0 v3  }
0x60: {  	[tilespmem:$0x4E10] =	vst @!p0 v2  }
0x61: {  	[tilespmem:$0x4E90] =	vst @!p0 v3  }
0x62: {  	[tilespmem:$0x4FF0] =	vst @!p0 v1  }
0x63: {  	v2 =	vor.u32 @!p0 $0x20, v0;
	[tilespmem:$0x4EF0] =	vst @!p0 v1  }
0x64: {  	v3 =	vor.u32 @!p0 $0x2730, v0;
	[tilespmem:$0x4F20] =	vst @!p0 v2  }
0x65: {  	[tilespmem:$0x4FA0] =	vst @!p0 v3  }
0x66: {  	[tilespmem:$0x4E20] =	vst @!p0 v2  }
0x67: {  	[tilespmem:$0x4EA0] =	vst @!p0 v3;
	v2 =	vor.u32 @!p0 $0x30, v0  }
0x68: {  	v3 =	vor.u32 @!p0 $0x2740, v0;
	[tilespmem:$0x4F30] =	vst @!p0 v2  }
0x69: {  	[tilespmem:$0x4FB0] =	vst @!p0 v3  }
0x6a: {  	[tilespmem:$0x4E30] =	vst @!p0 v2  }
0x6b: {  	[tilespmem:$0x4EB0] =	vst @!p0 v3;
	v2 =	vor.u32 @!p0 $0x40, v0  }
0x6c: {  	v3 =	vor.u32 @!p0 $0x2750, v0;
	[tilespmem:$0x4F40] =	vst @!p0 v2  }
0x6d: {  	[tilespmem:$0x4FC0] =	vst @!p0 v3  }
0x6e: {  	[tilespmem:$0x4E40] =	vst @!p0 v2  }
0x6f: {  	[tilespmem:$0x4EC0] =	vst @!p0 v3;
	v2 =	vor.u32 @!p0 $0x50, v0  }
0x70: {  	v3 =	vor.u32 @!p0 $0x2760, v0;
	[tilespmem:$0x4F50] =	vst @!p0 v2  }
0x71: {  	[tilespmem:$0x4FD0] =	vst @!p0 v3  }
0x72: {  	[tilespmem:$0x4E50] =	vst @!p0 v2  }
0x73: {  	[tilespmem:$0x4ED0] =	vst @!p0 v3;
	v2 =	vor.u32 @!p0 $0x60, v0  }
0x74: {  	v3 =	vor.u32 @!p0 $0x2770, v0;
	[tilespmem:$0x4F60] =	vst @!p0 v2  }
0x75: {  	[tilespmem:$0x4FE0] =	vst @!p0 v3  }
0x76: {  	[tilespmem:$0x4E60] =	vst @!p0 v2  }
0x77: {  	v0 =	vor.u32 @!p0 $0x70, v0;
	[tilespmem:$0x4EE0] =	vst @!p0 v3  }
0x78: {  	[tilespmem:$0x4F70] =	vst @!p0 v0  }
0x79: {  	[tilespmem:$0x4E70] =	vst @!p0 v0  }
0x7a: {  	[bflag:$0x0] =	sbarrier.arrive $0xFFFF  }
0x7b: {  	[tilespmem:s13], [sflag:$0x1] =	stream.indirect.gather [hbm4b:s0+s12], $0x40, s31, s12, $0xb8;
	[tilespmem:$0x1EE00] =	vst v63  }
0x7c: {  	s14 =	simm.s32 $0x100;
	s15 =	simm.s32 $0x7000  }
0x7d: {  	[tilespmem:s15], [sflag:$0x2] =	stream.indirect.gather [hbm4b:s0+s12], $0x40, s14, s12, $0xb8;
	[tilespmem:$0x1EE00] =	vst v63  }
0x7e: {  	s24 =	simm.s32 $0x200  }
0x7f: {  	[tilespmem:s17], [sflag:$0x3] =	stream.indirect.gather [hbm4b:s0+s12], $0x40, s24, s12, $0xb8;
	[tilespmem:$0x1EE00] =	vst v63  }
0x80: {  	s8 =	simm.s32 $0x0;
	s31 =	simm.s32 $0x300  }
0x81: {  	[tilespmem:s19], [sflag:$0x4] =	stream.indirect.gather [hbm4b:s0+s12], $0x40, s31, s12, $0xb8;
	[tilespmem:$0x1EE00] =	vst v63  }
.LBB2_2:
0x82: {  	_ =	swait.ge [sflag:s20], $0x2000  }
0x83: {  	s9 =	sshra.s32 s8, $0x2;
	[sflag:s20] =	ssyncset.done $0x0  }
0x84: {  	p1 =	seq.s32 s8, $0x0;
	s6 =	sadd.s32 $0x80, s9;
	[sflag:s20] =	ssyncadd.s32 $0xFFFFE000  }
0x85: {  	[spmem:s4] =	stream.indirect.scatter.add.f32 [tilespmem:s13], [sflag:$0x9], $0x40, s6, s12, $0xb8;
	[tilespmem:$0x1EE00] =	vst v63  }
0x86: {  	s6 =	sshra.s32 @p1 s8, $0x2  }
0x87: {  	s31 =	simm.s32 @p1 $0x80;
	s1 =	simm.s32 @p1 $0xD000;
	s24 =	sadd.s32 @p1 $0x400, s6  }
0x88: {  	[tilespmem:s1], [sflag:$0x5] =	stream.indirect.gather @p1 [hbm4b:s0+s31], $0x40, s24, s31, $0xb8;
	[tilespmem:$0x1EE00] =	vst v63  }
0x89: {  	s1 =	simm.s32 @p1 $0x2  }
0x8a: {  	_ =	swait.ge @p1 [sflag:s1], $0x2000  }
0x8b: {  	[sflag:s1] =	ssyncset.done @p1 $0x0  }
0x8c: {  	s24 =	simm.s32 @p1 $0x7000;
	[sflag:s1] =	ssyncadd.s32 @p1 $0xFFFFE000;
	s1 =	sadd.s32 @p1 $0x180, s6  }
0x8d: {  	[spmem:s4] =	stream.indirect.scatter.add.f32 @p1 [tilespmem:s24], [sflag:$0xA], $0x40, s1, s31, $0xb8;
	[tilespmem:$0x1EE00] =	vst v63  }
0x8e: {  	s1 =	simm.s32 @!p1 $0xD  }
0x8f: {  	_ =	swait.ge @!p1 [sflag:s1], $0x2000  }
0x90: {  	[sflag:s1] =	ssyncset.done @!p1 $0x0  }
0x91: {  	[sflag:s1] =	ssyncadd.s32 @!p1 $0xFFFFE000;
	s1 =	sshra.s32 @!p1 s8, $0x2  }
0x92: {  	s14 =	simm.s32 @!p1 $0x80;
	s15 =	simm.s32 @!p1 $0xD000;
	s24 =	sadd.s32 @!p1 $0x400, s1  }
0x93: {  	[tilespmem:s15], [sflag:$0x5] =	stream.indirect.gather @!p1 [hbm4b:s0+s14], $0x40, s24, s14, $0xb8;
	[tilespmem:$0x1EE00] =	vst v63  }
0x94: {  	s15 =	simm.s32 @!p1 $0x2  }
0x95: {  	_ =	swait.ge @!p1 [sflag:s15], $0x2000  }
0x96: {  	[sflag:s15] =	ssyncset.done @!p1 $0x0  }
0x97: {  	s24 =	simm.s32 @!p1 $0x7000;
	[sflag:s15] =	ssyncadd.s32 @!p1 $0xFFFFE000;
	s15 =	sadd.s32 @!p1 $0x180, s1  }
0x98: {  	[spmem:s4] =	stream.indirect.scatter.add.f32 @!p1 [tilespmem:s24], [sflag:$0xA], $0x40, s15, s14, $0xb8;
	[tilespmem:$0x1EE00] =	vst v63  }
0x99: {  	s15 =	simm.s32 @!p1 $0xE  }
0x9a: {  	_ =	swait.ge @!p1 [sflag:s15], $0x2000  }
0x9b: {  	[sflag:s15] =	ssyncset.done @!p1 $0x0  }
0x9c: {  	s24 =	sadd.s32 $0x500, s9;
	[sflag:s15] =	ssyncadd.s32 @!p1 $0xFFFFE000  }
0x9d: {  	[tilespmem:s21], [sflag:$0x6] =	stream.indirect.gather [hbm4b:s0+s12], $0x40, s24, s12, $0xb8;
	[tilespmem:$0x1EE00] =	vst v63  }
0x9e: {  	_ =	swait.ge [sflag:s22], $0x2000  }
0x9f: {  	[sflag:s22] =	ssyncset.done $0x0  }
0xa0: {  	s24 =	sadd.s32 $0x280, s9;
	[sflag:s22] =	ssyncadd.s32 $0xFFFFE000  }
0xa1: {  	[spmem:s4] =	stream.indirect.scatter.add.f32 [tilespmem:s17], [sflag:$0xB], $0x40, s24, s12, $0xb8;
	[tilespmem:$0x1EE00] =	vst v63  }
0xa2: {  	s15 =	sadd.s32 @p1 $0x600, s6;
	s24 =	simm.s32 @p1 $0x11000  }
0xa3: {  	[tilespmem:s24], [sflag:$0x7] =	stream.indirect.gather @p1 [hbm4b:s0+s31], $0x40, s15, s31, $0xb8;
	[tilespmem:$0x1EE00] =	vst v63  }
0xa4: {  	s15 =	simm.s32 @p1 $0x4  }
0xa5: {  	_ =	swait.ge @p1 [sflag:s15], $0x2000  }
0xa6: {  	[sflag:s15] =	ssyncset.done @p1 $0x0  }
0xa7: {  	s6 =	sadd.s32 @p1 $0x380, s6;
	[sflag:s15] =	ssyncadd.s32 @p1 $0xFFFFE000;
	s15 =	simm.s32 @p1 $0xB000  }
0xa8: {  	[spmem:s4] =	stream.indirect.scatter.add.f32 @p1 [tilespmem:s15], [sflag:$0xC], $0x40, s6, s31, $0xb8;
	[tilespmem:$0x1EE00] =	vst v63  }
0xa9: {  	s6 =	simm.s32 @!p1 $0xF  }
0xaa: {  	_ =	swait.ge @!p1 [sflag:s6], $0x2000  }
0xab: {  	[sflag:s6] =	ssyncset.done @!p1 $0x0  }
0xac: {  	s15 =	simm.s32 @!p1 $0x11000;
	[sflag:s6] =	ssyncadd.s32 @!p1 $0xFFFFE000;
	s6 =	sadd.s32 @!p1 $0x600, s1  }
0xad: {  	[tilespmem:s15], [sflag:$0x7] =	stream.indirect.gather @!p1 [hbm4b:s0+s14], $0x40, s6, s14, $0xb8;
	[tilespmem:$0x1EE00] =	vst v63  }
0xae: {  	s6 =	simm.s32 @!p1 $0x4  }
0xaf: {  	_ =	swait.ge @!p1 [sflag:s6], $0x2000  }
0xb0: {  	[sflag:s6] =	ssyncset.done @!p1 $0x0  }
0xb1: {  	s1 =	sadd.s32 @!p1 $0x380, s1;
	[sflag:s6] =	ssyncadd.s32 @!p1 $0xFFFFE000;
	s6 =	simm.s32 @!p1 $0xB000  }
0xb2: {  	[spmem:s4] =	stream.indirect.scatter.add.f32 @!p1 [tilespmem:s6], [sflag:$0xC], $0x40, s1, s14, $0xb8;
	[tilespmem:$0x1EE00] =	vst v63  }
0xb3: {  	s1 =	simm.s32 @!p1 $0x10  }
0xb4: {  	_ =	swait.ge @!p1 [sflag:s1], $0x2000  }
0xb5: {  	[sflag:s1] =	ssyncset.done @!p1 $0x0  }
0xb6: {  	s15 =	sadd.s32 $0x700, s9;
	[sflag:s1] =	ssyncadd.s32 @!p1 $0xFFFFE000  }
0xb7: {  	[tilespmem:s23], [sflag:$0x8] =	stream.indirect.gather [hbm4b:s0+s12], $0x40, s15, s12, $0xb8;
	[tilespmem:$0x1EE00] =	vst v63  }
0xb8: {  	_ =	swait.ge [sflag:s25], $0x2000  }
0xb9: {  	p1 =	seq.s32 s8, $0x12000;
	[sflag:s25] =	ssyncset.done $0x0  }
0xba: {  	s24 =	sadd.s32 $0x480, s9;
	s1 =	simm.s32 @p1 $0x6;
	[sflag:s25] =	ssyncadd.s32 $0xFFFFE000  }
0xbb: {  	[spmem:s4] =	stream.indirect.scatter.add.f32 [tilespmem:s26], [sflag:$0xD], $0x40, s24, s12, $0xb8;
	[tilespmem:$0x1EE00] =	vst v63  }
0xbc: {  	_ =	swait.ge @p1 [sflag:s1], $0x2000  }
0xbd: {  	[sflag:s1] =	ssyncset.done @p1 $0x0  }
0xbe: {  	[sflag:s1] =	ssyncadd.s32 @p1 $0xFFFFE000;
	s1 =	sshra.s32 @p1 s8, $0x2  }
0xbf: {  	s6 =	simm.s32 @p1 $0x80;
	s14 =	simm.s32 @p1 $0xF000;
	s1 =	sadd.s32 @p1 $0x580, s1  }
0xc0: {  	[spmem:s4] =	stream.indirect.scatter.add.f32 @p1 [tilespmem:s14], [sflag:$0xE], $0x40, s1, s6, $0xb8;
	[tilespmem:$0x1EE00] =	vst v63  }
0xc1: {  	s1 =	simm.s32 @!p1 $0x9  }
0xc2: {  	_ =	swait.ge @!p1 [sflag:s1], $0x2000  }
0xc3: {  	[sflag:s1] =	ssyncset.done @!p1 $0x0  }
0xc4: {  	[sflag:s1] =	ssyncadd.s32 @!p1 $0xFFFFE000;
	s1 =	sshra.s32 @!p1 s8, $0x2  }
0xc5: {  	s15 =	simm.s32 @!p1 $0x5000;
	s14 =	simm.s32 @!p1 $0x80;
	s6 =	sadd.s32 @!p1 $0x800, s1  }
0xc6: {  	[tilespmem:s15], [sflag:$0x1] =	stream.indirect.gather @!p1 [hbm4b:s0+s14], $0x40, s6, s14, $0xb8;
	[tilespmem:$0x1EE00] =	vst v63  }
0xc7: {  	s6 =	simm.s32 @!p1 $0x6  }
0xc8: {  	_ =	swait.ge @!p1 [sflag:s6], $0x2000  }
0xc9: {  	[sflag:s6] =	ssyncset.done @!p1 $0x0  }
0xca: {  	s15 =	simm.s32 @!p1 $0xF000;
	[sflag:s6] =	ssyncadd.s32 @!p1 $0xFFFFE000;
	s6 =	sadd.s32 @!p1 $0x580, s1  }
0xcb: {  	[spmem:s4] =	stream.indirect.scatter.add.f32 @!p1 [tilespmem:s15], [sflag:$0xE], $0x40, s6, s14, $0xb8;
	[tilespmem:$0x1EE00] =	vst v63  }
0xcc: {  	s6 =	simm.s32 @!p1 $0xA  }
0xcd: {  	_ =	swait.ge @!p1 [sflag:s6], $0x2000  }
0xce: {  	[sflag:s6] =	ssyncset.done @!p1 $0x0  }
0xcf: {  	s1 =	sadd.s32 @!p1 $0x900, s1;
	[sflag:s6] =	ssyncadd.s32 @!p1 $0xFFFFE000;
	s6 =	simm.s32 @!p1 $0x7000  }
0xd0: {  	[tilespmem:s6], [sflag:$0x2] =	stream.indirect.gather @!p1 [hbm4b:s0+s14], $0x40, s1, s14, $0xb8;
	[tilespmem:$0x1EE00] =	vst v63  }
.Ltmp2:
0xd1: {  	_ = 	snop;
	(pc) =	sbr.rel @p1 .LBB2_4-.Ltmp2, $4  }
0xd2: {  	_ =	swait.ge [sflag:s28], $0x2000  }
0xd3: {  	[sflag:s28] =	ssyncset.done $0x0  }
0xd4: {  	s31 =	sadd.s32 $0x680, s9;
	s6 =	sadd.s32 $0x780, s9;
	[sflag:s28] =	ssyncadd.s32 $0xFFFFE000  }
0xd5: {  	[spmem:s4] =	stream.indirect.scatter.add.f32 [tilespmem:s29], [sflag:$0xF], $0x40, s31, s12, $0xb8;
	[tilespmem:$0x1EE00] =	vst v63  }
0xd6: {  	_ =	swait.ge [sflag:s3], $0x2000  }
0xd7: {  	[sflag:s3] =	ssyncset.done $0x0  }
0xd8: {  	s1 =	sadd.s32 $0xA00, s9;
	[sflag:s3] =	ssyncadd.s32 $0xFFFFE000  }
0xd9: {  	[tilespmem:s17], [sflag:$0x3] =	stream.indirect.gather [hbm4b:s0+s12], $0x40, s1, s12, $0xb8;
	[tilespmem:$0x1EE00] =	vst v63  }
0xda: {  	_ =	swait.ge [sflag:s30], $0x2000  }
0xdb: {  	[sflag:s30] =	ssyncset.done $0x0  }
0xdc: {  	[sflag:s30] =	ssyncadd.s32 $0xFFFFE000  }
0xdd: {  	[spmem:s4] =	stream.indirect.scatter.add.f32 [tilespmem:s23], [sflag:$0x10], $0x40, s6, s12, $0xb8;
	[tilespmem:$0x1EE00] =	vst v63  }
.Ltmp3:
0xde: {  	_ = 	snop;
	(pc) =	sbr.rel .LBB2_2-.Ltmp3, $4  }
0xdf: {  	_ =	swait.ge [sflag:s2], $0x2000  }
0xe0: {  	[sflag:s2] =	ssyncset.done $0x0  }
0xe1: {  	s31 =	sadd.s32 $0xB00, s9;
	s8 =	sadd.s32 $0x2000, s8;
	[sflag:s2] =	ssyncadd.s32 $0xFFFFE000  }
0xe2: {  	[tilespmem:s19], [sflag:$0x4] =	stream.indirect.gather [hbm4b:s0+s12], $0x40, s31, s12, $0xb8;
	[tilespmem:$0x1EE00] =	vst v63  }
.LBB2_5:
0xe3: {  	_ =	sfence.sel $0x180000  }
0xe4: {  	[bflag:$0x0] =	sbarrier.arrive $0xFFFF  }
0xe5: {  	_ =	strace $0x9000004A  }
0xe6: {  	s0 =	stileid.u32;
	[bflag:$0x2] =	sbarrier.arrive $0xFFFF  }
0xe7: {  	p0 =	sne.s32 s0, $0x0;
	s0 =	rddreg [dreg:$0x5]  }
0xe8: {  	s0 =	sadd.s32 @!p0 $0x100000, s0  }
0xe9: {  	[sflag:s0] =	ssyncadd.tile.s32 @!p0 $0x1;
	_ =	shalt  }
.Lfunc_end2:
_tile_overlayer_lowered:
.L_overlay_start_2:
0xea: {  	(tag) =	ssettag $0x2  }
0xeb: {  	s0 =	rddreg [dreg:$0x0];
	s2 =	stileid.u32  }
0xec: {  	s1 =	rddreg [dreg:$0x1];
	p0 =	sne.s32 s2, $0x0  }
0xed: {  	s3 =	rddreg [dreg:$0x2];
	[bflag:$0x3] =	sbarrier.arrive $0xFFFF;
	s2 =	simm.s32 @!p0 $0x1C11  }
0xee: {  	[timem:s3], [sflag:s2] =	dma.local @!p0 [hbm:s0], s1  }
0xef: {  	s0 =	simm.s32 @!p0 $0x11  }
0xf0: {  	_ =	swait.ge @!p0 [sflag:s0], s1  }
0xf1: {  	s1 =	ssub.s32 @!p0 $0x0, s1;
	[sflag:s0] =	ssyncset.done @!p0 $0x0  }
0xf2: {  	[sflag:s0] =	ssyncadd.s32 @!p0 s1  }
0xf3: {  	[bflag:$0x3] =	sbarrier.arrive $0xFFFF  }
0xf4: {  	_ =	shalt  }

// kernel: kernel.7.cloned.1.call-start
scs
__scs_entry_jumppad:
0x0: {  	(pc) =	sbr.rel $0x88, $3  }
0x1: {  	(tag) =	ssettag $0x0;
	lr =	simm.s32 $0x1  }
0x2: {  	[smem:$0x3F9B] =	sst lr;
	_ =	strace $0xD0000000  }
0x3: {  	_ = 	snop  }
0x4: {  	_ = 	snop  }
0x5: {  	_ = 	snop  }
0x6: {  	_ = 	snop  }
0x7: {  	_ = 	snop  }
__scs_overlays_trampoline_lowered:
0x8: {  	[smem:$0x3FAA] =	sst s0  }
0x9: {  	[smem:$0x3FAB] =	sst s1  }
0xa: {  	[smem:$0x3FAC] =	sst s2  }
0xb: {  	[smem:$0x3FAD] =	sst s3  }
0xc: {  	[smem:$0x3FAE] =	sst s4  }
0xd: {  	[smem:$0x3FAF] =	sst s5  }
0xe: {  	[smem:$0x3FB0] =	sst s6  }
0xf: {  	[smem:$0x3FB1] =	sst s7  }
0x10: {  	[smem:$0x3FB2] =	sst s8  }
0x11: {  	[smem:$0x3FB3] =	sst s9;
	s0 =	simm.s32 @!p0 $0x0  }
0x12: {  	s1 =	sld [smem:$0x3F99];
	s0 =	simm.s32 @p0 $0x1  }
0x13: {  	[smem:$0x3FB4] =	sst s0;
	s0 =	simm.s32 @!p1 $0x0  }
0x14: {  	s2 =	sld [smem:$0x3F98];
	s0 =	simm.s32 @p1 $0x1  }
0x15: {  	[smem:$0x3FB5] =	sst s0;
	s0 =	simm.s32 @!p2 $0x0  }
0x16: {  	s3 =	sld [smem:$0x3FDB];
	s0 =	simm.s32 @p2 $0x1  }
0x17: {  	s4 =	simm.s32 $0x1BF5;
	[smem:$0x3FB7] =	sst s0  }
0x18: {  	s0 =	sld [smem:$0x3F9A];
	_ =	swait.ge [sflag:s4], $0x0  }
0x19: {  	s7 =	sld [smem:$0x3F9B]  }
0x1a: {  	s8 =	sadd.s32 $0xFFFFE003, lr  }
0x1b: {  	s9 =	sadd.s32 $0xFFFFFEF7, lr;
	s5 =	simm.s32 $0xFFFFFFFF;
	p2 =	slt.u32 s8, $0xFFFFF086  }
0x1c: {  	p1 =	slt.u32 s9, $0xF7A;
	s5 =	simm.s32 @!p2 $0x0  }
0x1d: {  	s5 =	simm.s32 @p1 $0x1;
	p0 =	seq.s32 s7, s2  }
0x1e: {  	s7 =	smul.u32 @!p0 $0xF7A, s2;
	p2 =	seq.s32 @!p0 s5, $0x0  }
0x1f: {  	s9 =	smul.u32 $0xF7A, s1;
	s8 =	simm.s32 @!p0 $0x1BF5;
	p2 =	por !p2, p0  }
0x20: {  	[sflag:s8] =	ssyncset.s32 @!p0 $0xFFFFF086;
	s6 =	sadd.s32 @!p0 s3, s7;
	s7 =	simm.s32 @!p0 $0x108  }
0x21: {  	s3 =	sadd.s32 s3, s9;
	s6 =	sadd.s32 @!p0 $0x88, s6;
	s7 =	simm.s32 @p2 $0x1082  }
0x22: {  	[simem:s7], [sflag:s8] =	dma.local @!p0 [hbm:s6], $0xF7A  }
0x23: {  	s9 =	sor.u32 $0xD0000000, s2;
	s6 =	simm.s32 $0x108;
	_ =	swait.ge @!p0 [sflag:s8], $0x0  }
0x24: {  	s3 =	sadd.s32 $0x88, s3;
	s6 =	simm.s32 @!p1 $0x1082;
	[sflag:s4] =	ssyncset.s32 $0xFFFFF086  }
0x25: {  	[simem:s6], [sflag:s4] =	dma.local [hbm:s3], $0xF7A  }
0x26: {  	[smem:$0x3F9B] =	sst s1;
	(tag) =	ssettag s2;
	_ =	strace s9  }
0x27: {  	s1 =	sld [smem:$0x3FAB]  }
0x28: {  	s2 =	sld [smem:$0x3FAC]  }
0x29: {  	s4 =	sld [smem:$0x3FAE]  }
0x2a: {  	p0 =	seq.s32 s5, $0x0;
	s5 =	sld [smem:$0x3FAF]  }
0x2b: {  	s6 =	sld [smem:$0x3FB0]  }
0x2c: {  	s7 =	sld [smem:$0x3FB1]  }
0x2d: {  	s3 =	simm.s32 $0x108;
	s8 =	sld [smem:$0x3FB2]  }
0x2e: {  	s3 =	simm.s32 @!p0 $0x1082;
	s9 =	sld [smem:$0x3FB3]  }
0x2f: {  	lr =	sadd.s32 s0, s3;
	s0 =	sld [smem:$0x3FAA]  }
0x30: {  	s3 =	sld [smem:$0x3FAD]  }
0x31: {  	[smem:$0x3FB6] =	sst s10  }
0x32: {  	s10 =	sld [smem:$0x3FB4];
	_ =	sdelay $0x3  }
0x33: {  	p0 =	seq.s32 s10, $0x1;
	s10 =	sld [smem:$0x3FB6];
	_ =	sdelay $0x3  }
0x34: {  	[smem:$0x3FB6] =	sst s10  }
0x35: {  	s10 =	sld [smem:$0x3FB5];
	_ =	sdelay $0x3  }
0x36: {  	p1 =	seq.s32 s10, $0x1;
	s10 =	sld [smem:$0x3FB6];
	_ =	sdelay $0x3  }
0x37: {  	[smem:$0x3FB6] =	sst s10  }
0x38: {  	s10 =	sld [smem:$0x3FB7]  }
0x39: {  	_ = 	snop;
	(pc) =	sbr.ind lr, $3  }
0x3a: {  	_ = 	snop  }
0x3b: {  	_ = 	snop  }
0x3c: {  	p2 =	seq.s32 s10, $0x1;
	s10 =	sld [smem:$0x3FB6]  }
0x3d: {  	_ =	shalt  }
0x3e: {  	_ =	shalt  }
0x3f: {  	_ =	shalt  }
0x40: {  	_ =	shalt  }
0x41: {  	_ =	shalt  }
0x42: {  	_ =	shalt  }
0x43: {  	_ =	shalt  }
0x44: {  	_ =	shalt  }
0x45: {  	_ =	shalt  }
0x46: {  	_ =	shalt  }
0x47: {  	_ =	shalt  }
0x48: {  	_ =	shalt  }
0x49: {  	_ =	shalt  }
0x4a: {  	_ =	shalt  }
0x4b: {  	_ =	shalt  }
0x4c: {  	_ =	shalt  }
0x4d: {  	_ =	shalt  }
0x4e: {  	_ =	shalt  }
0x4f: {  	_ =	shalt  }
0x50: {  	_ =	shalt  }
0x51: {  	_ =	shalt  }
0x52: {  	_ =	shalt  }
0x53: {  	_ =	shalt  }
0x54: {  	_ =	shalt  }
0x55: {  	_ =	shalt  }
0x56: {  	_ =	shalt  }
0x57: {  	_ =	shalt  }
0x58: {  	_ =	shalt  }
0x59: {  	_ =	shalt  }
0x5a: {  	_ =	shalt  }
0x5b: {  	_ =	shalt  }
0x5c: {  	_ =	shalt  }
0x5d: {  	_ =	shalt  }
0x5e: {  	_ =	shalt  }
0x5f: {  	_ =	shalt  }
0x60: {  	_ =	shalt  }
0x61: {  	_ =	shalt  }
0x62: {  	_ =	shalt  }
0x63: {  	_ =	shalt  }
0x64: {  	_ =	shalt  }
0x65: {  	_ =	shalt  }
0x66: {  	_ =	shalt  }
0x67: {  	_ =	shalt  }
0x68: {  	_ =	shalt  }
0x69: {  	_ =	shalt  }
0x6a: {  	_ =	shalt  }
0x6b: {  	_ =	shalt  }
0x6c: {  	_ =	shalt  }
0x6d: {  	_ =	shalt  }
0x6e: {  	_ =	shalt  }
0x6f: {  	_ =	shalt  }
0x70: {  	_ =	shalt  }
0x71: {  	_ =	shalt  }
0x72: {  	_ =	shalt  }
0x73: {  	_ =	shalt  }
0x74: {  	_ =	shalt  }
0x75: {  	_ =	shalt  }
0x76: {  	_ =	shalt  }
0x77: {  	_ =	shalt  }
0x78: {  	_ =	shalt  }
0x79: {  	_ =	shalt  }
0x7a: {  	_ =	shalt  }
0x7b: {  	_ =	shalt  }
0x7c: {  	_ =	shalt  }
0x7d: {  	_ =	shalt  }
0x7e: {  	_ =	shalt  }
0x7f: {  	_ =	shalt  }
0x80: {  	_ =	shalt  }
0x81: {  	_ =	shalt  }
0x82: {  	_ =	shalt  }
0x83: {  	_ =	shalt  }
0x84: {  	_ =	shalt  }
0x85: {  	_ =	shalt  }
0x86: {  	_ =	shalt  }
0x87: {  	_ =	shalt  }
.Lfunc_end0:
.L_simem_size_0:
called_computation_lowered:
.L_overlay_start_0:
0x88: {  	s2 =	sld [smem:$0x3FD9]  }
0x89: {  	s3 =	sld [smem:$0x3FFE];
	_ =	sdelay $0x1  }
0x8a: {  	s1 =	srdreg.scid  }
0x8b: {  	s0 =	sand.u32 $0x1, s1  }
0x8c: {  	s15 =	sshll.u32 s0, $0xA;
	s2 =	sadd.s32 s3, s2  }
0x8d: {  	s2 =	sadd.s32 s2, s15  }
0x8e: {  	[smem:$0x3FC2] =	sst s2  }
0x8f: {  	_ = 	snop  }
0x90: {  	s2 =	sld [smem:$0x3FD0];
	_ =	sdelay $0x2  }
0x91: {  	s4 =	simm.s32 $0xA;
	s5 =	simm.s32 $0x10;
	s16 =	sld [smem:$0x3FC8]  }
0x92: {  	[smem:s5], [sflag:s4] =	dma.local [hbm:s2], $0x1  }
0x93: {  	_ =	swait.eq [sflag:s4], $0x1  }
0x94: {  	[sflag:s4] =	ssyncset.done $0x0  }
0x95: {  	[sflag:s4] =	ssyncadd.s32 $0xFFFFFFFF  }
0x96: {  	s17 =	sld [smem:$0x11];
	(tm) =	ssettm $0x1  }
0x97: {  	s18 =	sld [smem:$0x3FFB];
	_ =	sdelay $0x3  }
0x98: {  	_ =	strace s18  }
0x99: {  	s4 =	sld [smem:$0x3FFC];
	_ =	sdelay $0x3  }
0x9a: {  	_ =	strace s4  }
0x9b: {  	s4 =	sld [smem:$0x3FFD];
	_ =	sdelay $0x3  }
0x9c: {  	_ =	strace s4  }
0x9d: {  	_ =	strace $0x8FFFFFFF  }
0x9e: {  	s19 =	sld [smem:$0x3FDB];
	_ =	sdelay $0x1  }
0x9f: {  	s20 =	simm.s32 $_scs_section_size  }
0xa0: {  	s6 =	simm.s32 $_size__tile_overlayer_lowered;
	s7 =	simm.s32 $_tile_overlayer_lowered  }
0xa1: {  	s23 =	simm.s32 $0x1BFF;
	s22 =	sshll.u32 s7, $0x1;
	s4 =	sadd.s32 s20, s19  }
0xa2: {  	s8 =	simm.s32 $0x0;
	s21 =	sshll.u32 s6, $0x1;
	s6 =	sadd.s32 s22, s4  }
0xa3: {  	[timem:s8], [sflag:s23] =	dma.local [hbm:s6], s21  }
0xa4: {  	_ =	swait.ge [sflag:s23], s21  }
0xa5: {  	s5 =	ssub.s32 $0x0, s21;
	[sflag:s23] =	ssyncset.done $0x0  }
0xa6: {  	[sflag:s23] =	ssyncadd.s32 s5;
	_ =	sdelay $0x1  }
0xa7: {  	s24 =	simm.s32 $0x1B8B  }
0xa8: {  	_ =	swait.ge [sflag:s24], $0x1  }
0xa9: {  	[sflag:s24] =	ssyncset.done $0x0  }
0xaa: {  	s25 =	simm.s32 $0x1B8E;
	[sflag:s24] =	ssyncadd.s32 $0xFFFFFFFF  }
0xab: {  	s26 =	simm.s32 $execute0_lowered;
	[smem:$0x3FD2] =	sst s25  }
0xac: {  	s5 =	sshll.u32 s26, $0x1;
	_ =	strace $0x80000046;
	[dreg:$0x1] =	wrdreg $0xFFFFFFFF  }
0xad: {  	s28 =	simm.s32 $_size_execute0_lowered;
	s4 =	sadd.s32 s4, s5;
	[dreg:$0x0] =	wrdreg $0x0  }
0xae: {  	s5 =	sshll.u32 s28, $0x1;
	[dreg:$0x2] =	wrdreg s4  }
0xaf: {  	[dreg:$0x3] =	wrdreg s5  }
0xb0: {  	[dreg:$0x4] =	wrdreg $0xC0  }
0xb1: {  	_ =	task [dreg:s8], $0x5FFFF  }
0xb2: {  	[dreg:$0x1] =	wrdreg $0xFFFFFFFF  }
0xb3: {  	[dreg:$0x0] =	wrdreg $0x60  }
0xb4: {  	[dreg:$0x2] =	wrdreg s16  }
0xb5: {  	[dreg:$0x3] =	wrdreg s17  }
0xb6: {  	[dreg:$0x4] =	wrdreg $0x9  }
0xb7: {  	_ =	task.clear_ibuf [dreg:s8], $0x5FFFF;
	_ =	strace $0x90000046  }
0xb8: {  	s29 =	simm.s32 $0x9;
	_ =	strace $0x80000048  }
0xb9: {  	_ =	swait.ge [sflag:s29], $0x1  }
0xba: {  	[sflag:s29] =	ssyncadd.s32 $0xFFFFFFFF  }
0xbb: {  	_ =	strace $0x90000048  }
0xbc: {  	_ =	sfence  }
0xbd: {  	s30 =	sld [smem:$0x0];
	_ =	sdelay $0x2  }
0xbe: {  	s31 =	sshll.u32 s1, $0xD;
	s1 =	sshrl.u32 s1, $0x2  }
0xbf: {  	s3 =	sand.u32 $0x4000, s31;
	s1 =	sadd.s32 s1, s30  }
0xc0: {  	s0 =	sor.u32 s3, s0;
	s1 =	sshll.u32 s1, $0x11  }
0xc1: {  	s0 =	sor.u32 s1, s0  }
0xc2: {  	s0 =	sadd.s32 $0x8F2B, s0  }
0xc3: {  	[sflag:s0] =	ssyncadd.remote.s32 $0x1  }
0xc4: {  	_ =	sfence.sel $0xFFFF  }
0xc5: {  	[dreg:$0x0] =	wrdreg $0xFFFFFFFF;
	(pc) =	sbr.abs _section_cstart, $3  }
0xc6: {  	[dreg:$0x1] =	wrdreg $0xFFFFFFFF  }
0xc7: {  	_ =	task.clear_ibuf [dreg:s8], $0x2FFFF;
	_ =	strace $0x9FFFFFFF  }
0xc8: {  	(tm) =	ssettm $0x7FFFFFFF  }
0xc9: {  	_ =	shalt  }
tec
execute0_lowered:
.L_overlay_start_1:
0x0: {  	(tag) =	ssettag $0x1  }
0x1: {  	s0 =	srdreg.scid;
	s4 =	rddreg [dreg:$0x0]  }
0x2: {  	s6 =	rddreg [dreg:$0x1];
	s3 =	sand.u32 $0x1, s0  }
0x3: {  	s2 =	simm.s32 $0x0;
	s0 =	stileid.u32;
	s1 =	sshll.u32 s3, $0x4  }
0x4: {  	[smem:$0x7FF] =	sst s2;
	s7 =	sor.u32 s0, s1  }
0x5: {  	s29 =	ssub.s32 $0x2, s3;
	s1 =	rddreg [dreg:$0x2];
	s5 =	smul.u32 $0x4E, s7  }
0x6: {  	s31 =	sshrl.u32 s29, $0x1;
	_ =	strace $0x80000047;
	s8 =	smin.u32 s7, $0x4  }
0x7: {  	s9 =	smul.u32 $0x4F0, s7;
	p0 =	slt.u32 s7, $0x4;
	s5 =	sadd.s32 s8, s5  }
0x8: {  	s7 =	simm.s32 $0x1;
	s8 =	ssub.s32 s29, s31;
	s30 =	sshll.u32 s5, $0x5  }
0x9: {  	s5 =	sadd.s32 s6, s9;
	s6 =	smax.u32 s8, $0x1;
	s3 =	sadd.s32 s4, s30  }
0xa: {  	v0 =	vimm.f32 $0.0e+00;
	v1 =	vimm.f32 $1.000000000e+00;
	s8 =	simm.s32 $0x5000;
	s9 =	simm.s32 $0x0;
	s4 =	sadd.s32 $0x9C0, s3  }
.LBB2_1:
0xb: {  	[tilespmem:s2], [sflag:$0x1] =	stream.linear.gather [hbm4b:s3+s2], $0x4E00, $0x38;
	[tilespmem:$0x7780] =	vst v63  }
0xc: {  	_ =	swait.ge [sflag:s7], $0x4E00  }
0xd: {  	[sflag:s7] =	ssyncset.done $0x0  }
0xe: {  	s10 =	simm.s32 @p0 $0x0;
	s11 =	simm.s32 @p0 $0x4E00;
	[sflag:s7] =	ssyncadd.s32 $0xFFFFB200  }
0xf: {  	[tilespmem:s11], [sflag:$0x1] =	stream.linear.gather @p0 [hbm4b:s4+s10], $0x100, $0x38;
	[tilespmem:$0x7780] =	vst v63  }
0x10: {  	s10 =	simm.s32 @p0 $0x1  }
0x11: {  	_ =	swait.ge @p0 [sflag:s10], $0x100  }
0x12: {  	v2 =	vlaneseq.u32 @p0;
	[sflag:s10] =	ssyncset.done @p0 $0x0  }
0x13: {  	v3 =	vor.u32 @p0 $0x2710, v2;
	[sflag:s10] =	ssyncadd.s32 @p0 $0xFFFFFF00  }
0x14: {  	v4 =	vor.u32 @p0 $0x2720, v2;
	[tilespmem:$0x4F80] =	vst @p0 v3  }
0x15: {  	[tilespmem:$0x4F90] =	vst @p0 v4  }
0x16: {  	v4 =	vor.u32 @p0 $0x2730, v2;
	[tilespmem:$0x4FF0] =	vst @p0 v3  }
0x17: {  	[tilespmem:$0x4FA0] =	vst @p0 v4;
	v4 =	vor.u32 @p0 $0x2740, v2  }
0x18: {  	[tilespmem:$0x4FB0] =	vst @p0 v4;
	v4 =	vor.u32 @p0 $0x2750, v2  }
0x19: {  	[tilespmem:$0x4FC0] =	vst @p0 v4;
	v4 =	vor.u32 @p0 $0x2760, v2;
	v2 =	vor.u32 @p0 $0x2770, v2  }
0x1a: {  	[tilespmem:$0x4FE0] =	vst @p0 v2;
	v2 =	vlaneseq.u32 @!p0  }
0x1b: {  	[tilespmem:$0x4FD0] =	vst @p0 v4;
	v3 =	vor.u32 @!p0 $0x2710, v2  }
0x1c: {  	[tilespmem:$0x4F80] =	vst @!p0 v3  }
0x1d: {  	v4 =	vor.u32 @!p0 $0x2720, v2;
	[tilespmem:$0x4E80] =	vst @!p0 v3  }
0x1e: {  	[tilespmem:$0x4F90] =	vst @!p0 v4  }
0x1f: {  	[tilespmem:$0x4E90] =	vst @!p0 v4  }
0x20: {  	[tilespmem:$0x4FF0] =	vst @!p0 v3  }
0x21: {  	v4 =	vor.u32 @!p0 $0x2730, v2;
	[tilespmem:$0x4EF0] =	vst @!p0 v3  }
0x22: {  	[tilespmem:$0x4FA0] =	vst @!p0 v4  }
0x23: {  	[tilespmem:$0x4EA0] =	vst @!p0 v4;
	v4 =	vor.u32 @!p0 $0x2740, v2  }
0x24: {  	[tilespmem:$0x4FB0] =	vst @!p0 v4  }
0x25: {  	[tilespmem:$0x4EB0] =	vst @!p0 v4;
	v4 =	vor.u32 @!p0 $0x2750, v2  }
0x26: {  	[tilespmem:$0x4FC0] =	vst @!p0 v4  }
0x27: {  	[tilespmem:$0x4EC0] =	vst @!p0 v4;
	v4 =	vor.u32 @!p0 $0x2760, v2  }
0x28: {  	[tilespmem:$0x4FD0] =	vst @!p0 v4  }
0x29: {  	v2 =	vor.u32 @!p0 $0x2770, v2;
	[tilespmem:$0x4ED0] =	vst @!p0 v4  }
0x2a: {  	[tilespmem:$0x4FE0] =	vst @!p0 v2  }
0x2b: {  	s10 =	simm.s32 $0x0;
	[tilespmem:$0x4EE0] =	vst @!p0 v2  }
.LBB2_2:
0x2c: {  	p1 =	sne.s32 s10, $0x9DC0  }
.Ltmp0:
0x2d: {  	_ = 	snop;
	(pc) =	sbr.rel @p1 .LBB2_2-.Ltmp0, $3  }
0x2e: {  	_ =	sdelay $0x1  }
0x2f: {  	s11 =	sshra.s32 s10, $0x2  }
0x30: {  	s10 =	sadd.s32 $0x40, s10;
	[tilespmem:s11+$0x5000] =	vst v0  }
0x31: {  	s10 =	simm.s32 $0x3C0  }
.LBB2_4:
0x32: {  	s11 =	sshra.s32 s10, $0x2  }
0x33: {  	v2 =	vld [tilespmem:s11+$0xFFFFFF90];
	_ =	sdelay $0x7  }
0x34: {  	[tilespmem:v2+s8+$0x0] =	vst.idx.add.f32.msk $0xffff, v1  }
0x35: {  	v2 =	vld [tilespmem:s11+$0xFFFFFFA0];
	_ =	sdelay $0x7  }
0x36: {  	[tilespmem:v2+s8+$0x0] =	vst.idx.add.f32.msk $0xffff, v1  }
0x37: {  	v2 =	vld [tilespmem:s11+$0xFFFFFFB0];
	_ =	sdelay $0x7  }
0x38: {  	[tilespmem:v2+s8+$0x0] =	vst.idx.add.f32.msk $0xffff, v1  }
0x39: {  	v2 =	vld [tilespmem:s11+$0xFFFFFFC0];
	_ =	sdelay $0x7  }
0x3a: {  	[tilespmem:v2+s8+$0x0] =	vst.idx.add.f32.msk $0xffff, v1  }
0x3b: {  	v2 =	vld [tilespmem:s11+$0xFFFFFFD0];
	_ =	sdelay $0x7  }
0x3c: {  	[tilespmem:v2+s8+$0x0] =	vst.idx.add.f32.msk $0xffff, v1  }
0x3d: {  	v2 =	vld [tilespmem:s11+$0xFFFFFFE0];
	_ =	sdelay $0x7  }
0x3e: {  	[tilespmem:v2+s8+$0x0] =	vst.idx.add.f32.msk $0xffff, v1  }
0x3f: {  	v2 =	vld [tilespmem:s11+$0xFFFFFFF0];
	_ =	sdelay $0x7  }
0x40: {  	[tilespmem:v2+s8+$0x0] =	vst.idx.add.f32.msk $0xffff, v1  }
0x41: {  	v2 =	vld [tilespmem:s11+$0x0];
	_ =	sdelay $0x2  }
0x42: {  	p1 =	sne.s32 s10, $0x13FC0  }
.Ltmp1:
0x43: {  	_ = 	snop;
	(pc) =	sbr.rel @p1 .LBB2_4-.Ltmp1, $2  }
0x44: {  	_ =	sdelay $0x2  }
0x45: {  	s10 =	sadd.s32 $0x400, s10;
	[tilespmem:v2+s8+$0x0] =	vst.idx.add.f32.msk $0xffff, v1  }
0x46: {  	s9 =	sadd.s32 $0x1, s9  }
0x47: {  	p1 =	sne.s32 s9, s6  }
.Ltmp2:
0x48: {  	_ = 	snop;
	(pc) =	sbr.rel @p1 .LBB2_1-.Ltmp2, $4  }
0x49: {  	[hbm4b:s5+s2] =	stream.linear.scatter [tilespmem:s8], [sflag:$0x1], $0x2780, $0x38;
	[tilespmem:$0x7780] =	vst v63  }
0x4a: {  	_ =	swait.ge [sflag:s7], $0x2780  }
0x4b: {  	[sflag:s7] =	ssyncset.done $0x0  }
0x4c: {  	[sflag:s7] =	ssyncadd.s32 $0xFFFFD880  }
0x4d: {  	_ =	sfence.sel $0x180000  }
0x4e: {  	[bflag:$0x0] =	sbarrier.arrive $0xFFFF  }
0x4f: {  	p0 =	sne.s32 s0, $0x0;
	_ =	strace $0x90000047  }
0x50: {  	s0 =	sadd.s32 @!p0 $0x100000, s1;
	[bflag:$0x2] =	sbarrier.arrive $0xFFFF  }
0x51: {  	[sflag:s0] =	ssyncadd.tile.s32 @!p0 $0x1;
	_ =	shalt  }
.Lfunc_end2:
_tile_overlayer_lowered:
.L_overlay_start_2:
0x52: {  	(tag) =	ssettag $0x2  }
0x53: {  	s0 =	rddreg [dreg:$0x0];
	s2 =	stileid.u32  }
0x54: {  	s1 =	rddreg [dreg:$0x1];
	p0 =	sne.s32 s2, $0x0  }
0x55: {  	s3 =	rddreg [dreg:$0x2];
	[bflag:$0x3] =	sbarrier.arrive $0xFFFF;
	s2 =	simm.s32 @!p0 $0x1C01  }
0x56: {  	[timem:s3], [sflag:s2] =	dma.local @!p0 [hbm:s0], s1  }
0x57: {  	s0 =	simm.s32 @!p0 $0x1  }
0x58: {  	_ =	swait.ge @!p0 [sflag:s0], s1  }
0x59: {  	s1 =	ssub.s32 @!p0 $0x0, s1;
	[sflag:s0] =	ssyncset.done @!p0 $0x0  }
0x5a: {  	[sflag:s0] =	ssyncadd.s32 @!p0 s1  }
0x5b: {  	[bflag:$0x3] =	sbarrier.arrive $0xFFFF  }
0x5c: {  	_ =	shalt  }

</sc_bundles>
